<compile_context>
chip_gen: v7x
topology: tpu7x:2x2x1
jax: 0.10.2.dev20260603
libtpu: 0.0.44.dev20260713+nightly
codegen_flags: <defaults>
</compile_context>

<pallas_src>
import functools

import jax
import jax.numpy as jnp
from jax import lax
from jax.experimental import pallas as pl
from jax.experimental.pallas import tpu as pltpu
from jax.experimental.pallas import tpu_sc as plsc

N = 10000
E = 320000
D = 128

NC = 2
NS = 16
NW = NC * NS

CH = 128
NCHUNK = 80
EPT = NCHUNK * CH
E_PAD = NW * EPT
ACC_ROWS = 10240
ROWS_PER_TILE = ACC_ROWS // NS
ZCH = 128

BN = 1000
NBLK = N // BN

_mesh = plsc.VectorSubcoreMesh(core_axis_name="c", subcore_axis_name="s")


def _deg_body(dst_hbm, out_hbm, dst_v, hist_v, ones_v):
    c = lax.axis_index("c")
    s = lax.axis_index("s")
    wid = c * NS + s

    def zero_hist(i, _):
        hist_v[pl.ds(i * 16, 16)] = jnp.zeros((16,), jnp.float32)
        return 0

    lax.fori_loop(0, ACC_ROWS // 16, zero_hist, 0)
    ones_v[...] = jnp.ones((16,), jnp.float32)
    pltpu.sync_copy(dst_hbm.at[pl.ds(wid * EPT, EPT)], dst_v)

    def lane(i, _):
        idx = dst_v[pl.ds(i * 16, 16)]
        plsc.addupdate_scatter(hist_v, [idx], ones_v[...])
        return 0

    lax.fori_loop(0, EPT // 16, lane, 0)
    pltpu.sync_copy(hist_v, out_hbm.at[wid])


_deg_kernel = functools.partial(
    pl.kernel,
    out_type=jax.ShapeDtypeStruct((NW, ACC_ROWS), jnp.float32),
    mesh=_mesh,
    compiler_params=pltpu.CompilerParams(needs_layout_passes=False),
    scratch_types=[
        pltpu.VMEM((EPT,), jnp.int32),
        pltpu.VMEM((ACC_ROWS,), jnp.float32),
        pltpu.VMEM((16,), jnp.float32),
    ],
)(_deg_body)


def _scatter_body(idx_hbm, m_hbm, out_hbm,
                  acc_sh, idx0, idx1, rows0, rows1,
                  ixsem0, ixsem1, gsem0, gsem1, ssem0, ssem1):
    c = lax.axis_index("c")
    s = lax.axis_index("s")
    wid = c * NS + s

    def zrow(i, _):
        def zlane(l, _):
            rows0[i, pl.ds(l * 16, 16)] = jnp.zeros((16,), jnp.float32)
            return 0
        lax.fori_loop(0, D // 16, zlane, 0)
        return 0

    lax.fori_loop(0, ZCH, zrow, 0)

    def zcopy(i, _):
        pltpu.sync_copy(
            rows0.at[pl.ds(0, ZCH)],
            acc_sh.at[pl.ds((s * (ACC_ROWS // NS)) + i * ZCH, ZCH)])
        return 0

    lax.fori_loop(0, (ACC_ROWS // NS) // ZCH, zcopy, 0)
    plsc.subcore_barrier()

    def idxfetch(j, idxb, ixsem):
        pltpu.async_copy(idx_hbm.at[wid, j], idxb, ixsem)

    def wait_idx(idxb, ixsem):
        pltpu.make_async_copy(idx_hbm.at[wid, 0], idxb, ixsem).wait()

    def gather(idxb, rows, gsem):
        pltpu.async_copy(m_hbm.at[idxb.at[0]], rows, gsem)

    def wait_gather(rows, gsem):
        pltpu.make_async_copy(m_hbm.at[pl.ds(0, CH)], rows, gsem).wait()

    def scatter(idxb, rows, ssem):
        pltpu.async_copy(rows, acc_sh.at[idxb.at[1]], ssem, add=True)

    def wait_scatter(rows, ssem):
        pltpu.make_async_copy(m_hbm.at[pl.ds(0, CH)], rows, ssem).wait()

    idxfetch(0, idx0, ixsem0)
    idxfetch(1, idx1, ixsem1)
    wait_idx(idx0, ixsem0)
    gather(idx0, rows0, gsem0)
    wait_idx(idx1, ixsem1)
    gather(idx1, rows1, gsem1)

    def pipe(jj, _):
        j0 = 2 * jj
        wait_gather(rows0, gsem0)
        scatter(idx0, rows0, ssem0)
        wait_scatter(rows0, ssem0)
        idxfetch(j0 + 2, idx0, ixsem0)
        wait_idx(idx0, ixsem0)
        gather(idx0, rows0, gsem0)

        wait_gather(rows1, gsem1)
        scatter(idx1, rows1, ssem1)
        wait_scatter(rows1, ssem1)
        idxfetch(j0 + 3, idx1, ixsem1)
        wait_idx(idx1, ixsem1)
        gather(idx1, rows1, gsem1)
        return 0

    lax.fori_loop(0, NCHUNK // 2 - 1, pipe, 0)
    wait_gather(rows0, gsem0)
    scatter(idx0, rows0, ssem0)
    wait_scatter(rows0, ssem0)
    wait_gather(rows1, gsem1)
    scatter(idx1, rows1, ssem1)
    wait_scatter(rows1, ssem1)

    plsc.subcore_barrier()
    pltpu.sync_copy(acc_sh.at[pl.ds(s * ROWS_PER_TILE, ROWS_PER_TILE)],
                    out_hbm.at[c, pl.ds(s * ROWS_PER_TILE, ROWS_PER_TILE)])


_scatter_kernel = functools.partial(
    pl.kernel,
    out_type=jax.ShapeDtypeStruct((NC, ACC_ROWS, D), jnp.float32),
    mesh=_mesh,
    compiler_params=pltpu.CompilerParams(needs_layout_passes=False),
    scratch_types=[
        pltpu.VMEM_SHARED((ACC_ROWS, D), jnp.float32),
        pltpu.VMEM((2, CH), jnp.int32),
        pltpu.VMEM((2, CH), jnp.int32),
        pltpu.VMEM((CH, D), jnp.float32),
        pltpu.VMEM((CH, D), jnp.float32),
        pltpu.SemaphoreType.DMA,
        pltpu.SemaphoreType.DMA,
        pltpu.SemaphoreType.DMA,
        pltpu.SemaphoreType.DMA,
        pltpu.SemaphoreType.DMA,
        pltpu.SemaphoreType.DMA,
    ],
)(_scatter_body)


def _prep_body(deg_ref, x_ref, w_ref, m_ref, dinv_ref):
    deg = jnp.sum(deg_ref[...], axis=1) + 1.0
    dinv = lax.rsqrt(deg)
    h = jnp.dot(x_ref[...], w_ref[...], preferred_element_type=jnp.float32)
    m_ref[...] = h * dinv[:, None]
    dinv_ref[...] = dinv[:, None]


_prep_kernel = pl.pallas_call(
    _prep_body,
    grid=(NBLK,),
    in_specs=[
        pl.BlockSpec((BN, NW), lambda i: (i, 0)),
        pl.BlockSpec((BN, D), lambda i: (i, 0)),
        pl.BlockSpec((D, D), lambda i: (0, 0)),
    ],
    out_specs=[
        pl.BlockSpec((BN, D), lambda i: (i, 0)),
        pl.BlockSpec((BN, 1), lambda i: (i, 0)),
    ],
    out_shape=[
        jax.ShapeDtypeStruct((N, D), jnp.float32),
        jax.ShapeDtypeStruct((N, 1), jnp.float32),
    ],
)


def _combine_body(p_ref, m_ref, dinv_ref, b_ref, w_ref, m2_ref):
    y = (p_ref[0] + p_ref[1] + m_ref[...]) * dinv_ref[...] + b_ref[...]
    r = jnp.maximum(y, 0.0)
    h = jnp.dot(r, w_ref[...], preferred_element_type=jnp.float32)
    m2_ref[...] = h * dinv_ref[...]


_combine_kernel = pl.pallas_call(
    _combine_body,
    grid=(NBLK,),
    in_specs=[
        pl.BlockSpec((NC, BN, D), lambda i: (0, i, 0)),
        pl.BlockSpec((BN, D), lambda i: (i, 0)),
        pl.BlockSpec((BN, 1), lambda i: (i, 0)),
        pl.BlockSpec((1, D), lambda i: (0, 0)),
        pl.BlockSpec((D, D), lambda i: (0, 0)),
    ],
    out_specs=pl.BlockSpec((BN, D), lambda i: (i, 0)),
    out_shape=jax.ShapeDtypeStruct((N, D), jnp.float32),
)


def _final_body(p_ref, m_ref, dinv_ref, b_ref, wg1_ref, bg1_ref,
                wg2_ref, bg2_ref, gamma_ref, beta_ref, out_ref, acc_ref):
    i = pl.program_id(0)
    y = (p_ref[0] + p_ref[1] + m_ref[...]) * dinv_ref[...] + b_ref[...]
    part = jnp.sum(y.reshape(BN // 8, 8, D), axis=0)

    @pl.when(i == 0)
    def _():
        acc_ref[...] = jnp.zeros_like(acc_ref)

    acc_ref[...] += part

    @pl.when(i == NBLK - 1)
    def _():
        g = jnp.sum(acc_ref[...], axis=0, keepdims=True) * (1.0 / N)
        z = jnp.maximum(
            jnp.dot(g, wg1_ref[...], preferred_element_type=jnp.float32)
            + bg1_ref[...], 0.0)
        z = jnp.dot(z, wg2_ref[...], preferred_element_type=jnp.float32) \
            + bg2_ref[...]
        mu = jnp.mean(z, axis=-1, keepdims=True)
        zc = z - mu
        var = jnp.mean(zc * zc, axis=-1, keepdims=True)
        out_ref[...] = zc * lax.rsqrt(var + 1e-5) * gamma_ref[...] \
            + beta_ref[...]


_final_kernel = pl.pallas_call(
    _final_body,
    grid=(NBLK,),
    in_specs=[
        pl.BlockSpec((NC, BN, D), lambda i: (0, i, 0)),
        pl.BlockSpec((BN, D), lambda i: (i, 0)),
        pl.BlockSpec((BN, 1), lambda i: (i, 0)),
        pl.BlockSpec((1, D), lambda i: (0, 0)),
        pl.BlockSpec((D, D), lambda i: (0, 0)),
        pl.BlockSpec((1, D), lambda i: (0, 0)),
        pl.BlockSpec((D, D), lambda i: (0, 0)),
        pl.BlockSpec((1, D), lambda i: (0, 0)),
        pl.BlockSpec((1, D), lambda i: (0, 0)),
        pl.BlockSpec((1, D), lambda i: (0, 0)),
    ],
    out_specs=pl.BlockSpec((1, D), lambda i: (0, 0)),
    out_shape=jax.ShapeDtypeStruct((1, D), jnp.float32),
    scratch_shapes=[pltpu.VMEM((8, D), jnp.float32)],
)


def kernel(node_features, edge_index, W1, b1, W2, b2, W3, b3,
           Wg1, bg1, Wg2, bg2, gamma, beta):
    src = jnp.concatenate(
        [edge_index[0], jnp.zeros((E_PAD - E,), jnp.int32)])
    dst = jnp.concatenate(
        [edge_index[1], jnp.full((E_PAD - E,), N, jnp.int32)])

    deg_t = _deg_kernel(dst).T[:N]
    idx4 = jnp.stack([src.reshape(NW, NCHUNK, CH),
                      dst.reshape(NW, NCHUNK, CH)], axis=2)

    m1, dinv = _prep_kernel(deg_t, node_features, W1)
    p1 = _scatter_kernel(idx4, m1)[:, :N]
    m2 = _combine_kernel(p1, m1, dinv, b1.reshape(1, D), W2)
    p2 = _scatter_kernel(idx4, m2)[:, :N]
    m3 = _combine_kernel(p2, m2, dinv, b2.reshape(1, D), W3)
    p3 = _scatter_kernel(idx4, m3)[:, :N]
    z = _final_kernel(p3, m3, dinv, b3.reshape(1, D),
                      Wg1, bg1.reshape(1, D), Wg2, bg2.reshape(1, D),
                      gamma.reshape(1, D), beta.reshape(1, D))
    return z

# --- scband reference (transcript-rebuilt; emitter-appended) ---
"""Pipeline reference for scband-graph-neural-reasoner-10806137717190 (READ-ONLY COPY).

The authoritative reference and input builder live on the scoring server;
editing this copy changes nothing except your own understanding.
"""

import jax, jax.numpy as jnp
import numpy as np

N = 10000
E = 320000
D = 128

def setup_inputs(seed: int = 0) -> dict:
    key = jax.random.key(seed)
    ks = jax.random.split(key, 16)
    s = 1.0 / np.sqrt(D)
    x = jax.random.normal(ks[0], (N, D), dtype=jnp.float32)
    edge_index = jax.random.randint(ks[1], (2, E), 0, N, dtype=jnp.int32)
    W1 = jax.random.normal(ks[2], (D, D), dtype=jnp.float32) * s
    b1 = jnp.zeros((D,), dtype=jnp.float32)
    W2 = jax.random.normal(ks[3], (D, D), dtype=jnp.float32) * s
    b2 = jnp.zeros((D,), dtype=jnp.float32)
    W3 = jax.random.normal(ks[4], (D, D), dtype=jnp.float32) * s
    b3 = jnp.zeros((D,), dtype=jnp.float32)
    Wg1 = jax.random.normal(ks[5], (D, D), dtype=jnp.float32) * s
    bg1 = jnp.zeros((D,), dtype=jnp.float32)
    Wg2 = jax.random.normal(ks[6], (D, D), dtype=jnp.float32) * s
    bg2 = jnp.zeros((D,), dtype=jnp.float32)
    gamma = jnp.ones((D,), dtype=jnp.float32)
    beta = jnp.zeros((D,), dtype=jnp.float32)
    return {"node_features": x, "edge_index": edge_index, "W1": W1, "b1": b1, "W2": W2, "b2": b2, "W3": W3, "b3": b3, "Wg1": Wg1, "bg1": bg1, "Wg2": Wg2, "bg2": bg2, "gamma": gamma, "beta": beta}

def _gcn_conv(x, edge_index, W, b):
    n = x.shape[0]
    loop = jnp.arange(n, dtype=edge_index.dtype)
    src = jnp.concatenate([edge_index[0], loop])
    dst = jnp.concatenate([edge_index[1], loop])
    h = x @ W
    ones = jnp.ones(src.shape[0], dtype=x.dtype)
    deg = jax.ops.segment_sum(ones, dst, num_segments=n)
    dinv = jnp.where(deg > 0, 1.0 / jnp.sqrt(deg), 0.0)
    norm = dinv[src] * dinv[dst]
    msgs = h[src] * norm[:, None]
    out = jax.ops.segment_sum(msgs, dst, num_segments=n)
    return out + b

def reference(node_features, edge_index, W1, b1, W2, b2, W3, b3, Wg1, bg1, Wg2, bg2, gamma, beta):
    h = jax.nn.relu(_gcn_conv(node_features, edge_index, W1, b1))
    h = jax.nn.relu(_gcn_conv(h, edge_index, W2, b2))
    h = _gcn_conv(h, edge_index, W3, b3)
    g = jnp.mean(h, axis=0, keepdims=True)
    z = jax.nn.relu(g @ Wg1 + bg1)
    z = z @ Wg2 + bg2
    mu = jnp.mean(z, axis=-1, keepdims=True)
    var = jnp.var(z, axis=-1, keepdims=True)
    z = (z - mu) / jnp.sqrt(var + 1e-5) * gamma + beta
    return z

if __name__ == "__main__":
    import jax
    _d = setup_inputs()
    print(jax.jit(kernel)(*tuple(_d.values())))

</pallas_src>

<mosaic_0001>
#map = affine_map<(d0, d1) -> (0)>
#map1 = affine_map<(d0, d1) -> (0, 0)>
module attributes {stable_mosaic.version = 14 : i64} {
  func.func @_deg_body(%arg0: i32, %arg1: i32, %arg2: memref<327680xi32, #tpu.memory_space<hbm>>, %arg3: memref<32x10240xf32, #tpu.memory_space<hbm>>, %arg4: memref<10240xi32, #tpu.memory_space<vmem>>, %arg5: memref<10240xf32, #tpu.memory_space<vmem>>, %arg6: memref<16xf32, #tpu.memory_space<vmem>>) attributes {dimension_semantics = [#tpu.dimension_semantics<core_parallel>, #tpu.dimension_semantics<subcore_parallel>], iteration_bounds = array<i64: 2, 16>, scalar_prefetch = 0 : i64, scratch_operands = 3 : i64, tpu.core_type = #tpu.core_type<sc_vector_subcore>, window_params = [{transform_indices = #map}, {transform_indices = #map1}]} {
    %mul3A = arith.constant 16 : i32
    %mul3A_0 = arith.muli %arg0, %mul3A : i32
    %add3A = arith.addi %mul3A_0, %arg1 : i32
    %scan3A = arith.constant 0 : i32
    %scan3A_1 = arith.constant 0 : i32
    %scan3A_2 = arith.constant 640 : i32
    %scan3A_3 = arith.addi %scan3A_1, %scan3A_2 : i32
    %scan3A_4 = arith.constant 1 : i32
    %scan3A_5 = scf.for %scan3A_18 = %scan3A_1 to %scan3A_3 step %scan3A_4 iter_args(%scan3A_19 = %scan3A) -> (i32)  : i32 {
      %broadcast_in_dim3A_20 = arith.constant 0.000000e+00 : f32
      %broadcast_in_dim3A_21 = vector.broadcast %broadcast_in_dim3A_20 : f32 to vector<16xf32>
      %mul3A_22 = arith.constant 16 : i32
      %mul3A_23 = arith.muli %scan3A_18, %mul3A_22 : i32
      %swap3A_24 = arith.index_cast %mul3A_23 : i32 to index
      %swap3A_25 = tpu.vector_load %arg5[%swap3A_24] {strides = array<i32>} : memref<10240xf32, #tpu.memory_space<vmem>>, vector<16xf32>,
      tpu.vector_store %arg5[%swap3A_24], %broadcast_in_dim3A_21 {strides = array<i32>} : memref<10240xf32, #tpu.memory_space<vmem>>, vector<16xf32>,
      %scan3A_26 = arith.constant 0 : i32
      scf.yield %scan3A_26 : i32
    }
    %scan3A_6 = arith.constant 640 : i32
    %broadcast_in_dim3A = arith.constant 1.000000e+00 : f32
    %broadcast_in_dim3A_7 = vector.broadcast %broadcast_in_dim3A : f32 to vector<16xf32>
    %swap3A = arith.constant 0 : index
    %swap3A_8 = tpu.vector_load %arg6[%swap3A] {strides = array<i32>} : memref<16xf32, #tpu.memory_space<vmem>>, vector<16xf32>,
    tpu.vector_store %arg6[%swap3A], %broadcast_in_dim3A_7 {strides = array<i32>} : memref<16xf32, #tpu.memory_space<vmem>>, vector<16xf32>,
    %mul3A_9 = arith.constant 10240 : i32
    %mul3A_10 = arith.muli %add3A, %mul3A_9 : i32
    "tpu.region"() ({
      %run_scoped3A = tpu.sem_alloc : memref<!tpu.dma_semaphore, #tpu.memory_space<semaphore_mem>>
      %dma_start3A = tpu.memref_slice %arg2[%mul3A_10] : memref<327680xi32, #tpu.memory_space<hbm>> -> memref<10240xi32, #tpu.memory_space<hbm>>
      %dma_start3A_18 = tpu.memref_slice %arg2[%mul3A_10] : memref<327680xi32, #tpu.memory_space<hbm>> -> memref<10240xi32, #tpu.memory_space<hbm>>
      tpu.enqueue_dma source(%dma_start3A_18 : memref<10240xi32, #tpu.memory_space<hbm>>) target(%arg4 : memref<10240xi32, #tpu.memory_space<vmem>>) target_semaphore(%run_scoped3A : memref<!tpu.dma_semaphore, #tpu.memory_space<semaphore_mem>>)
      %dma_wait3A = tpu.memref_slice %arg2[%mul3A_10] : memref<327680xi32, #tpu.memory_space<hbm>> -> memref<10240xi32, #tpu.memory_space<hbm>>
      %dma_wait3A_19 = tpu.memref_slice %arg2[%mul3A_10] : memref<327680xi32, #tpu.memory_space<hbm>> -> memref<10240xi32, #tpu.memory_space<hbm>>
      tpu.wait_dma2 semaphore(%run_scoped3A : memref<!tpu.dma_semaphore, #tpu.memory_space<semaphore_mem>>) src(%dma_wait3A_19 : memref<10240xi32, #tpu.memory_space<hbm>>) dst(%arg4 : memref<10240xi32, #tpu.memory_space<vmem>>)
      tpu.yield
    }) : () -> ()
    %scan3A_11 = arith.constant 0 : i32
    %scan3A_12 = arith.constant 0 : i32
    %scan3A_13 = arith.constant 640 : i32
    %scan3A_14 = arith.addi %scan3A_12, %scan3A_13 : i32
    %scan3A_15 = arith.constant 1 : i32
    %scan3A_16 = scf.for %scan3A_18 = %scan3A_12 to %scan3A_14 step %scan3A_15 iter_args(%scan3A_19 = %scan3A_11) -> (i32)  : i32 {
      %mul3A_20 = arith.constant 16 : i32
      %mul3A_21 = arith.muli %scan3A_18, %mul3A_20 : i32
      %get3A = arith.index_cast %mul3A_21 : i32 to index
      %get3A_22 = tpu.vector_load %arg4[%get3A] {strides = array<i32>} : memref<10240xi32, #tpu.memory_space<vmem>>, vector<16xi32>,
      %get3A_23 = arith.constant 0 : index
      %get3A_24 = tpu.vector_load %arg6[%get3A_23] {strides = array<i32>} : memref<16xf32, #tpu.memory_space<vmem>>, vector<16xf32>,
      tpu.vector_store_idx %arg5[%get3A_22], %get3A_24 {add = true} : memref<10240xf32, #tpu.memory_space<vmem>>[vector<16xi32>], vector<16xf32>,
      %scan3A_25 = arith.constant 0 : i32
      scf.yield %scan3A_25 : i32
    }
    %scan3A_17 = arith.constant 640 : i32
    "tpu.region"() ({
      %run_scoped3A = tpu.sem_alloc : memref<!tpu.dma_semaphore, #tpu.memory_space<semaphore_mem>>
      %dma_start3A = arith.constant 0 : i32
      %dma_start3A_18 = tpu.memref_slice %arg3[%add3A, %dma_start3A] : memref<32x10240xf32, #tpu.memory_space<hbm>> -> memref<1x10240xf32, #tpu.memory_space<hbm>>
      %dma_start3A_19 = tpu.memref_squeeze %dma_start3A_18 : memref<1x10240xf32, #tpu.memory_space<hbm>> -> memref<10240xf32, #tpu.memory_space<hbm>>
      %dma_start3A_20 = arith.constant 0 : i32
      %dma_start3A_21 = tpu.memref_slice %arg3[%add3A, %dma_start3A_20] : memref<32x10240xf32, #tpu.memory_space<hbm>> -> memref<1x10240xf32, #tpu.memory_space<hbm>>
      %dma_start3A_22 = tpu.memref_squeeze %dma_start3A_21 : memref<1x10240xf32, #tpu.memory_space<hbm>> -> memref<10240xf32, #tpu.memory_space<hbm>>
      tpu.enqueue_dma source(%arg5 : memref<10240xf32, #tpu.memory_space<vmem>>) target(%dma_start3A_22 : memref<10240xf32, #tpu.memory_space<hbm>>) target_semaphore(%run_scoped3A : memref<!tpu.dma_semaphore, #tpu.memory_space<semaphore_mem>>)
      %dma_wait3A = arith.constant 0 : i32
      %dma_wait3A_23 = tpu.memref_slice %arg3[%add3A, %dma_wait3A] : memref<32x10240xf32, #tpu.memory_space<hbm>> -> memref<1x10240xf32, #tpu.memory_space<hbm>>
      %dma_wait3A_24 = tpu.memref_squeeze %dma_wait3A_23 : memref<1x10240xf32, #tpu.memory_space<hbm>> -> memref<10240xf32, #tpu.memory_space<hbm>>
      %dma_wait3A_25 = arith.constant 0 : i32
      %dma_wait3A_26 = tpu.memref_slice %arg3[%add3A, %dma_wait3A_25] : memref<32x10240xf32, #tpu.memory_space<hbm>> -> memref<1x10240xf32, #tpu.memory_space<hbm>>
      %dma_wait3A_27 = tpu.memref_squeeze %dma_wait3A_26 : memref<1x10240xf32, #tpu.memory_space<hbm>> -> memref<10240xf32, #tpu.memory_space<hbm>>
      tpu.wait_dma2 semaphore(%run_scoped3A : memref<!tpu.dma_semaphore, #tpu.memory_space<semaphore_mem>>) src(%arg5 : memref<10240xf32, #tpu.memory_space<vmem>>) dst(%dma_wait3A_27 : memref<10240xf32, #tpu.memory_space<hbm>>)
      tpu.yield
    }) : () -> ()
    return
  }
}

#map = affine_map<(d0, d1) -> (0, 0, 0, 0)>
#map1 = affine_map<(d0, d1) -> (0, 0)>
#map2 = affine_map<(d0, d1) -> (0, 0, 0)>
module attributes {stable_mosaic.version = 14 : i64} {
  func.func @_scatter_body(%arg0: i32, %arg1: i32, %arg2: memref<32x80x2x128xi32, #tpu.memory_space<hbm>>, %arg3: memref<10000x128xf32, #tpu.memory_space<hbm>>, %arg4: memref<2x10240x128xf32, #tpu.memory_space<hbm>>, %arg5: memref<10240x128xf32, #tpu.memory_space<vmem_shared>>, %arg6: memref<2x128xi32, #tpu.memory_space<vmem>>, %arg7: memref<2x128xi32, #tpu.memory_space<vmem>>, %arg8: memref<128x128xf32, #tpu.memory_space<vmem>>, %arg9: memref<128x128xf32, #tpu.memory_space<vmem>>, %arg10: memref<!tpu.dma_semaphore, #tpu.memory_space<semaphore_mem>>, %arg11: memref<!tpu.dma_semaphore, #tpu.memory_space<semaphore_mem>>, %arg12: memref<!tpu.dma_semaphore, #tpu.memory_space<semaphore_mem>>, %arg13: memref<!tpu.dma_semaphore, #tpu.memory_space<semaphore_mem>>, %arg14: memref<!tpu.dma_semaphore, #tpu.memory_space<semaphore_mem>>, %arg15: memref<!tpu.dma_semaphore, #tpu.memory_space<semaphore_mem>>) attributes {dimension_semantics = [#tpu.dimension_semantics<core_parallel>, #tpu.dimension_semantics<subcore_parallel>], iteration_bounds = array<i64: 2, 16>, scalar_prefetch = 0 : i64, scratch_operands = 11 : i64, tpu.core_type = #tpu.core_type<sc_vector_subcore>, window_params = [{transform_indices = #map}, {transform_indices = #map1}, {transform_indices = #map2}]} {
    %mul3A = arith.constant 16 : i32
    %mul3A_0 = arith.muli %arg0, %mul3A : i32
    %add3A = arith.addi %mul3A_0, %arg1 : i32
    %scan3A = arith.constant 0 : i32
    %scan3A_1 = arith.constant 0 : i32
    %scan3A_2 = arith.constant 128 : i32
    %scan3A_3 = arith.addi %scan3A_1, %scan3A_2 : i32
    %scan3A_4 = arith.constant 1 : i32
    %scan3A_5 = scf.for %scan3A_112 = %scan3A_1 to %scan3A_3 step %scan3A_4 iter_args(%scan3A_113 = %scan3A) -> (i32)  : i32 {
      %scan3A_114 = arith.constant 0 : i32
      %scan3A_115 = arith.constant 0 : i32
      %scan3A_116 = arith.constant 8 : i32
      %scan3A_117 = arith.addi %scan3A_115, %scan3A_116 : i32
      %scan3A_118 = arith.constant 1 : i32
      %scan3A_119 = scf.for %scan3A_122 = %scan3A_115 to %scan3A_117 step %scan3A_118 iter_args(%scan3A_123 = %scan3A_114) -> (i32)  : i32 {
        %broadcast_in_dim3A = arith.constant 0.000000e+00 : f32
        %broadcast_in_dim3A_124 = vector.broadcast %broadcast_in_dim3A : f32 to vector<16xf32>
        %mul3A_125 = arith.constant 16 : i32
        %mul3A_126 = arith.muli %scan3A_122, %mul3A_125 : i32
        %swap3A = arith.index_cast %scan3A_112 : i32 to index
        %swap3A_127 = arith.index_cast %mul3A_126 : i32 to index
        %swap3A_128 = tpu.vector_load %arg8[%swap3A, %swap3A_127] {strides = array<i32>} : memref<128x128xf32, #tpu.memory_space<vmem>>, vector<16xf32>,
        tpu.vector_store %arg8[%swap3A, %swap3A_127], %broadcast_in_dim3A_124 {strides = array<i32>} : memref<128x128xf32, #tpu.memory_space<vmem>>, vector<16xf32>,
        %scan3A_129 = arith.constant 0 : i32
        scf.yield %scan3A_129 : i32
      }
      %scan3A_120 = arith.constant 8 : i32
      %scan3A_121 = arith.constant 0 : i32
      scf.yield %scan3A_121 : i32
    }
    %scan3A_6 = arith.constant 128 : i32
    %scan3A_7 = arith.constant 0 : i32
    %scan3A_8 = arith.constant 0 : i32
    %scan3A_9 = arith.constant 5 : i32
    %scan3A_10 = arith.addi %scan3A_8, %scan3A_9 : i32
    %scan3A_11 = arith.constant 1 : i32
    %scan3A_12 = scf.for %scan3A_112 = %scan3A_8 to %scan3A_10 step %scan3A_11 iter_args(%scan3A_113 = %scan3A_7) -> (i32)  : i32 {
      %mul3A_114 = arith.constant 640 : i32
      %mul3A_115 = arith.muli %arg1, %mul3A_114 : i32
      %mul3A_116 = arith.constant 128 : i32
      %mul3A_117 = arith.muli %scan3A_112, %mul3A_116 : i32
      %add3A_118 = arith.addi %mul3A_115, %mul3A_117 : i32
      "tpu.region"() ({
        %run_scoped3A = tpu.sem_alloc : memref<!tpu.dma_semaphore, #tpu.memory_space<semaphore_mem>>
        %dma_start3A_120 = arith.constant 0 : i32
        %dma_start3A_121 = arith.constant 0 : i32
        %dma_start3A_122 = tpu.memref_slice %arg8[%dma_start3A_120, %dma_start3A_121] : memref<128x128xf32, #tpu.memory_space<vmem>> -> memref<128x128xf32, #tpu.memory_space<vmem>>
        %dma_start3A_123 = arith.constant 0 : i32
        %dma_start3A_124 = tpu.memref_slice %arg5[%add3A_118, %dma_start3A_123] : memref<10240x128xf32, #tpu.memory_space<vmem_shared>> -> memref<128x128xf32, #tpu.memory_space<vmem_shared>>
        %dma_start3A_125 = arith.constant 0 : i32
        %dma_start3A_126 = tpu.memref_slice %arg5[%add3A_118, %dma_start3A_125] : memref<10240x128xf32, #tpu.memory_space<vmem_shared>> -> memref<128x128xf32, #tpu.memory_space<vmem_shared>>
        %dma_start3A_127 = arith.constant 0 : i32
        %dma_start3A_128 = arith.constant 0 : i32
        %dma_start3A_129 = tpu.memref_slice %arg8[%dma_start3A_127, %dma_start3A_128] : memref<128x128xf32, #tpu.memory_space<vmem>> -> memref<128x128xf32, #tpu.memory_space<vmem>>
        tpu.enqueue_dma source(%dma_start3A_129 : memref<128x128xf32, #tpu.memory_space<vmem>>) target(%dma_start3A_126 : memref<128x128xf32, #tpu.memory_space<vmem_shared>>) target_semaphore(%run_scoped3A : memref<!tpu.dma_semaphore, #tpu.memory_space<semaphore_mem>>)
        %dma_wait3A_130 = arith.constant 0 : i32
        %dma_wait3A_131 = arith.constant 0 : i32
        %dma_wait3A_132 = tpu.memref_slice %arg8[%dma_wait3A_130, %dma_wait3A_131] : memref<128x128xf32, #tpu.memory_space<vmem>> -> memref<128x128xf32, #tpu.memory_space<vmem>>
        %dma_wait3A_133 = arith.constant 0 : i32
        %dma_wait3A_134 = tpu.memref_slice %arg5[%add3A_118, %dma_wait3A_133] : memref<10240x128xf32, #tpu.memory_space<vmem_shared>> -> memref<128x128xf32, #tpu.memory_space<vmem_shared>>
        %dma_wait3A_135 = arith.constant 0 : i32
        %dma_wait3A_136 = tpu.memref_slice %arg5[%add3A_118, %dma_wait3A_135] : memref<10240x128xf32, #tpu.memory_space<vmem_shared>> -> memref<128x128xf32, #tpu.memory_space<vmem_shared>>
        %dma_wait3A_137 = arith.constant 0 : i32
        %dma_wait3A_138 = arith.constant 0 : i32
        %dma_wait3A_139 = tpu.memref_slice %arg8[%dma_wait3A_137, %dma_wait3A_138] : memref<128x128xf32, #tpu.memory_space<vmem>> -> memref<128x128xf32, #tpu.memory_space<vmem>>
        tpu.wait_dma2 semaphore(%run_scoped3A : memref<!tpu.dma_semaphore, #tpu.memory_space<semaphore_mem>>) src(%dma_wait3A_139 : memref<128x128xf32, #tpu.memory_space<vmem>>) dst(%dma_wait3A_136 : memref<128x128xf32, #tpu.memory_space<vmem_shared>>)
        tpu.yield
      }) : () -> ()
      %scan3A_119 = arith.constant 0 : i32
      scf.yield %scan3A_119 : i32
    }
    %scan3A_13 = arith.constant 5 : i32
    %barrier3A = arith.constant 0 : index
    tpu.barrier barrier_id(%barrier3A)
    %dma_start3A = arith.constant 0 : i32
    %dma_start3A_14 = arith.constant 0 : i32
    %dma_start3A_15 = arith.constant 0 : i32
    %dma_start3A_16 = tpu.memref_slice %arg2[%add3A, %dma_start3A, %dma_start3A_14, %dma_start3A_15] : memref<32x80x2x128xi32, #tpu.memory_space<hbm>> -> memref<1x1x2x128xi32, #tpu.memory_space<hbm>>
    %dma_start3A_17 = tpu.memref_squeeze %dma_start3A_16 : memref<1x1x2x128xi32, #tpu.memory_space<hbm>> -> memref<2x128xi32, #tpu.memory_space<hbm>>
    %dma_start3A_18 = arith.constant 0 : i32
    %dma_start3A_19 = arith.constant 0 : i32
    %dma_start3A_20 = tpu.memref_slice %arg2[%add3A, %dma_start3A, %dma_start3A_18, %dma_start3A_19] : memref<32x80x2x128xi32, #tpu.memory_space<hbm>> -> memref<1x1x2x128xi32, #tpu.memory_space<hbm>>
    %dma_start3A_21 = tpu.memref_squeeze %dma_start3A_20 : memref<1x1x2x128xi32, #tpu.memory_space<hbm>> -> memref<2x128xi32, #tpu.memory_space<hbm>>
    tpu.enqueue_dma source(%dma_start3A_21 : memref<2x128xi32, #tpu.memory_space<hbm>>) target(%arg6 : memref<2x128xi32, #tpu.memory_space<vmem>>) target_semaphore(%arg10 : memref<!tpu.dma_semaphore, #tpu.memory_space<semaphore_mem>>)
    %dma_start3A_22 = arith.constant 1 : i32
    %dma_start3A_23 = arith.constant 0 : i32
    %dma_start3A_24 = arith.constant 0 : i32
    %dma_start3A_25 = tpu.memref_slice %arg2[%add3A, %dma_start3A_22, %dma_start3A_23, %dma_start3A_24] : memref<32x80x2x128xi32, #tpu.memory_space<hbm>> -> memref<1x1x2x128xi32, #tpu.memory_space<hbm>>
    %dma_start3A_26 = tpu.memref_squeeze %dma_start3A_25 : memref<1x1x2x128xi32, #tpu.memory_space<hbm>> -> memref<2x128xi32, #tpu.memory_space<hbm>>
    %dma_start3A_27 = arith.constant 0 : i32
    %dma_start3A_28 = arith.constant 0 : i32
    %dma_start3A_29 = tpu.memref_slice %arg2[%add3A, %dma_start3A_22, %dma_start3A_27, %dma_start3A_28] : memref<32x80x2x128xi32, #tpu.memory_space<hbm>> -> memref<1x1x2x128xi32, #tpu.memory_space<hbm>>
    %dma_start3A_30 = tpu.memref_squeeze %dma_start3A_29 : memref<1x1x2x128xi32, #tpu.memory_space<hbm>> -> memref<2x128xi32, #tpu.memory_space<hbm>>
    tpu.enqueue_dma source(%dma_start3A_30 : memref<2x128xi32, #tpu.memory_space<hbm>>) target(%arg7 : memref<2x128xi32, #tpu.memory_space<vmem>>) target_semaphore(%arg11 : memref<!tpu.dma_semaphore, #tpu.memory_space<semaphore_mem>>)
    %dma_wait3A = arith.constant 0 : i32
    %dma_wait3A_31 = arith.constant 0 : i32
    %dma_wait3A_32 = arith.constant 0 : i32
    %dma_wait3A_33 = tpu.memref_slice %arg2[%add3A, %dma_wait3A, %dma_wait3A_31, %dma_wait3A_32] : memref<32x80x2x128xi32, #tpu.memory_space<hbm>> -> memref<1x1x2x128xi32, #tpu.memory_space<hbm>>
    %dma_wait3A_34 = tpu.memref_squeeze %dma_wait3A_33 : memref<1x1x2x128xi32, #tpu.memory_space<hbm>> -> memref<2x128xi32, #tpu.memory_space<hbm>>
    %dma_wait3A_35 = arith.constant 0 : i32
    %dma_wait3A_36 = arith.constant 0 : i32
    %dma_wait3A_37 = tpu.memref_slice %arg2[%add3A, %dma_wait3A, %dma_wait3A_35, %dma_wait3A_36] : memref<32x80x2x128xi32, #tpu.memory_space<hbm>> -> memref<1x1x2x128xi32, #tpu.memory_space<hbm>>
    %dma_wait3A_38 = tpu.memref_squeeze %dma_wait3A_37 : memref<1x1x2x128xi32, #tpu.memory_space<hbm>> -> memref<2x128xi32, #tpu.memory_space<hbm>>
    tpu.wait_dma2 semaphore(%arg10 : memref<!tpu.dma_semaphore, #tpu.memory_space<semaphore_mem>>) src(%dma_wait3A_38 : memref<2x128xi32, #tpu.memory_space<hbm>>) dst(%arg6 : memref<2x128xi32, #tpu.memory_space<vmem>>)
    %dma_start3A_39 = arith.constant 0 : i32
    %dma_start3A_40 = arith.constant 0 : i32
    %dma_start3A_41 = tpu.memref_slice %arg6[%dma_start3A_39, %dma_start3A_40] : memref<2x128xi32, #tpu.memory_space<vmem>> -> memref<1x128xi32, #tpu.memory_space<vmem>>
    %dma_start3A_42 = tpu.memref_squeeze %dma_start3A_41 : memref<1x128xi32, #tpu.memory_space<vmem>> -> memref<128xi32, #tpu.memory_space<vmem>>
    %dma_start3A_43 = arith.constant 0 : i32
    %dma_start3A_44 = arith.constant 0 : i32
    %dma_start3A_45 = tpu.memref_slice %arg3[%dma_start3A_43, %dma_start3A_44] : memref<10000x128xf32, #tpu.memory_space<hbm>> -> memref<10000x128xf32, #tpu.memory_space<hbm>>
    tpu.enqueue_indirect_dma source(%dma_start3A_45 : memref<10000x128xf32, #tpu.memory_space<hbm>>) target(%arg8 : memref<128x128xf32, #tpu.memory_space<vmem>>) offsets(%dma_start3A_42 : memref<128xi32, #tpu.memory_space<vmem>>) semaphore(%arg12 : memref<!tpu.dma_semaphore, #tpu.memory_space<semaphore_mem>>)
    %dma_wait3A_46 = arith.constant 0 : i32
    %dma_wait3A_47 = arith.constant 0 : i32
    %dma_wait3A_48 = arith.constant 0 : i32
    %dma_wait3A_49 = tpu.memref_slice %arg2[%add3A, %dma_wait3A_46, %dma_wait3A_47, %dma_wait3A_48] : memref<32x80x2x128xi32, #tpu.memory_space<hbm>> -> memref<1x1x2x128xi32, #tpu.memory_space<hbm>>
    %dma_wait3A_50 = tpu.memref_squeeze %dma_wait3A_49 : memref<1x1x2x128xi32, #tpu.memory_space<hbm>> -> memref<2x128xi32, #tpu.memory_space<hbm>>
    %dma_wait3A_51 = arith.constant 0 : i32
    %dma_wait3A_52 = arith.constant 0 : i32
    %dma_wait3A_53 = tpu.memref_slice %arg2[%add3A, %dma_wait3A_46, %dma_wait3A_51, %dma_wait3A_52] : memref<32x80x2x128xi32, #tpu.memory_space<hbm>> -> memref<1x1x2x128xi32, #tpu.memory_space<hbm>>
    %dma_wait3A_54 = tpu.memref_squeeze %dma_wait3A_53 : memref<1x1x2x128xi32, #tpu.memory_space<hbm>> -> memref<2x128xi32, #tpu.memory_space<hbm>>
    tpu.wait_dma2 semaphore(%arg11 : memref<!tpu.dma_semaphore, #tpu.memory_space<semaphore_mem>>) src(%dma_wait3A_54 : memref<2x128xi32, #tpu.memory_space<hbm>>) dst(%arg7 : memref<2x128xi32, #tpu.memory_space<vmem>>)
    %dma_start3A_55 = arith.constant 0 : i32
    %dma_start3A_56 = arith.constant 0 : i32
    %dma_start3A_57 = tpu.memref_slice %arg7[%dma_start3A_55, %dma_start3A_56] : memref<2x128xi32, #tpu.memory_space<vmem>> -> memref<1x128xi32, #tpu.memory_space<vmem>>
    %dma_start3A_58 = tpu.memref_squeeze %dma_start3A_57 : memref<1x128xi32, #tpu.memory_space<vmem>> -> memref<128xi32, #tpu.memory_space<vmem>>
    %dma_start3A_59 = arith.constant 0 : i32
    %dma_start3A_60 = arith.constant 0 : i32
    %dma_start3A_61 = tpu.memref_slice %arg3[%dma_start3A_59, %dma_start3A_60] : memref<10000x128xf32, #tpu.memory_space<hbm>> -> memref<10000x128xf32, #tpu.memory_space<hbm>>
    tpu.enqueue_indirect_dma source(%dma_start3A_61 : memref<10000x128xf32, #tpu.memory_space<hbm>>) target(%arg9 : memref<128x128xf32, #tpu.memory_space<vmem>>) offsets(%dma_start3A_58 : memref<128xi32, #tpu.memory_space<vmem>>) semaphore(%arg13 : memref<!tpu.dma_semaphore, #tpu.memory_space<semaphore_mem>>)
    %scan3A_62 = arith.constant 0 : i32
    %scan3A_63 = arith.constant 0 : i32
    %scan3A_64 = arith.constant 39 : i32
    %scan3A_65 = arith.addi %scan3A_63, %scan3A_64 : i32
    %scan3A_66 = arith.constant 1 : i32
    %scan3A_67 = scf.for %scan3A_112 = %scan3A_63 to %scan3A_65 step %scan3A_66 iter_args(%scan3A_113 = %scan3A_62) -> (i32)  : i32 {
      %mul3A_114 = arith.constant 2 : i32
      %mul3A_115 = arith.muli %mul3A_114, %scan3A_112 : i32
      %dma_wait3A_116 = arith.constant 0 : i32
      %dma_wait3A_117 = arith.constant 0 : i32
      %dma_wait3A_118 = tpu.memref_slice %arg3[%dma_wait3A_116, %dma_wait3A_117] : memref<10000x128xf32, #tpu.memory_space<hbm>> -> memref<128x128xf32, #tpu.memory_space<hbm>>
      %dma_wait3A_119 = arith.constant 0 : i32
      %dma_wait3A_120 = arith.constant 0 : i32
      %dma_wait3A_121 = tpu.memref_slice %arg3[%dma_wait3A_119, %dma_wait3A_120] : memref<10000x128xf32, #tpu.memory_space<hbm>> -> memref<128x128xf32, #tpu.memory_space<hbm>>
      tpu.wait_dma2 semaphore(%arg12 : memref<!tpu.dma_semaphore, #tpu.memory_space<semaphore_mem>>) src(%dma_wait3A_121 : memref<128x128xf32, #tpu.memory_space<hbm>>) dst(%arg8 : memref<128x128xf32, #tpu.memory_space<vmem>>)
      %dma_start3A_122 = arith.constant 1 : i32
      %dma_start3A_123 = arith.constant 0 : i32
      %dma_start3A_124 = tpu.memref_slice %arg6[%dma_start3A_122, %dma_start3A_123] : memref<2x128xi32, #tpu.memory_space<vmem>> -> memref<1x128xi32, #tpu.memory_space<vmem>>
      %dma_start3A_125 = tpu.memref_squeeze %dma_start3A_124 : memref<1x128xi32, #tpu.memory_space<vmem>> -> memref<128xi32, #tpu.memory_space<vmem>>
      %dma_start3A_126 = arith.constant 0 : i32
      %dma_start3A_127 = arith.constant 0 : i32
      %dma_start3A_128 = tpu.memref_slice %arg5[%dma_start3A_126, %dma_start3A_127] : memref<10240x128xf32, #tpu.memory_space<vmem_shared>> -> memref<10240x128xf32, #tpu.memory_space<vmem_shared>>
      tpu.enqueue_indirect_dma source(%arg8 : memref<128x128xf32, #tpu.memory_space<vmem>>) target(%dma_start3A_128 : memref<10240x128xf32, #tpu.memory_space<vmem_shared>>) offsets(%dma_start3A_125 : memref<128xi32, #tpu.memory_space<vmem>>) semaphore(%arg14 : memref<!tpu.dma_semaphore, #tpu.memory_space<semaphore_mem>>) {add = true}
      %dma_wait3A_129 = arith.constant 0 : i32
      %dma_wait3A_130 = arith.constant 0 : i32
      %dma_wait3A_131 = tpu.memref_slice %arg3[%dma_wait3A_129, %dma_wait3A_130] : memref<10000x128xf32, #tpu.memory_space<hbm>> -> memref<128x128xf32, #tpu.memory_space<hbm>>
      %dma_wait3A_132 = arith.constant 0 : i32
      %dma_wait3A_133 = arith.constant 0 : i32
      %dma_wait3A_134 = tpu.memref_slice %arg3[%dma_wait3A_132, %dma_wait3A_133] : memref<10000x128xf32, #tpu.memory_space<hbm>> -> memref<128x128xf32, #tpu.memory_space<hbm>>
      tpu.wait_dma2 semaphore(%arg14 : memref<!tpu.dma_semaphore, #tpu.memory_space<semaphore_mem>>) src(%dma_wait3A_134 : memref<128x128xf32, #tpu.memory_space<hbm>>) dst(%arg8 : memref<128x128xf32, #tpu.memory_space<vmem>>)
      %add3A_135 = arith.constant 2 : i32
      %add3A_136 = arith.addi %mul3A_115, %add3A_135 : i32
      %dma_start3A_137 = arith.constant 0 : i32
      %dma_start3A_138 = arith.constant 0 : i32
      %dma_start3A_139 = tpu.memref_slice %arg2[%add3A, %add3A_136, %dma_start3A_137, %dma_start3A_138] : memref<32x80x2x128xi32, #tpu.memory_space<hbm>> -> memref<1x1x2x128xi32, #tpu.memory_space<hbm>>
      %dma_start3A_140 = tpu.memref_squeeze %dma_start3A_139 : memref<1x1x2x128xi32, #tpu.memory_space<hbm>> -> memref<2x128xi32, #tpu.memory_space<hbm>>
      %dma_start3A_141 = arith.constant 0 : i32
      %dma_start3A_142 = arith.constant 0 : i32
      %dma_start3A_143 = tpu.memref_slice %arg2[%add3A, %add3A_136, %dma_start3A_141, %dma_start3A_142] : memref<32x80x2x128xi32, #tpu.memory_space<hbm>> -> memref<1x1x2x128xi32, #tpu.memory_space<hbm>>
      %dma_start3A_144 = tpu.memref_squeeze %dma_start3A_143 : memref<1x1x2x128xi32, #tpu.memory_space<hbm>> -> memref<2x128xi32, #tpu.memory_space<hbm>>
      tpu.enqueue_dma source(%dma_start3A_144 : memref<2x128xi32, #tpu.memory_space<hbm>>) target(%arg6 : memref<2x128xi32, #tpu.memory_space<vmem>>) target_semaphore(%arg10 : memref<!tpu.dma_semaphore, #tpu.memory_space<semaphore_mem>>)
      %dma_wait3A_145 = arith.constant 0 : i32
      %dma_wait3A_146 = arith.constant 0 : i32
      %dma_wait3A_147 = arith.constant 0 : i32
      %dma_wait3A_148 = tpu.memref_slice %arg2[%add3A, %dma_wait3A_145, %dma_wait3A_146, %dma_wait3A_147] : memref<32x80x2x128xi32, #tpu.memory_space<hbm>> -> memref<1x1x2x128xi32, #tpu.memory_space<hbm>>
      %dma_wait3A_149 = tpu.memref_squeeze %dma_wait3A_148 : memref<1x1x2x128xi32, #tpu.memory_space<hbm>> -> memref<2x128xi32, #tpu.memory_space<hbm>>
      %dma_wait3A_150 = arith.constant 0 : i32
      %dma_wait3A_151 = arith.constant 0 : i32
      %dma_wait3A_152 = tpu.memref_slice %arg2[%add3A, %dma_wait3A_145, %dma_wait3A_150, %dma_wait3A_151] : memref<32x80x2x128xi32, #tpu.memory_space<hbm>> -> memref<1x1x2x128xi32, #tpu.memory_space<hbm>>
      %dma_wait3A_153 = tpu.memref_squeeze %dma_wait3A_152 : memref<1x1x2x128xi32, #tpu.memory_space<hbm>> -> memref<2x128xi32, #tpu.memory_space<hbm>>
      tpu.wait_dma2 semaphore(%arg10 : memref<!tpu.dma_semaphore, #tpu.memory_space<semaphore_mem>>) src(%dma_wait3A_153 : memref<2x128xi32, #tpu.memory_space<hbm>>) dst(%arg6 : memref<2x128xi32, #tpu.memory_space<vmem>>)
      %dma_start3A_154 = arith.constant 0 : i32
      %dma_start3A_155 = arith.constant 0 : i32
      %dma_start3A_156 = tpu.memref_slice %arg6[%dma_start3A_154, %dma_start3A_155] : memref<2x128xi32, #tpu.memory_space<vmem>> -> memref<1x128xi32, #tpu.memory_space<vmem>>
      %dma_start3A_157 = tpu.memref_squeeze %dma_start3A_156 : memref<1x128xi32, #tpu.memory_space<vmem>> -> memref<128xi32, #tpu.memory_space<vmem>>
      %dma_start3A_158 = arith.constant 0 : i32
      %dma_start3A_159 = arith.constant 0 : i32
      %dma_start3A_160 = tpu.memref_slice %arg3[%dma_start3A_158, %dma_start3A_159] : memref<10000x128xf32, #tpu.memory_space<hbm>> -> memref<10000x128xf32, #tpu.memory_space<hbm>>
      tpu.enqueue_indirect_dma source(%dma_start3A_160 : memref<10000x128xf32, #tpu.memory_space<hbm>>) target(%arg8 : memref<128x128xf32, #tpu.memory_space<vmem>>) offsets(%dma_start3A_157 : memref<128xi32, #tpu.memory_space<vmem>>) semaphore(%arg12 : memref<!tpu.dma_semaphore, #tpu.memory_space<semaphore_mem>>)
      %dma_wait3A_161 = arith.constant 0 : i32
      %dma_wait3A_162 = arith.constant 0 : i32
      %dma_wait3A_163 = tpu.memref_slice %arg3[%dma_wait3A_161, %dma_wait3A_162] : memref<10000x128xf32, #tpu.memory_space<hbm>> -> memref<128x128xf32, #tpu.memory_space<hbm>>
      %dma_wait3A_164 = arith.constant 0 : i32
      %dma_wait3A_165 = arith.constant 0 : i32
      %dma_wait3A_166 = tpu.memref_slice %arg3[%dma_wait3A_164, %dma_wait3A_165] : memref<10000x128xf32, #tpu.memory_space<hbm>> -> memref<128x128xf32, #tpu.memory_space<hbm>>
      tpu.wait_dma2 semaphore(%arg13 : memref<!tpu.dma_semaphore, #tpu.memory_space<semaphore_mem>>) src(%dma_wait3A_166 : memref<128x128xf32, #tpu.memory_space<hbm>>) dst(%arg9 : memref<128x128xf32, #tpu.memory_space<vmem>>)
      %dma_start3A_167 = arith.constant 1 : i32
      %dma_start3A_168 = arith.constant 0 : i32
      %dma_start3A_169 = tpu.memref_slice %arg7[%dma_start3A_167, %dma_start3A_168] : memref<2x128xi32, #tpu.memory_space<vmem>> -> memref<1x128xi32, #tpu.memory_space<vmem>>
      %dma_start3A_170 = tpu.memref_squeeze %dma_start3A_169 : memref<1x128xi32, #tpu.memory_space<vmem>> -> memref<128xi32, #tpu.memory_space<vmem>>
      %dma_start3A_171 = arith.constant 0 : i32
      %dma_start3A_172 = arith.constant 0 : i32
      %dma_start3A_173 = tpu.memref_slice %arg5[%dma_start3A_171, %dma_start3A_172] : memref<10240x128xf32, #tpu.memory_space<vmem_shared>> -> memref<10240x128xf32, #tpu.memory_space<vmem_shared>>
      tpu.enqueue_indirect_dma source(%arg9 : memref<128x128xf32, #tpu.memory_space<vmem>>) target(%dma_start3A_173 : memref<10240x128xf32, #tpu.memory_space<vmem_shared>>) offsets(%dma_start3A_170 : memref<128xi32, #tpu.memory_space<vmem>>) semaphore(%arg15 : memref<!tpu.dma_semaphore, #tpu.memory_space<semaphore_mem>>) {add = true}
      %dma_wait3A_174 = arith.constant 0 : i32
      %dma_wait3A_175 = arith.constant 0 : i32
      %dma_wait3A_176 = tpu.memref_slice %arg3[%dma_wait3A_174, %dma_wait3A_175] : memref<10000x128xf32, #tpu.memory_space<hbm>> -> memref<128x128xf32, #tpu.memory_space<hbm>>
      %dma_wait3A_177 = arith.constant 0 : i32
      %dma_wait3A_178 = arith.constant 0 : i32
      %dma_wait3A_179 = tpu.memref_slice %arg3[%dma_wait3A_177, %dma_wait3A_178] : memref<10000x128xf32, #tpu.memory_space<hbm>> -> memref<128x128xf32, #tpu.memory_space<hbm>>
      tpu.wait_dma2 semaphore(%arg15 : memref<!tpu.dma_semaphore, #tpu.memory_space<semaphore_mem>>) src(%dma_wait3A_179 : memref<128x128xf32, #tpu.memory_space<hbm>>) dst(%arg9 : memref<128x128xf32, #tpu.memory_space<vmem>>)
      %add3A_180 = arith.constant 3 : i32
      %add3A_181 = arith.addi %mul3A_115, %add3A_180 : i32
      %dma_start3A_182 = arith.constant 0 : i32
      %dma_start3A_183 = arith.constant 0 : i32
      %dma_start3A_184 = tpu.memref_slice %arg2[%add3A, %add3A_181, %dma_start3A_182, %dma_start3A_183] : memref<32x80x2x128xi32, #tpu.memory_space<hbm>> -> memref<1x1x2x128xi32, #tpu.memory_space<hbm>>
      %dma_start3A_185 = tpu.memref_squeeze %dma_start3A_184 : memref<1x1x2x128xi32, #tpu.memory_space<hbm>> -> memref<2x128xi32, #tpu.memory_space<hbm>>
      %dma_start3A_186 = arith.constant 0 : i32
      %dma_start3A_187 = arith.constant 0 : i32
      %dma_start3A_188 = tpu.memref_slice %arg2[%add3A, %add3A_181, %dma_start3A_186, %dma_start3A_187] : memref<32x80x2x128xi32, #tpu.memory_space<hbm>> -> memref<1x1x2x128xi32, #tpu.memory_space<hbm>>
      %dma_start3A_189 = tpu.memref_squeeze %dma_start3A_188 : memref<1x1x2x128xi32, #tpu.memory_space<hbm>> -> memref<2x128xi32, #tpu.memory_space<hbm>>
      tpu.enqueue_dma source(%dma_start3A_189 : memref<2x128xi32, #tpu.memory_space<hbm>>) target(%arg7 : memref<2x128xi32, #tpu.memory_space<vmem>>) target_semaphore(%arg11 : memref<!tpu.dma_semaphore, #tpu.memory_space<semaphore_mem>>)
      %dma_wait3A_190 = arith.constant 0 : i32
      %dma_wait3A_191 = arith.constant 0 : i32
      %dma_wait3A_192 = arith.constant 0 : i32
      %dma_wait3A_193 = tpu.memref_slice %arg2[%add3A, %dma_wait3A_190, %dma_wait3A_191, %dma_wait3A_192] : memref<32x80x2x128xi32, #tpu.memory_space<hbm>> -> memref<1x1x2x128xi32, #tpu.memory_space<hbm>>
      %dma_wait3A_194 = tpu.memref_squeeze %dma_wait3A_193 : memref<1x1x2x128xi32, #tpu.memory_space<hbm>> -> memref<2x128xi32, #tpu.memory_space<hbm>>
      %dma_wait3A_195 = arith.constant 0 : i32
      %dma_wait3A_196 = arith.constant 0 : i32
      %dma_wait3A_197 = tpu.memref_slice %arg2[%add3A, %dma_wait3A_190, %dma_wait3A_195, %dma_wait3A_196] : memref<32x80x2x128xi32, #tpu.memory_space<hbm>> -> memref<1x1x2x128xi32, #tpu.memory_space<hbm>>
      %dma_wait3A_198 = tpu.memref_squeeze %dma_wait3A_197 : memref<1x1x2x128xi32, #tpu.memory_space<hbm>> -> memref<2x128xi32, #tpu.memory_space<hbm>>
      tpu.wait_dma2 semaphore(%arg11 : memref<!tpu.dma_semaphore, #tpu.memory_space<semaphore_mem>>) src(%dma_wait3A_198 : memref<2x128xi32, #tpu.memory_space<hbm>>) dst(%arg7 : memref<2x128xi32, #tpu.memory_space<vmem>>)
      %dma_start3A_199 = arith.constant 0 : i32
      %dma_start3A_200 = arith.constant 0 : i32
      %dma_start3A_201 = tpu.memref_slice %arg7[%dma_start3A_199, %dma_start3A_200] : memref<2x128xi32, #tpu.memory_space<vmem>> -> memref<1x128xi32, #tpu.memory_space<vmem>>
      %dma_start3A_202 = tpu.memref_squeeze %dma_start3A_201 : memref<1x128xi32, #tpu.memory_space<vmem>> -> memref<128xi32, #tpu.memory_space<vmem>>
      %dma_start3A_203 = arith.constant 0 : i32
      %dma_start3A_204 = arith.constant 0 : i32
      %dma_start3A_205 = tpu.memref_slice %arg3[%dma_start3A_203, %dma_start3A_204] : memref<10000x128xf32, #tpu.memory_space<hbm>> -> memref<10000x128xf32, #tpu.memory_space<hbm>>
      tpu.enqueue_indirect_dma source(%dma_start3A_205 : memref<10000x128xf32, #tpu.memory_space<hbm>>) target(%arg9 : memref<128x128xf32, #tpu.memory_space<vmem>>) offsets(%dma_start3A_202 : memref<128xi32, #tpu.memory_space<vmem>>) semaphore(%arg13 : memref<!tpu.dma_semaphore, #tpu.memory_space<semaphore_mem>>)
      %scan3A_206 = arith.constant 0 : i32
      scf.yield %scan3A_206 : i32
    }
    %scan3A_68 = arith.constant 39 : i32
    %dma_wait3A_69 = arith.constant 0 : i32
    %dma_wait3A_70 = arith.constant 0 : i32
    %dma_wait3A_71 = tpu.memref_slice %arg3[%dma_wait3A_69, %dma_wait3A_70] : memref<10000x128xf32, #tpu.memory_space<hbm>> -> memref<128x128xf32, #tpu.memory_space<hbm>>
    %dma_wait3A_72 = arith.constant 0 : i32
    %dma_wait3A_73 = arith.constant 0 : i32
    %dma_wait3A_74 = tpu.memref_slice %arg3[%dma_wait3A_72, %dma_wait3A_73] : memref<10000x128xf32, #tpu.memory_space<hbm>> -> memref<128x128xf32, #tpu.memory_space<hbm>>
    tpu.wait_dma2 semaphore(%arg12 : memref<!tpu.dma_semaphore, #tpu.memory_space<semaphore_mem>>) src(%dma_wait3A_74 : memref<128x128xf32, #tpu.memory_space<hbm>>) dst(%arg8 : memref<128x128xf32, #tpu.memory_space<vmem>>)
    %dma_start3A_75 = arith.constant 1 : i32
    %dma_start3A_76 = arith.constant 0 : i32
    %dma_start3A_77 = tpu.memref_slice %arg6[%dma_start3A_75, %dma_start3A_76] : memref<2x128xi32, #tpu.memory_space<vmem>> -> memref<1x128xi32, #tpu.memory_space<vmem>>
    %dma_start3A_78 = tpu.memref_squeeze %dma_start3A_77 : memref<1x128xi32, #tpu.memory_space<vmem>> -> memref<128xi32, #tpu.memory_space<vmem>>
    %dma_start3A_79 = arith.constant 0 : i32
    %dma_start3A_80 = arith.constant 0 : i32
    %dma_start3A_81 = tpu.memref_slice %arg5[%dma_start3A_79, %dma_start3A_80] : memref<10240x128xf32, #tpu.memory_space<vmem_shared>> -> memref<10240x128xf32, #tpu.memory_space<vmem_shared>>
    tpu.enqueue_indirect_dma source(%arg8 : memref<128x128xf32, #tpu.memory_space<vmem>>) target(%dma_start3A_81 : memref<10240x128xf32, #tpu.memory_space<vmem_shared>>) offsets(%dma_start3A_78 : memref<128xi32, #tpu.memory_space<vmem>>) semaphore(%arg14 : memref<!tpu.dma_semaphore, #tpu.memory_space<semaphore_mem>>) {add = true}
    %dma_wait3A_82 = arith.constant 0 : i32
    %dma_wait3A_83 = arith.constant 0 : i32
    %dma_wait3A_84 = tpu.memref_slice %arg3[%dma_wait3A_82, %dma_wait3A_83] : memref<10000x128xf32, #tpu.memory_space<hbm>> -> memref<128x128xf32, #tpu.memory_space<hbm>>
    %dma_wait3A_85 = arith.constant 0 : i32
    %dma_wait3A_86 = arith.constant 0 : i32
    %dma_wait3A_87 = tpu.memref_slice %arg3[%dma_wait3A_85, %dma_wait3A_86] : memref<10000x128xf32, #tpu.memory_space<hbm>> -> memref<128x128xf32, #tpu.memory_space<hbm>>
    tpu.wait_dma2 semaphore(%arg14 : memref<!tpu.dma_semaphore, #tpu.memory_space<semaphore_mem>>) src(%dma_wait3A_87 : memref<128x128xf32, #tpu.memory_space<hbm>>) dst(%arg8 : memref<128x128xf32, #tpu.memory_space<vmem>>)
    %dma_wait3A_88 = arith.constant 0 : i32
    %dma_wait3A_89 = arith.constant 0 : i32
    %dma_wait3A_90 = tpu.memref_slice %arg3[%dma_wait3A_88, %dma_wait3A_89] : memref<10000x128xf32, #tpu.memory_space<hbm>> -> memref<128x128xf32, #tpu.memory_space<hbm>>
    %dma_wait3A_91 = arith.constant 0 : i32
    %dma_wait3A_92 = arith.constant 0 : i32
    %dma_wait3A_93 = tpu.memref_slice %arg3[%dma_wait3A_91, %dma_wait3A_92] : memref<10000x128xf32, #tpu.memory_space<hbm>> -> memref<128x128xf32, #tpu.memory_space<hbm>>
    tpu.wait_dma2 semaphore(%arg13 : memref<!tpu.dma_semaphore, #tpu.memory_space<semaphore_mem>>) src(%dma_wait3A_93 : memref<128x128xf32, #tpu.memory_space<hbm>>) dst(%arg9 : memref<128x128xf32, #tpu.memory_space<vmem>>)
    %dma_start3A_94 = arith.constant 1 : i32
    %dma_start3A_95 = arith.constant 0 : i32
    %dma_start3A_96 = tpu.memref_slice %arg7[%dma_start3A_94, %dma_start3A_95] : memref<2x128xi32, #tpu.memory_space<vmem>> -> memref<1x128xi32, #tpu.memory_space<vmem>>
    %dma_start3A_97 = tpu.memref_squeeze %dma_start3A_96 : memref<1x128xi32, #tpu.memory_space<vmem>> -> memref<128xi32, #tpu.memory_space<vmem>>
    %dma_start3A_98 = arith.constant 0 : i32
    %dma_start3A_99 = arith.constant 0 : i32
    %dma_start3A_100 = tpu.memref_slice %arg5[%dma_start3A_98, %dma_start3A_99] : memref<10240x128xf32, #tpu.memory_space<vmem_shared>> -> memref<10240x128xf32, #tpu.memory_space<vmem_shared>>
    tpu.enqueue_indirect_dma source(%arg9 : memref<128x128xf32, #tpu.memory_space<vmem>>) target(%dma_start3A_100 : memref<10240x128xf32, #tpu.memory_space<vmem_shared>>) offsets(%dma_start3A_97 : memref<128xi32, #tpu.memory_space<vmem>>) semaphore(%arg15 : memref<!tpu.dma_semaphore, #tpu.memory_space<semaphore_mem>>) {add = true}
    %dma_wait3A_101 = arith.constant 0 : i32
    %dma_wait3A_102 = arith.constant 0 : i32
    %dma_wait3A_103 = tpu.memref_slice %arg3[%dma_wait3A_101, %dma_wait3A_102] : memref<10000x128xf32, #tpu.memory_space<hbm>> -> memref<128x128xf32, #tpu.memory_space<hbm>>
    %dma_wait3A_104 = arith.constant 0 : i32
    %dma_wait3A_105 = arith.constant 0 : i32
    %dma_wait3A_106 = tpu.memref_slice %arg3[%dma_wait3A_104, %dma_wait3A_105] : memref<10000x128xf32, #tpu.memory_space<hbm>> -> memref<128x128xf32, #tpu.memory_space<hbm>>
    tpu.wait_dma2 semaphore(%arg15 : memref<!tpu.dma_semaphore, #tpu.memory_space<semaphore_mem>>) src(%dma_wait3A_106 : memref<128x128xf32, #tpu.memory_space<hbm>>) dst(%arg9 : memref<128x128xf32, #tpu.memory_space<vmem>>)
    %barrier3A_107 = arith.constant 0 : index
    tpu.barrier barrier_id(%barrier3A_107)
    %mul3A_108 = arith.constant 640 : i32
    %mul3A_109 = arith.muli %arg1, %mul3A_108 : i32
    %mul3A_110 = arith.constant 640 : i32
    %mul3A_111 = arith.muli %arg1, %mul3A_110 : i32
    "tpu.region"() ({
      %run_scoped3A = tpu.sem_alloc : memref<!tpu.dma_semaphore, #tpu.memory_space<semaphore_mem>>
      %dma_start3A_112 = arith.constant 0 : i32
      %dma_start3A_113 = tpu.memref_slice %arg4[%arg0, %mul3A_111, %dma_start3A_112] : memref<2x10240x128xf32, #tpu.memory_space<hbm>> -> memref<1x640x128xf32, #tpu.memory_space<hbm>>
      %dma_start3A_114 = tpu.memref_squeeze %dma_start3A_113 : memref<1x640x128xf32, #tpu.memory_space<hbm>> -> memref<640x128xf32, #tpu.memory_space<hbm>>
      %dma_start3A_115 = arith.constant 0 : i32
      %dma_start3A_116 = tpu.memref_slice %arg5[%mul3A_109, %dma_start3A_115] : memref<10240x128xf32, #tpu.memory_space<vmem_shared>> -> memref<640x128xf32, #tpu.memory_space<vmem_shared>>
      tpu.enqueue_dma source(%dma_start3A_116 : memref<640x128xf32, #tpu.memory_space<vmem_shared>>) target(%dma_start3A_114 : memref<640x128xf32, #tpu.memory_space<hbm>>) target_semaphore(%run_scoped3A : memref<!tpu.dma_semaphore, #tpu.memory_space<semaphore_mem>>)
      %dma_wait3A_117 = arith.constant 0 : i32
      %dma_wait3A_118 = tpu.memref_slice %arg4[%arg0, %mul3A_111, %dma_wait3A_117] : memref<2x10240x128xf32, #tpu.memory_space<hbm>> -> memref<1x640x128xf32, #tpu.memory_space<hbm>>
      %dma_wait3A_119 = tpu.memref_squeeze %dma_wait3A_118 : memref<1x640x128xf32, #tpu.memory_space<hbm>> -> memref<640x128xf32, #tpu.memory_space<hbm>>
      %dma_wait3A_120 = arith.constant 0 : i32
      %dma_wait3A_121 = tpu.memref_slice %arg5[%mul3A_109, %dma_wait3A_120] : memref<10240x128xf32, #tpu.memory_space<vmem_shared>> -> memref<640x128xf32, #tpu.memory_space<vmem_shared>>
      tpu.wait_dma2 semaphore(%run_scoped3A : memref<!tpu.dma_semaphore, #tpu.memory_space<semaphore_mem>>) src(%dma_wait3A_121 : memref<640x128xf32, #tpu.memory_space<vmem_shared>>) dst(%dma_wait3A_119 : memref<640x128xf32, #tpu.memory_space<hbm>>)
      tpu.yield
    }) : () -> ()
    return
  }
}

#map = affine_map<(d0, d1) -> (0, 0, 0, 0)>
#map1 = affine_map<(d0, d1) -> (0, 0)>
#map2 = affine_map<(d0, d1) -> (0, 0, 0)>
module attributes {stable_mosaic.version = 14 : i64} {
  func.func @_scatter_body(%arg0: i32, %arg1: i32, %arg2: memref<32x80x2x128xi32, #tpu.memory_space<hbm>>, %arg3: memref<10000x128xf32, #tpu.memory_space<hbm>>, %arg4: memref<2x10240x128xf32, #tpu.memory_space<hbm>>, %arg5: memref<10240x128xf32, #tpu.memory_space<vmem_shared>>, %arg6: memref<2x128xi32, #tpu.memory_space<vmem>>, %arg7: memref<2x128xi32, #tpu.memory_space<vmem>>, %arg8: memref<128x128xf32, #tpu.memory_space<vmem>>, %arg9: memref<128x128xf32, #tpu.memory_space<vmem>>, %arg10: memref<!tpu.dma_semaphore, #tpu.memory_space<semaphore_mem>>, %arg11: memref<!tpu.dma_semaphore, #tpu.memory_space<semaphore_mem>>, %arg12: memref<!tpu.dma_semaphore, #tpu.memory_space<semaphore_mem>>, %arg13: memref<!tpu.dma_semaphore, #tpu.memory_space<semaphore_mem>>, %arg14: memref<!tpu.dma_semaphore, #tpu.memory_space<semaphore_mem>>, %arg15: memref<!tpu.dma_semaphore, #tpu.memory_space<semaphore_mem>>) attributes {dimension_semantics = [#tpu.dimension_semantics<core_parallel>, #tpu.dimension_semantics<subcore_parallel>], iteration_bounds = array<i64: 2, 16>, scalar_prefetch = 0 : i64, scratch_operands = 11 : i64, tpu.core_type = #tpu.core_type<sc_vector_subcore>, window_params = [{transform_indices = #map}, {transform_indices = #map1}, {transform_indices = #map2}]} {
    %mul3A = arith.constant 16 : i32
    %mul3A_0 = arith.muli %arg0, %mul3A : i32
    %add3A = arith.addi %mul3A_0, %arg1 : i32
    %scan3A = arith.constant 0 : i32
    %scan3A_1 = arith.constant 0 : i32
    %scan3A_2 = arith.constant 128 : i32
    %scan3A_3 = arith.addi %scan3A_1, %scan3A_2 : i32
    %scan3A_4 = arith.constant 1 : i32
    %scan3A_5 = scf.for %scan3A_112 = %scan3A_1 to %scan3A_3 step %scan3A_4 iter_args(%scan3A_113 = %scan3A) -> (i32)  : i32 {
      %scan3A_114 = arith.constant 0 : i32
      %scan3A_115 = arith.constant 0 : i32
      %scan3A_116 = arith.constant 8 : i32
      %scan3A_117 = arith.addi %scan3A_115, %scan3A_116 : i32
      %scan3A_118 = arith.constant 1 : i32
      %scan3A_119 = scf.for %scan3A_122 = %scan3A_115 to %scan3A_117 step %scan3A_118 iter_args(%scan3A_123 = %scan3A_114) -> (i32)  : i32 {
        %broadcast_in_dim3A = arith.constant 0.000000e+00 : f32
        %broadcast_in_dim3A_124 = vector.broadcast %broadcast_in_dim3A : f32 to vector<16xf32>
        %mul3A_125 = arith.constant 16 : i32
        %mul3A_126 = arith.muli %scan3A_122, %mul3A_125 : i32
        %swap3A = arith.index_cast %scan3A_112 : i32 to index
        %swap3A_127 = arith.index_cast %mul3A_126 : i32 to index
        %swap3A_128 = tpu.vector_load %arg8[%swap3A, %swap3A_127] {strides = array<i32>} : memref<128x128xf32, #tpu.memory_space<vmem>>, vector<16xf32>,
        tpu.vector_store %arg8[%swap3A, %swap3A_127], %broadcast_in_dim3A_124 {strides = array<i32>} : memref<128x128xf32, #tpu.memory_space<vmem>>, vector<16xf32>,
        %scan3A_129 = arith.constant 0 : i32
        scf.yield %scan3A_129 : i32
      }
      %scan3A_120 = arith.constant 8 : i32
      %scan3A_121 = arith.constant 0 : i32
      scf.yield %scan3A_121 : i32
    }
    %scan3A_6 = arith.constant 128 : i32
    %scan3A_7 = arith.constant 0 : i32
    %scan3A_8 = arith.constant 0 : i32
    %scan3A_9 = arith.constant 5 : i32
    %scan3A_10 = arith.addi %scan3A_8, %scan3A_9 : i32
    %scan3A_11 = arith.constant 1 : i32
    %scan3A_12 = scf.for %scan3A_112 = %scan3A_8 to %scan3A_10 step %scan3A_11 iter_args(%scan3A_113 = %scan3A_7) -> (i32)  : i32 {
      %mul3A_114 = arith.constant 640 : i32
      %mul3A_115 = arith.muli %arg1, %mul3A_114 : i32
      %mul3A_116 = arith.constant 128 : i32
      %mul3A_117 = arith.muli %scan3A_112, %mul3A_116 : i32
      %add3A_118 = arith.addi %mul3A_115, %mul3A_117 : i32
      "tpu.region"() ({
        %run_scoped3A = tpu.sem_alloc : memref<!tpu.dma_semaphore, #tpu.memory_space<semaphore_mem>>
        %dma_start3A_120 = arith.constant 0 : i32
        %dma_start3A_121 = arith.constant 0 : i32
        %dma_start3A_122 = tpu.memref_slice %arg8[%dma_start3A_120, %dma_start3A_121] : memref<128x128xf32, #tpu.memory_space<vmem>> -> memref<128x128xf32, #tpu.memory_space<vmem>>
        %dma_start3A_123 = arith.constant 0 : i32
        %dma_start3A_124 = tpu.memref_slice %arg5[%add3A_118, %dma_start3A_123] : memref<10240x128xf32, #tpu.memory_space<vmem_shared>> -> memref<128x128xf32, #tpu.memory_space<vmem_shared>>
        %dma_start3A_125 = arith.constant 0 : i32
        %dma_start3A_126 = tpu.memref_slice %arg5[%add3A_118, %dma_start3A_125] : memref<10240x128xf32, #tpu.memory_space<vmem_shared>> -> memref<128x128xf32, #tpu.memory_space<vmem_shared>>
        %dma_start3A_127 = arith.constant 0 : i32
        %dma_start3A_128 = arith.constant 0 : i32
        %dma_start3A_129 = tpu.memref_slice %arg8[%dma_start3A_127, %dma_start3A_128] : memref<128x128xf32, #tpu.memory_space<vmem>> -> memref<128x128xf32, #tpu.memory_space<vmem>>
        tpu.enqueue_dma source(%dma_start3A_129 : memref<128x128xf32, #tpu.memory_space<vmem>>) target(%dma_start3A_126 : memref<128x128xf32, #tpu.memory_space<vmem_shared>>) target_semaphore(%run_scoped3A : memref<!tpu.dma_semaphore, #tpu.memory_space<semaphore_mem>>)
        %dma_wait3A_130 = arith.constant 0 : i32
        %dma_wait3A_131 = arith.constant 0 : i32
        %dma_wait3A_132 = tpu.memref_slice %arg8[%dma_wait3A_130, %dma_wait3A_131] : memref<128x128xf32, #tpu.memory_space<vmem>> -> memref<128x128xf32, #tpu.memory_space<vmem>>
        %dma_wait3A_133 = arith.constant 0 : i32
        %dma_wait3A_134 = tpu.memref_slice %arg5[%add3A_118, %dma_wait3A_133] : memref<10240x128xf32, #tpu.memory_space<vmem_shared>> -> memref<128x128xf32, #tpu.memory_space<vmem_shared>>
        %dma_wait3A_135 = arith.constant 0 : i32
        %dma_wait3A_136 = tpu.memref_slice %arg5[%add3A_118, %dma_wait3A_135] : memref<10240x128xf32, #tpu.memory_space<vmem_shared>> -> memref<128x128xf32, #tpu.memory_space<vmem_shared>>
        %dma_wait3A_137 = arith.constant 0 : i32
        %dma_wait3A_138 = arith.constant 0 : i32
        %dma_wait3A_139 = tpu.memref_slice %arg8[%dma_wait3A_137, %dma_wait3A_138] : memref<128x128xf32, #tpu.memory_space<vmem>> -> memref<128x128xf32, #tpu.memory_space<vmem>>
        tpu.wait_dma2 semaphore(%run_scoped3A : memref<!tpu.dma_semaphore, #tpu.memory_space<semaphore_mem>>) src(%dma_wait3A_139 : memref<128x128xf32, #tpu.memory_space<vmem>>) dst(%dma_wait3A_136 : memref<128x128xf32, #tpu.memory_space<vmem_shared>>)
        tpu.yield
      }) : () -> ()
      %scan3A_119 = arith.constant 0 : i32
      scf.yield %scan3A_119 : i32
    }
    %scan3A_13 = arith.constant 5 : i32
    %barrier3A = arith.constant 0 : index
    tpu.barrier barrier_id(%barrier3A)
    %dma_start3A = arith.constant 0 : i32
    %dma_start3A_14 = arith.constant 0 : i32
    %dma_start3A_15 = arith.constant 0 : i32
    %dma_start3A_16 = tpu.memref_slice %arg2[%add3A, %dma_start3A, %dma_start3A_14, %dma_start3A_15] : memref<32x80x2x128xi32, #tpu.memory_space<hbm>> -> memref<1x1x2x128xi32, #tpu.memory_space<hbm>>
    %dma_start3A_17 = tpu.memref_squeeze %dma_start3A_16 : memref<1x1x2x128xi32, #tpu.memory_space<hbm>> -> memref<2x128xi32, #tpu.memory_space<hbm>>
    %dma_start3A_18 = arith.constant 0 : i32
    %dma_start3A_19 = arith.constant 0 : i32
    %dma_start3A_20 = tpu.memref_slice %arg2[%add3A, %dma_start3A, %dma_start3A_18, %dma_start3A_19] : memref<32x80x2x128xi32, #tpu.memory_space<hbm>> -> memref<1x1x2x128xi32, #tpu.memory_space<hbm>>
    %dma_start3A_21 = tpu.memref_squeeze %dma_start3A_20 : memref<1x1x2x128xi32, #tpu.memory_space<hbm>> -> memref<2x128xi32, #tpu.memory_space<hbm>>
    tpu.enqueue_dma source(%dma_start3A_21 : memref<2x128xi32, #tpu.memory_space<hbm>>) target(%arg6 : memref<2x128xi32, #tpu.memory_space<vmem>>) target_semaphore(%arg10 : memref<!tpu.dma_semaphore, #tpu.memory_space<semaphore_mem>>)
    %dma_start3A_22 = arith.constant 1 : i32
    %dma_start3A_23 = arith.constant 0 : i32
    %dma_start3A_24 = arith.constant 0 : i32
    %dma_start3A_25 = tpu.memref_slice %arg2[%add3A, %dma_start3A_22, %dma_start3A_23, %dma_start3A_24] : memref<32x80x2x128xi32, #tpu.memory_space<hbm>> -> memref<1x1x2x128xi32, #tpu.memory_space<hbm>>
    %dma_start3A_26 = tpu.memref_squeeze %dma_start3A_25 : memref<1x1x2x128xi32, #tpu.memory_space<hbm>> -> memref<2x128xi32, #tpu.memory_space<hbm>>
    %dma_start3A_27 = arith.constant 0 : i32
    %dma_start3A_28 = arith.constant 0 : i32
    %dma_start3A_29 = tpu.memref_slice %arg2[%add3A, %dma_start3A_22, %dma_start3A_27, %dma_start3A_28] : memref<32x80x2x128xi32, #tpu.memory_space<hbm>> -> memref<1x1x2x128xi32, #tpu.memory_space<hbm>>
    %dma_start3A_30 = tpu.memref_squeeze %dma_start3A_29 : memref<1x1x2x128xi32, #tpu.memory_space<hbm>> -> memref<2x128xi32, #tpu.memory_space<hbm>>
    tpu.enqueue_dma source(%dma_start3A_30 : memref<2x128xi32, #tpu.memory_space<hbm>>) target(%arg7 : memref<2x128xi32, #tpu.memory_space<vmem>>) target_semaphore(%arg11 : memref<!tpu.dma_semaphore, #tpu.memory_space<semaphore_mem>>)
    %dma_wait3A = arith.constant 0 : i32
    %dma_wait3A_31 = arith.constant 0 : i32
    %dma_wait3A_32 = arith.constant 0 : i32
    %dma_wait3A_33 = tpu.memref_slice %arg2[%add3A, %dma_wait3A, %dma_wait3A_31, %dma_wait3A_32] : memref<32x80x2x128xi32, #tpu.memory_space<hbm>> -> memref<1x1x2x128xi32, #tpu.memory_space<hbm>>
    %dma_wait3A_34 = tpu.memref_squeeze %dma_wait3A_33 : memref<1x1x2x128xi32, #tpu.memory_space<hbm>> -> memref<2x128xi32, #tpu.memory_space<hbm>>
    %dma_wait3A_35 = arith.constant 0 : i32
    %dma_wait3A_36 = arith.constant 0 : i32
    %dma_wait3A_37 = tpu.memref_slice %arg2[%add3A, %dma_wait3A, %dma_wait3A_35, %dma_wait3A_36] : memref<32x80x2x128xi32, #tpu.memory_space<hbm>> -> memref<1x1x2x128xi32, #tpu.memory_space<hbm>>
    %dma_wait3A_38 = tpu.memref_squeeze %dma_wait3A_37 : memref<1x1x2x128xi32, #tpu.memory_space<hbm>> -> memref<2x128xi32, #tpu.memory_space<hbm>>
    tpu.wait_dma2 semaphore(%arg10 : memref<!tpu.dma_semaphore, #tpu.memory_space<semaphore_mem>>) src(%dma_wait3A_38 : memref<2x128xi32, #tpu.memory_space<hbm>>) dst(%arg6 : memref<2x128xi32, #tpu.memory_space<vmem>>)
    %dma_start3A_39 = arith.constant 0 : i32
    %dma_start3A_40 = arith.constant 0 : i32
    %dma_start3A_41 = tpu.memref_slice %arg6[%dma_start3A_39, %dma_start3A_40] : memref<2x128xi32, #tpu.memory_space<vmem>> -> memref<1x128xi32, #tpu.memory_space<vmem>>
    %dma_start3A_42 = tpu.memref_squeeze %dma_start3A_41 : memref<1x128xi32, #tpu.memory_space<vmem>> -> memref<128xi32, #tpu.memory_space<vmem>>
    %dma_start3A_43 = arith.constant 0 : i32
    %dma_start3A_44 = arith.constant 0 : i32
    %dma_start3A_45 = tpu.memref_slice %arg3[%dma_start3A_43, %dma_start3A_44] : memref<10000x128xf32, #tpu.memory_space<hbm>> -> memref<10000x128xf32, #tpu.memory_space<hbm>>
    tpu.enqueue_indirect_dma source(%dma_start3A_45 : memref<10000x128xf32, #tpu.memory_space<hbm>>) target(%arg8 : memref<128x128xf32, #tpu.memory_space<vmem>>) offsets(%dma_start3A_42 : memref<128xi32, #tpu.memory_space<vmem>>) semaphore(%arg12 : memref<!tpu.dma_semaphore, #tpu.memory_space<semaphore_mem>>)
    %dma_wait3A_46 = arith.constant 0 : i32
    %dma_wait3A_47 = arith.constant 0 : i32
    %dma_wait3A_48 = arith.constant 0 : i32
    %dma_wait3A_49 = tpu.memref_slice %arg2[%add3A, %dma_wait3A_46, %dma_wait3A_47, %dma_wait3A_48] : memref<32x80x2x128xi32, #tpu.memory_space<hbm>> -> memref<1x1x2x128xi32, #tpu.memory_space<hbm>>
    %dma_wait3A_50 = tpu.memref_squeeze %dma_wait3A_49 : memref<1x1x2x128xi32, #tpu.memory_space<hbm>> -> memref<2x128xi32, #tpu.memory_space<hbm>>
    %dma_wait3A_51 = arith.constant 0 : i32
    %dma_wait3A_52 = arith.constant 0 : i32
    %dma_wait3A_53 = tpu.memref_slice %arg2[%add3A, %dma_wait3A_46, %dma_wait3A_51, %dma_wait3A_52] : memref<32x80x2x128xi32, #tpu.memory_space<hbm>> -> memref<1x1x2x128xi32, #tpu.memory_space<hbm>>
    %dma_wait3A_54 = tpu.memref_squeeze %dma_wait3A_53 : memref<1x1x2x128xi32, #tpu.memory_space<hbm>> -> memref<2x128xi32, #tpu.memory_space<hbm>>
    tpu.wait_dma2 semaphore(%arg11 : memref<!tpu.dma_semaphore, #tpu.memory_space<semaphore_mem>>) src(%dma_wait3A_54 : memref<2x128xi32, #tpu.memory_space<hbm>>) dst(%arg7 : memref<2x128xi32, #tpu.memory_space<vmem>>)
    %dma_start3A_55 = arith.constant 0 : i32
    %dma_start3A_56 = arith.constant 0 : i32
    %dma_start3A_57 = tpu.memref_slice %arg7[%dma_start3A_55, %dma_start3A_56] : memref<2x128xi32, #tpu.memory_space<vmem>> -> memref<1x128xi32, #tpu.memory_space<vmem>>
    %dma_start3A_58 = tpu.memref_squeeze %dma_start3A_57 : memref<1x128xi32, #tpu.memory_space<vmem>> -> memref<128xi32, #tpu.memory_space<vmem>>
    %dma_start3A_59 = arith.constant 0 : i32
    %dma_start3A_60 = arith.constant 0 : i32
    %dma_start3A_61 = tpu.memref_slice %arg3[%dma_start3A_59, %dma_start3A_60] : memref<10000x128xf32, #tpu.memory_space<hbm>> -> memref<10000x128xf32, #tpu.memory_space<hbm>>
    tpu.enqueue_indirect_dma source(%dma_start3A_61 : memref<10000x128xf32, #tpu.memory_space<hbm>>) target(%arg9 : memref<128x128xf32, #tpu.memory_space<vmem>>) offsets(%dma_start3A_58 : memref<128xi32, #tpu.memory_space<vmem>>) semaphore(%arg13 : memref<!tpu.dma_semaphore, #tpu.memory_space<semaphore_mem>>)
    %scan3A_62 = arith.constant 0 : i32
    %scan3A_63 = arith.constant 0 : i32
    %scan3A_64 = arith.constant 39 : i32
    %scan3A_65 = arith.addi %scan3A_63, %scan3A_64 : i32
    %scan3A_66 = arith.constant 1 : i32
    %scan3A_67 = scf.for %scan3A_112 = %scan3A_63 to %scan3A_65 step %scan3A_66 iter_args(%scan3A_113 = %scan3A_62) -> (i32)  : i32 {
      %mul3A_114 = arith.constant 2 : i32
      %mul3A_115 = arith.muli %mul3A_114, %scan3A_112 : i32
      %dma_wait3A_116 = arith.constant 0 : i32
      %dma_wait3A_117 = arith.constant 0 : i32
      %dma_wait3A_118 = tpu.memref_slice %arg3[%dma_wait3A_116, %dma_wait3A_117] : memref<10000x128xf32, #tpu.memory_space<hbm>> -> memref<128x128xf32, #tpu.memory_space<hbm>>
      %dma_wait3A_119 = arith.constant 0 : i32
      %dma_wait3A_120 = arith.constant 0 : i32
      %dma_wait3A_121 = tpu.memref_slice %arg3[%dma_wait3A_119, %dma_wait3A_120] : memref<10000x128xf32, #tpu.memory_space<hbm>> -> memref<128x128xf32, #tpu.memory_space<hbm>>
      tpu.wait_dma2 semaphore(%arg12 : memref<!tpu.dma_semaphore, #tpu.memory_space<semaphore_mem>>) src(%dma_wait3A_121 : memref<128x128xf32, #tpu.memory_space<hbm>>) dst(%arg8 : memref<128x128xf32, #tpu.memory_space<vmem>>)
      %dma_start3A_122 = arith.constant 1 : i32
      %dma_start3A_123 = arith.constant 0 : i32
      %dma_start3A_124 = tpu.memref_slice %arg6[%dma_start3A_122, %dma_start3A_123] : memref<2x128xi32, #tpu.memory_space<vmem>> -> memref<1x128xi32, #tpu.memory_space<vmem>>
      %dma_start3A_125 = tpu.memref_squeeze %dma_start3A_124 : memref<1x128xi32, #tpu.memory_space<vmem>> -> memref<128xi32, #tpu.memory_space<vmem>>
      %dma_start3A_126 = arith.constant 0 : i32
      %dma_start3A_127 = arith.constant 0 : i32
      %dma_start3A_128 = tpu.memref_slice %arg5[%dma_start3A_126, %dma_start3A_127] : memref<10240x128xf32, #tpu.memory_space<vmem_shared>> -> memref<10240x128xf32, #tpu.memory_space<vmem_shared>>
      tpu.enqueue_indirect_dma source(%arg8 : memref<128x128xf32, #tpu.memory_space<vmem>>) target(%dma_start3A_128 : memref<10240x128xf32, #tpu.memory_space<vmem_shared>>) offsets(%dma_start3A_125 : memref<128xi32, #tpu.memory_space<vmem>>) semaphore(%arg14 : memref<!tpu.dma_semaphore, #tpu.memory_space<semaphore_mem>>) {add = true}
      %dma_wait3A_129 = arith.constant 0 : i32
      %dma_wait3A_130 = arith.constant 0 : i32
      %dma_wait3A_131 = tpu.memref_slice %arg3[%dma_wait3A_129, %dma_wait3A_130] : memref<10000x128xf32, #tpu.memory_space<hbm>> -> memref<128x128xf32, #tpu.memory_space<hbm>>
      %dma_wait3A_132 = arith.constant 0 : i32
      %dma_wait3A_133 = arith.constant 0 : i32
      %dma_wait3A_134 = tpu.memref_slice %arg3[%dma_wait3A_132, %dma_wait3A_133] : memref<10000x128xf32, #tpu.memory_space<hbm>> -> memref<128x128xf32, #tpu.memory_space<hbm>>
      tpu.wait_dma2 semaphore(%arg14 : memref<!tpu.dma_semaphore, #tpu.memory_space<semaphore_mem>>) src(%dma_wait3A_134 : memref<128x128xf32, #tpu.memory_space<hbm>>) dst(%arg8 : memref<128x128xf32, #tpu.memory_space<vmem>>)
      %add3A_135 = arith.constant 2 : i32
      %add3A_136 = arith.addi %mul3A_115, %add3A_135 : i32
      %dma_start3A_137 = arith.constant 0 : i32
      %dma_start3A_138 = arith.constant 0 : i32
      %dma_start3A_139 = tpu.memref_slice %arg2[%add3A, %add3A_136, %dma_start3A_137, %dma_start3A_138] : memref<32x80x2x128xi32, #tpu.memory_space<hbm>> -> memref<1x1x2x128xi32, #tpu.memory_space<hbm>>
      %dma_start3A_140 = tpu.memref_squeeze %dma_start3A_139 : memref<1x1x2x128xi32, #tpu.memory_space<hbm>> -> memref<2x128xi32, #tpu.memory_space<hbm>>
      %dma_start3A_141 = arith.constant 0 : i32
      %dma_start3A_142 = arith.constant 0 : i32
      %dma_start3A_143 = tpu.memref_slice %arg2[%add3A, %add3A_136, %dma_start3A_141, %dma_start3A_142] : memref<32x80x2x128xi32, #tpu.memory_space<hbm>> -> memref<1x1x2x128xi32, #tpu.memory_space<hbm>>
      %dma_start3A_144 = tpu.memref_squeeze %dma_start3A_143 : memref<1x1x2x128xi32, #tpu.memory_space<hbm>> -> memref<2x128xi32, #tpu.memory_space<hbm>>
      tpu.enqueue_dma source(%dma_start3A_144 : memref<2x128xi32, #tpu.memory_space<hbm>>) target(%arg6 : memref<2x128xi32, #tpu.memory_space<vmem>>) target_semaphore(%arg10 : memref<!tpu.dma_semaphore, #tpu.memory_space<semaphore_mem>>)
      %dma_wait3A_145 = arith.constant 0 : i32
      %dma_wait3A_146 = arith.constant 0 : i32
      %dma_wait3A_147 = arith.constant 0 : i32
      %dma_wait3A_148 = tpu.memref_slice %arg2[%add3A, %dma_wait3A_145, %dma_wait3A_146, %dma_wait3A_147] : memref<32x80x2x128xi32, #tpu.memory_space<hbm>> -> memref<1x1x2x128xi32, #tpu.memory_space<hbm>>
      %dma_wait3A_149 = tpu.memref_squeeze %dma_wait3A_148 : memref<1x1x2x128xi32, #tpu.memory_space<hbm>> -> memref<2x128xi32, #tpu.memory_space<hbm>>
      %dma_wait3A_150 = arith.constant 0 : i32
      %dma_wait3A_151 = arith.constant 0 : i32
      %dma_wait3A_152 = tpu.memref_slice %arg2[%add3A, %dma_wait3A_145, %dma_wait3A_150, %dma_wait3A_151] : memref<32x80x2x128xi32, #tpu.memory_space<hbm>> -> memref<1x1x2x128xi32, #tpu.memory_space<hbm>>
      %dma_wait3A_153 = tpu.memref_squeeze %dma_wait3A_152 : memref<1x1x2x128xi32, #tpu.memory_space<hbm>> -> memref<2x128xi32, #tpu.memory_space<hbm>>
      tpu.wait_dma2 semaphore(%arg10 : memref<!tpu.dma_semaphore, #tpu.memory_space<semaphore_mem>>) src(%dma_wait3A_153 : memref<2x128xi32, #tpu.memory_space<hbm>>) dst(%arg6 : memref<2x128xi32, #tpu.memory_space<vmem>>)
      %dma_start3A_154 = arith.constant 0 : i32
      %dma_start3A_155 = arith.constant 0 : i32
      %dma_start3A_156 = tpu.memref_slice %arg6[%dma_start3A_154, %dma_start3A_155] : memref<2x128xi32, #tpu.memory_space<vmem>> -> memref<1x128xi32, #tpu.memory_space<vmem>>
      %dma_start3A_157 = tpu.memref_squeeze %dma_start3A_156 : memref<1x128xi32, #tpu.memory_space<vmem>> -> memref<128xi32, #tpu.memory_space<vmem>>
      %dma_start3A_158 = arith.constant 0 : i32
      %dma_start3A_159 = arith.constant 0 : i32
      %dma_start3A_160 = tpu.memref_slice %arg3[%dma_start3A_158, %dma_start3A_159] : memref<10000x128xf32, #tpu.memory_space<hbm>> -> memref<10000x128xf32, #tpu.memory_space<hbm>>
      tpu.enqueue_indirect_dma source(%dma_start3A_160 : memref<10000x128xf32, #tpu.memory_space<hbm>>) target(%arg8 : memref<128x128xf32, #tpu.memory_space<vmem>>) offsets(%dma_start3A_157 : memref<128xi32, #tpu.memory_space<vmem>>) semaphore(%arg12 : memref<!tpu.dma_semaphore, #tpu.memory_space<semaphore_mem>>)
      %dma_wait3A_161 = arith.constant 0 : i32
      %dma_wait3A_162 = arith.constant 0 : i32
      %dma_wait3A_163 = tpu.memref_slice %arg3[%dma_wait3A_161, %dma_wait3A_162] : memref<10000x128xf32, #tpu.memory_space<hbm>> -> memref<128x128xf32, #tpu.memory_space<hbm>>
      %dma_wait3A_164 = arith.constant 0 : i32
      %dma_wait3A_165 = arith.constant 0 : i32
      %dma_wait3A_166 = tpu.memref_slice %arg3[%dma_wait3A_164, %dma_wait3A_165] : memref<10000x128xf32, #tpu.memory_space<hbm>> -> memref<128x128xf32, #tpu.memory_space<hbm>>
      tpu.wait_dma2 semaphore(%arg13 : memref<!tpu.dma_semaphore, #tpu.memory_space<semaphore_mem>>) src(%dma_wait3A_166 : memref<128x128xf32, #tpu.memory_space<hbm>>) dst(%arg9 : memref<128x128xf32, #tpu.memory_space<vmem>>)
      %dma_start3A_167 = arith.constant 1 : i32
      %dma_start3A_168 = arith.constant 0 : i32
      %dma_start3A_169 = tpu.memref_slice %arg7[%dma_start3A_167, %dma_start3A_168] : memref<2x128xi32, #tpu.memory_space<vmem>> -> memref<1x128xi32, #tpu.memory_space<vmem>>
      %dma_start3A_170 = tpu.memref_squeeze %dma_start3A_169 : memref<1x128xi32, #tpu.memory_space<vmem>> -> memref<128xi32, #tpu.memory_space<vmem>>
      %dma_start3A_171 = arith.constant 0 : i32
      %dma_start3A_172 = arith.constant 0 : i32
      %dma_start3A_173 = tpu.memref_slice %arg5[%dma_start3A_171, %dma_start3A_172] : memref<10240x128xf32, #tpu.memory_space<vmem_shared>> -> memref<10240x128xf32, #tpu.memory_space<vmem_shared>>
      tpu.enqueue_indirect_dma source(%arg9 : memref<128x128xf32, #tpu.memory_space<vmem>>) target(%dma_start3A_173 : memref<10240x128xf32, #tpu.memory_space<vmem_shared>>) offsets(%dma_start3A_170 : memref<128xi32, #tpu.memory_space<vmem>>) semaphore(%arg15 : memref<!tpu.dma_semaphore, #tpu.memory_space<semaphore_mem>>) {add = true}
      %dma_wait3A_174 = arith.constant 0 : i32
      %dma_wait3A_175 = arith.constant 0 : i32
      %dma_wait3A_176 = tpu.memref_slice %arg3[%dma_wait3A_174, %dma_wait3A_175] : memref<10000x128xf32, #tpu.memory_space<hbm>> -> memref<128x128xf32, #tpu.memory_space<hbm>>
      %dma_wait3A_177 = arith.constant 0 : i32
      %dma_wait3A_178 = arith.constant 0 : i32
      %dma_wait3A_179 = tpu.memref_slice %arg3[%dma_wait3A_177, %dma_wait3A_178] : memref<10000x128xf32, #tpu.memory_space<hbm>> -> memref<128x128xf32, #tpu.memory_space<hbm>>
      tpu.wait_dma2 semaphore(%arg15 : memref<!tpu.dma_semaphore, #tpu.memory_space<semaphore_mem>>) src(%dma_wait3A_179 : memref<128x128xf32, #tpu.memory_space<hbm>>) dst(%arg9 : memref<128x128xf32, #tpu.memory_space<vmem>>)
      %add3A_180 = arith.constant 3 : i32
      %add3A_181 = arith.addi %mul3A_115, %add3A_180 : i32
      %dma_start3A_182 = arith.constant 0 : i32
      %dma_start3A_183 = arith.constant 0 : i32
      %dma_start3A_184 = tpu.memref_slice %arg2[%add3A, %add3A_181, %dma_start3A_182, %dma_start3A_183] : memref<32x80x2x128xi32, #tpu.memory_space<hbm>> -> memref<1x1x2x128xi32, #tpu.memory_space<hbm>>
      %dma_start3A_185 = tpu.memref_squeeze %dma_start3A_184 : memref<1x1x2x128xi32, #tpu.memory_space<hbm>> -> memref<2x128xi32, #tpu.memory_space<hbm>>
      %dma_start3A_186 = arith.constant 0 : i32
      %dma_start3A_187 = arith.constant 0 : i32
      %dma_start3A_188 = tpu.memref_slice %arg2[%add3A, %add3A_181, %dma_start3A_186, %dma_start3A_187] : memref<32x80x2x128xi32, #tpu.memory_space<hbm>> -> memref<1x1x2x128xi32, #tpu.memory_space<hbm>>
      %dma_start3A_189 = tpu.memref_squeeze %dma_start3A_188 : memref<1x1x2x128xi32, #tpu.memory_space<hbm>> -> memref<2x128xi32, #tpu.memory_space<hbm>>
      tpu.enqueue_dma source(%dma_start3A_189 : memref<2x128xi32, #tpu.memory_space<hbm>>) target(%arg7 : memref<2x128xi32, #tpu.memory_space<vmem>>) target_semaphore(%arg11 : memref<!tpu.dma_semaphore, #tpu.memory_space<semaphore_mem>>)
      %dma_wait3A_190 = arith.constant 0 : i32
      %dma_wait3A_191 = arith.constant 0 : i32
      %dma_wait3A_192 = arith.constant 0 : i32
      %dma_wait3A_193 = tpu.memref_slice %arg2[%add3A, %dma_wait3A_190, %dma_wait3A_191, %dma_wait3A_192] : memref<32x80x2x128xi32, #tpu.memory_space<hbm>> -> memref<1x1x2x128xi32, #tpu.memory_space<hbm>>
      %dma_wait3A_194 = tpu.memref_squeeze %dma_wait3A_193 : memref<1x1x2x128xi32, #tpu.memory_space<hbm>> -> memref<2x128xi32, #tpu.memory_space<hbm>>
      %dma_wait3A_195 = arith.constant 0 : i32
      %dma_wait3A_196 = arith.constant 0 : i32
      %dma_wait3A_197 = tpu.memref_slice %arg2[%add3A, %dma_wait3A_190, %dma_wait3A_195, %dma_wait3A_196] : memref<32x80x2x128xi32, #tpu.memory_space<hbm>> -> memref<1x1x2x128xi32, #tpu.memory_space<hbm>>
      %dma_wait3A_198 = tpu.memref_squeeze %dma_wait3A_197 : memref<1x1x2x128xi32, #tpu.memory_space<hbm>> -> memref<2x128xi32, #tpu.memory_space<hbm>>
      tpu.wait_dma2 semaphore(%arg11 : memref<!tpu.dma_semaphore, #tpu.memory_space<semaphore_mem>>) src(%dma_wait3A_198 : memref<2x128xi32, #tpu.memory_space<hbm>>) dst(%arg7 : memref<2x128xi32, #tpu.memory_space<vmem>>)
      %dma_start3A_199 = arith.constant 0 : i32
      %dma_start3A_200 = arith.constant 0 : i32
      %dma_start3A_201 = tpu.memref_slice %arg7[%dma_start3A_199, %dma_start3A_200] : memref<2x128xi32, #tpu.memory_space<vmem>> -> memref<1x128xi32, #tpu.memory_space<vmem>>
      %dma_start3A_202 = tpu.memref_squeeze %dma_start3A_201 : memref<1x128xi32, #tpu.memory_space<vmem>> -> memref<128xi32, #tpu.memory_space<vmem>>
      %dma_start3A_203 = arith.constant 0 : i32
      %dma_start3A_204 = arith.constant 0 : i32
      %dma_start3A_205 = tpu.memref_slice %arg3[%dma_start3A_203, %dma_start3A_204] : memref<10000x128xf32, #tpu.memory_space<hbm>> -> memref<10000x128xf32, #tpu.memory_space<hbm>>
      tpu.enqueue_indirect_dma source(%dma_start3A_205 : memref<10000x128xf32, #tpu.memory_space<hbm>>) target(%arg9 : memref<128x128xf32, #tpu.memory_space<vmem>>) offsets(%dma_start3A_202 : memref<128xi32, #tpu.memory_space<vmem>>) semaphore(%arg13 : memref<!tpu.dma_semaphore, #tpu.memory_space<semaphore_mem>>)
      %scan3A_206 = arith.constant 0 : i32
      scf.yield %scan3A_206 : i32
    }
    %scan3A_68 = arith.constant 39 : i32
    %dma_wait3A_69 = arith.constant 0 : i32
    %dma_wait3A_70 = arith.constant 0 : i32
    %dma_wait3A_71 = tpu.memref_slice %arg3[%dma_wait3A_69, %dma_wait3A_70] : memref<10000x128xf32, #tpu.memory_space<hbm>> -> memref<128x128xf32, #tpu.memory_space<hbm>>
    %dma_wait3A_72 = arith.constant 0 : i32
    %dma_wait3A_73 = arith.constant 0 : i32
    %dma_wait3A_74 = tpu.memref_slice %arg3[%dma_wait3A_72, %dma_wait3A_73] : memref<10000x128xf32, #tpu.memory_space<hbm>> -> memref<128x128xf32, #tpu.memory_space<hbm>>
    tpu.wait_dma2 semaphore(%arg12 : memref<!tpu.dma_semaphore, #tpu.memory_space<semaphore_mem>>) src(%dma_wait3A_74 : memref<128x128xf32, #tpu.memory_space<hbm>>) dst(%arg8 : memref<128x128xf32, #tpu.memory_space<vmem>>)
    %dma_start3A_75 = arith.constant 1 : i32
    %dma_start3A_76 = arith.constant 0 : i32
    %dma_start3A_77 = tpu.memref_slice %arg6[%dma_start3A_75, %dma_start3A_76] : memref<2x128xi32, #tpu.memory_space<vmem>> -> memref<1x128xi32, #tpu.memory_space<vmem>>
    %dma_start3A_78 = tpu.memref_squeeze %dma_start3A_77 : memref<1x128xi32, #tpu.memory_space<vmem>> -> memref<128xi32, #tpu.memory_space<vmem>>
    %dma_start3A_79 = arith.constant 0 : i32
    %dma_start3A_80 = arith.constant 0 : i32
    %dma_start3A_81 = tpu.memref_slice %arg5[%dma_start3A_79, %dma_start3A_80] : memref<10240x128xf32, #tpu.memory_space<vmem_shared>> -> memref<10240x128xf32, #tpu.memory_space<vmem_shared>>
    tpu.enqueue_indirect_dma source(%arg8 : memref<128x128xf32, #tpu.memory_space<vmem>>) target(%dma_start3A_81 : memref<10240x128xf32, #tpu.memory_space<vmem_shared>>) offsets(%dma_start3A_78 : memref<128xi32, #tpu.memory_space<vmem>>) semaphore(%arg14 : memref<!tpu.dma_semaphore, #tpu.memory_space<semaphore_mem>>) {add = true}
    %dma_wait3A_82 = arith.constant 0 : i32
    %dma_wait3A_83 = arith.constant 0 : i32
    %dma_wait3A_84 = tpu.memref_slice %arg3[%dma_wait3A_82, %dma_wait3A_83] : memref<10000x128xf32, #tpu.memory_space<hbm>> -> memref<128x128xf32, #tpu.memory_space<hbm>>
    %dma_wait3A_85 = arith.constant 0 : i32
    %dma_wait3A_86 = arith.constant 0 : i32
    %dma_wait3A_87 = tpu.memref_slice %arg3[%dma_wait3A_85, %dma_wait3A_86] : memref<10000x128xf32, #tpu.memory_space<hbm>> -> memref<128x128xf32, #tpu.memory_space<hbm>>
    tpu.wait_dma2 semaphore(%arg14 : memref<!tpu.dma_semaphore, #tpu.memory_space<semaphore_mem>>) src(%dma_wait3A_87 : memref<128x128xf32, #tpu.memory_space<hbm>>) dst(%arg8 : memref<128x128xf32, #tpu.memory_space<vmem>>)
    %dma_wait3A_88 = arith.constant 0 : i32
    %dma_wait3A_89 = arith.constant 0 : i32
    %dma_wait3A_90 = tpu.memref_slice %arg3[%dma_wait3A_88, %dma_wait3A_89] : memref<10000x128xf32, #tpu.memory_space<hbm>> -> memref<128x128xf32, #tpu.memory_space<hbm>>
    %dma_wait3A_91 = arith.constant 0 : i32
    %dma_wait3A_92 = arith.constant 0 : i32
    %dma_wait3A_93 = tpu.memref_slice %arg3[%dma_wait3A_91, %dma_wait3A_92] : memref<10000x128xf32, #tpu.memory_space<hbm>> -> memref<128x128xf32, #tpu.memory_space<hbm>>
    tpu.wait_dma2 semaphore(%arg13 : memref<!tpu.dma_semaphore, #tpu.memory_space<semaphore_mem>>) src(%dma_wait3A_93 : memref<128x128xf32, #tpu.memory_space<hbm>>) dst(%arg9 : memref<128x128xf32, #tpu.memory_space<vmem>>)
    %dma_start3A_94 = arith.constant 1 : i32
    %dma_start3A_95 = arith.constant 0 : i32
    %dma_start3A_96 = tpu.memref_slice %arg7[%dma_start3A_94, %dma_start3A_95] : memref<2x128xi32, #tpu.memory_space<vmem>> -> memref<1x128xi32, #tpu.memory_space<vmem>>
    %dma_start3A_97 = tpu.memref_squeeze %dma_start3A_96 : memref<1x128xi32, #tpu.memory_space<vmem>> -> memref<128xi32, #tpu.memory_space<vmem>>
    %dma_start3A_98 = arith.constant 0 : i32
    %dma_start3A_99 = arith.constant 0 : i32
    %dma_start3A_100 = tpu.memref_slice %arg5[%dma_start3A_98, %dma_start3A_99] : memref<10240x128xf32, #tpu.memory_space<vmem_shared>> -> memref<10240x128xf32, #tpu.memory_space<vmem_shared>>
    tpu.enqueue_indirect_dma source(%arg9 : memref<128x128xf32, #tpu.memory_space<vmem>>) target(%dma_start3A_100 : memref<10240x128xf32, #tpu.memory_space<vmem_shared>>) offsets(%dma_start3A_97 : memref<128xi32, #tpu.memory_space<vmem>>) semaphore(%arg15 : memref<!tpu.dma_semaphore, #tpu.memory_space<semaphore_mem>>) {add = true}
    %dma_wait3A_101 = arith.constant 0 : i32
    %dma_wait3A_102 = arith.constant 0 : i32
    %dma_wait3A_103 = tpu.memref_slice %arg3[%dma_wait3A_101, %dma_wait3A_102] : memref<10000x128xf32, #tpu.memory_space<hbm>> -> memref<128x128xf32, #tpu.memory_space<hbm>>
    %dma_wait3A_104 = arith.constant 0 : i32
    %dma_wait3A_105 = arith.constant 0 : i32
    %dma_wait3A_106 = tpu.memref_slice %arg3[%dma_wait3A_104, %dma_wait3A_105] : memref<10000x128xf32, #tpu.memory_space<hbm>> -> memref<128x128xf32, #tpu.memory_space<hbm>>
    tpu.wait_dma2 semaphore(%arg15 : memref<!tpu.dma_semaphore, #tpu.memory_space<semaphore_mem>>) src(%dma_wait3A_106 : memref<128x128xf32, #tpu.memory_space<hbm>>) dst(%arg9 : memref<128x128xf32, #tpu.memory_space<vmem>>)
    %barrier3A_107 = arith.constant 0 : index
    tpu.barrier barrier_id(%barrier3A_107)
    %mul3A_108 = arith.constant 640 : i32
    %mul3A_109 = arith.muli %arg1, %mul3A_108 : i32
    %mul3A_110 = arith.constant 640 : i32
    %mul3A_111 = arith.muli %arg1, %mul3A_110 : i32
    "tpu.region"() ({
      %run_scoped3A = tpu.sem_alloc : memref<!tpu.dma_semaphore, #tpu.memory_space<semaphore_mem>>
      %dma_start3A_112 = arith.constant 0 : i32
      %dma_start3A_113 = tpu.memref_slice %arg4[%arg0, %mul3A_111, %dma_start3A_112] : memref<2x10240x128xf32, #tpu.memory_space<hbm>> -> memref<1x640x128xf32, #tpu.memory_space<hbm>>
      %dma_start3A_114 = tpu.memref_squeeze %dma_start3A_113 : memref<1x640x128xf32, #tpu.memory_space<hbm>> -> memref<640x128xf32, #tpu.memory_space<hbm>>
      %dma_start3A_115 = arith.constant 0 : i32
      %dma_start3A_116 = tpu.memref_slice %arg5[%mul3A_109, %dma_start3A_115] : memref<10240x128xf32, #tpu.memory_space<vmem_shared>> -> memref<640x128xf32, #tpu.memory_space<vmem_shared>>
      tpu.enqueue_dma source(%dma_start3A_116 : memref<640x128xf32, #tpu.memory_space<vmem_shared>>) target(%dma_start3A_114 : memref<640x128xf32, #tpu.memory_space<hbm>>) target_semaphore(%run_scoped3A : memref<!tpu.dma_semaphore, #tpu.memory_space<semaphore_mem>>)
      %dma_wait3A_117 = arith.constant 0 : i32
      %dma_wait3A_118 = tpu.memref_slice %arg4[%arg0, %mul3A_111, %dma_wait3A_117] : memref<2x10240x128xf32, #tpu.memory_space<hbm>> -> memref<1x640x128xf32, #tpu.memory_space<hbm>>
      %dma_wait3A_119 = tpu.memref_squeeze %dma_wait3A_118 : memref<1x640x128xf32, #tpu.memory_space<hbm>> -> memref<640x128xf32, #tpu.memory_space<hbm>>
      %dma_wait3A_120 = arith.constant 0 : i32
      %dma_wait3A_121 = tpu.memref_slice %arg5[%mul3A_109, %dma_wait3A_120] : memref<10240x128xf32, #tpu.memory_space<vmem_shared>> -> memref<640x128xf32, #tpu.memory_space<vmem_shared>>
      tpu.wait_dma2 semaphore(%run_scoped3A : memref<!tpu.dma_semaphore, #tpu.memory_space<semaphore_mem>>) src(%dma_wait3A_121 : memref<640x128xf32, #tpu.memory_space<vmem_shared>>) dst(%dma_wait3A_119 : memref<640x128xf32, #tpu.memory_space<hbm>>)
      tpu.yield
    }) : () -> ()
    return
  }
}

#map = affine_map<(d0, d1) -> (0, 0, 0, 0)>
#map1 = affine_map<(d0, d1) -> (0, 0)>
#map2 = affine_map<(d0, d1) -> (0, 0, 0)>
module attributes {stable_mosaic.version = 14 : i64} {
  func.func @_scatter_body(%arg0: i32, %arg1: i32, %arg2: memref<32x80x2x128xi32, #tpu.memory_space<hbm>>, %arg3: memref<10000x128xf32, #tpu.memory_space<hbm>>, %arg4: memref<2x10240x128xf32, #tpu.memory_space<hbm>>, %arg5: memref<10240x128xf32, #tpu.memory_space<vmem_shared>>, %arg6: memref<2x128xi32, #tpu.memory_space<vmem>>, %arg7: memref<2x128xi32, #tpu.memory_space<vmem>>, %arg8: memref<128x128xf32, #tpu.memory_space<vmem>>, %arg9: memref<128x128xf32, #tpu.memory_space<vmem>>, %arg10: memref<!tpu.dma_semaphore, #tpu.memory_space<semaphore_mem>>, %arg11: memref<!tpu.dma_semaphore, #tpu.memory_space<semaphore_mem>>, %arg12: memref<!tpu.dma_semaphore, #tpu.memory_space<semaphore_mem>>, %arg13: memref<!tpu.dma_semaphore, #tpu.memory_space<semaphore_mem>>, %arg14: memref<!tpu.dma_semaphore, #tpu.memory_space<semaphore_mem>>, %arg15: memref<!tpu.dma_semaphore, #tpu.memory_space<semaphore_mem>>) attributes {dimension_semantics = [#tpu.dimension_semantics<core_parallel>, #tpu.dimension_semantics<subcore_parallel>], iteration_bounds = array<i64: 2, 16>, scalar_prefetch = 0 : i64, scratch_operands = 11 : i64, tpu.core_type = #tpu.core_type<sc_vector_subcore>, window_params = [{transform_indices = #map}, {transform_indices = #map1}, {transform_indices = #map2}]} {
    %mul3A = arith.constant 16 : i32
    %mul3A_0 = arith.muli %arg0, %mul3A : i32
    %add3A = arith.addi %mul3A_0, %arg1 : i32
    %scan3A = arith.constant 0 : i32
    %scan3A_1 = arith.constant 0 : i32
    %scan3A_2 = arith.constant 128 : i32
    %scan3A_3 = arith.addi %scan3A_1, %scan3A_2 : i32
    %scan3A_4 = arith.constant 1 : i32
    %scan3A_5 = scf.for %scan3A_112 = %scan3A_1 to %scan3A_3 step %scan3A_4 iter_args(%scan3A_113 = %scan3A) -> (i32)  : i32 {
      %scan3A_114 = arith.constant 0 : i32
      %scan3A_115 = arith.constant 0 : i32
      %scan3A_116 = arith.constant 8 : i32
      %scan3A_117 = arith.addi %scan3A_115, %scan3A_116 : i32
      %scan3A_118 = arith.constant 1 : i32
      %scan3A_119 = scf.for %scan3A_122 = %scan3A_115 to %scan3A_117 step %scan3A_118 iter_args(%scan3A_123 = %scan3A_114) -> (i32)  : i32 {
        %broadcast_in_dim3A = arith.constant 0.000000e+00 : f32
        %broadcast_in_dim3A_124 = vector.broadcast %broadcast_in_dim3A : f32 to vector<16xf32>
        %mul3A_125 = arith.constant 16 : i32
        %mul3A_126 = arith.muli %scan3A_122, %mul3A_125 : i32
        %swap3A = arith.index_cast %scan3A_112 : i32 to index
        %swap3A_127 = arith.index_cast %mul3A_126 : i32 to index
        %swap3A_128 = tpu.vector_load %arg8[%swap3A, %swap3A_127] {strides = array<i32>} : memref<128x128xf32, #tpu.memory_space<vmem>>, vector<16xf32>,
        tpu.vector_store %arg8[%swap3A, %swap3A_127], %broadcast_in_dim3A_124 {strides = array<i32>} : memref<128x128xf32, #tpu.memory_space<vmem>>, vector<16xf32>,
        %scan3A_129 = arith.constant 0 : i32
        scf.yield %scan3A_129 : i32
      }
      %scan3A_120 = arith.constant 8 : i32
      %scan3A_121 = arith.constant 0 : i32
      scf.yield %scan3A_121 : i32
    }
    %scan3A_6 = arith.constant 128 : i32
    %scan3A_7 = arith.constant 0 : i32
    %scan3A_8 = arith.constant 0 : i32
    %scan3A_9 = arith.constant 5 : i32
    %scan3A_10 = arith.addi %scan3A_8, %scan3A_9 : i32
    %scan3A_11 = arith.constant 1 : i32
    %scan3A_12 = scf.for %scan3A_112 = %scan3A_8 to %scan3A_10 step %scan3A_11 iter_args(%scan3A_113 = %scan3A_7) -> (i32)  : i32 {
      %mul3A_114 = arith.constant 640 : i32
      %mul3A_115 = arith.muli %arg1, %mul3A_114 : i32
      %mul3A_116 = arith.constant 128 : i32
      %mul3A_117 = arith.muli %scan3A_112, %mul3A_116 : i32
      %add3A_118 = arith.addi %mul3A_115, %mul3A_117 : i32
      "tpu.region"() ({
        %run_scoped3A = tpu.sem_alloc : memref<!tpu.dma_semaphore, #tpu.memory_space<semaphore_mem>>
        %dma_start3A_120 = arith.constant 0 : i32
        %dma_start3A_121 = arith.constant 0 : i32
        %dma_start3A_122 = tpu.memref_slice %arg8[%dma_start3A_120, %dma_start3A_121] : memref<128x128xf32, #tpu.memory_space<vmem>> -> memref<128x128xf32, #tpu.memory_space<vmem>>
        %dma_start3A_123 = arith.constant 0 : i32
        %dma_start3A_124 = tpu.memref_slice %arg5[%add3A_118, %dma_start3A_123] : memref<10240x128xf32, #tpu.memory_space<vmem_shared>> -> memref<128x128xf32, #tpu.memory_space<vmem_shared>>
        %dma_start3A_125 = arith.constant 0 : i32
        %dma_start3A_126 = tpu.memref_slice %arg5[%add3A_118, %dma_start3A_125] : memref<10240x128xf32, #tpu.memory_space<vmem_shared>> -> memref<128x128xf32, #tpu.memory_space<vmem_shared>>
        %dma_start3A_127 = arith.constant 0 : i32
        %dma_start3A_128 = arith.constant 0 : i32
        %dma_start3A_129 = tpu.memref_slice %arg8[%dma_start3A_127, %dma_start3A_128] : memref<128x128xf32, #tpu.memory_space<vmem>> -> memref<128x128xf32, #tpu.memory_space<vmem>>
        tpu.enqueue_dma source(%dma_start3A_129 : memref<128x128xf32, #tpu.memory_space<vmem>>) target(%dma_start3A_126 : memref<128x128xf32, #tpu.memory_space<vmem_shared>>) target_semaphore(%run_scoped3A : memref<!tpu.dma_semaphore, #tpu.memory_space<semaphore_mem>>)
        %dma_wait3A_130 = arith.constant 0 : i32
        %dma_wait3A_131 = arith.constant 0 : i32
        %dma_wait3A_132 = tpu.memref_slice %arg8[%dma_wait3A_130, %dma_wait3A_131] : memref<128x128xf32, #tpu.memory_space<vmem>> -> memref<128x128xf32, #tpu.memory_space<vmem>>
        %dma_wait3A_133 = arith.constant 0 : i32
        %dma_wait3A_134 = tpu.memref_slice %arg5[%add3A_118, %dma_wait3A_133] : memref<10240x128xf32, #tpu.memory_space<vmem_shared>> -> memref<128x128xf32, #tpu.memory_space<vmem_shared>>
        %dma_wait3A_135 = arith.constant 0 : i32
        %dma_wait3A_136 = tpu.memref_slice %arg5[%add3A_118, %dma_wait3A_135] : memref<10240x128xf32, #tpu.memory_space<vmem_shared>> -> memref<128x128xf32, #tpu.memory_space<vmem_shared>>
        %dma_wait3A_137 = arith.constant 0 : i32
        %dma_wait3A_138 = arith.constant 0 : i32
        %dma_wait3A_139 = tpu.memref_slice %arg8[%dma_wait3A_137, %dma_wait3A_138] : memref<128x128xf32, #tpu.memory_space<vmem>> -> memref<128x128xf32, #tpu.memory_space<vmem>>
        tpu.wait_dma2 semaphore(%run_scoped3A : memref<!tpu.dma_semaphore, #tpu.memory_space<semaphore_mem>>) src(%dma_wait3A_139 : memref<128x128xf32, #tpu.memory_space<vmem>>) dst(%dma_wait3A_136 : memref<128x128xf32, #tpu.memory_space<vmem_shared>>)
        tpu.yield
      }) : () -> ()
      %scan3A_119 = arith.constant 0 : i32
      scf.yield %scan3A_119 : i32
    }
    %scan3A_13 = arith.constant 5 : i32
    %barrier3A = arith.constant 0 : index
    tpu.barrier barrier_id(%barrier3A)
    %dma_start3A = arith.constant 0 : i32
    %dma_start3A_14 = arith.constant 0 : i32
    %dma_start3A_15 = arith.constant 0 : i32
    %dma_start3A_16 = tpu.memref_slice %arg2[%add3A, %dma_start3A, %dma_start3A_14, %dma_start3A_15] : memref<32x80x2x128xi32, #tpu.memory_space<hbm>> -> memref<1x1x2x128xi32, #tpu.memory_space<hbm>>
    %dma_start3A_17 = tpu.memref_squeeze %dma_start3A_16 : memref<1x1x2x128xi32, #tpu.memory_space<hbm>> -> memref<2x128xi32, #tpu.memory_space<hbm>>
    %dma_start3A_18 = arith.constant 0 : i32
    %dma_start3A_19 = arith.constant 0 : i32
    %dma_start3A_20 = tpu.memref_slice %arg2[%add3A, %dma_start3A, %dma_start3A_18, %dma_start3A_19] : memref<32x80x2x128xi32, #tpu.memory_space<hbm>> -> memref<1x1x2x128xi32, #tpu.memory_space<hbm>>
    %dma_start3A_21 = tpu.memref_squeeze %dma_start3A_20 : memref<1x1x2x128xi32, #tpu.memory_space<hbm>> -> memref<2x128xi32, #tpu.memory_space<hbm>>
    tpu.enqueue_dma source(%dma_start3A_21 : memref<2x128xi32, #tpu.memory_space<hbm>>) target(%arg6 : memref<2x128xi32, #tpu.memory_space<vmem>>) target_semaphore(%arg10 : memref<!tpu.dma_semaphore, #tpu.memory_space<semaphore_mem>>)
    %dma_start3A_22 = arith.constant 1 : i32
    %dma_start3A_23 = arith.constant 0 : i32
    %dma_start3A_24 = arith.constant 0 : i32
    %dma_start3A_25 = tpu.memref_slice %arg2[%add3A, %dma_start3A_22, %dma_start3A_23, %dma_start3A_24] : memref<32x80x2x128xi32, #tpu.memory_space<hbm>> -> memref<1x1x2x128xi32, #tpu.memory_space<hbm>>
    %dma_start3A_26 = tpu.memref_squeeze %dma_start3A_25 : memref<1x1x2x128xi32, #tpu.memory_space<hbm>> -> memref<2x128xi32, #tpu.memory_space<hbm>>
    %dma_start3A_27 = arith.constant 0 : i32
    %dma_start3A_28 = arith.constant 0 : i32
    %dma_start3A_29 = tpu.memref_slice %arg2[%add3A, %dma_start3A_22, %dma_start3A_27, %dma_start3A_28] : memref<32x80x2x128xi32, #tpu.memory_space<hbm>> -> memref<1x1x2x128xi32, #tpu.memory_space<hbm>>
    %dma_start3A_30 = tpu.memref_squeeze %dma_start3A_29 : memref<1x1x2x128xi32, #tpu.memory_space<hbm>> -> memref<2x128xi32, #tpu.memory_space<hbm>>
    tpu.enqueue_dma source(%dma_start3A_30 : memref<2x128xi32, #tpu.memory_space<hbm>>) target(%arg7 : memref<2x128xi32, #tpu.memory_space<vmem>>) target_semaphore(%arg11 : memref<!tpu.dma_semaphore, #tpu.memory_space<semaphore_mem>>)
    %dma_wait3A = arith.constant 0 : i32
    %dma_wait3A_31 = arith.constant 0 : i32
    %dma_wait3A_32 = arith.constant 0 : i32
    %dma_wait3A_33 = tpu.memref_slice %arg2[%add3A, %dma_wait3A, %dma_wait3A_31, %dma_wait3A_32] : memref<32x80x2x128xi32, #tpu.memory_space<hbm>> -> memref<1x1x2x128xi32, #tpu.memory_space<hbm>>
    %dma_wait3A_34 = tpu.memref_squeeze %dma_wait3A_33 : memref<1x1x2x128xi32, #tpu.memory_space<hbm>> -> memref<2x128xi32, #tpu.memory_space<hbm>>
    %dma_wait3A_35 = arith.constant 0 : i32
    %dma_wait3A_36 = arith.constant 0 : i32
    %dma_wait3A_37 = tpu.memref_slice %arg2[%add3A, %dma_wait3A, %dma_wait3A_35, %dma_wait3A_36] : memref<32x80x2x128xi32, #tpu.memory_space<hbm>> -> memref<1x1x2x128xi32, #tpu.memory_space<hbm>>
    %dma_wait3A_38 = tpu.memref_squeeze %dma_wait3A_37 : memref<1x1x2x128xi32, #tpu.memory_space<hbm>> -> memref<2x128xi32, #tpu.memory_space<hbm>>
    tpu.wait_dma2 semaphore(%arg10 : memref<!tpu.dma_semaphore, #tpu.memory_space<semaphore_mem>>) src(%dma_wait3A_38 : memref<2x128xi32, #tpu.memory_space<hbm>>) dst(%arg6 : memref<2x128xi32, #tpu.memory_space<vmem>>)
    %dma_start3A_39 = arith.constant 0 : i32
    %dma_start3A_40 = arith.constant 0 : i32
    %dma_start3A_41 = tpu.memref_slice %arg6[%dma_start3A_39, %dma_start3A_40] : memref<2x128xi32, #tpu.memory_space<vmem>> -> memref<1x128xi32, #tpu.memory_space<vmem>>
    %dma_start3A_42 = tpu.memref_squeeze %dma_start3A_41 : memref<1x128xi32, #tpu.memory_space<vmem>> -> memref<128xi32, #tpu.memory_space<vmem>>
    %dma_start3A_43 = arith.constant 0 : i32
    %dma_start3A_44 = arith.constant 0 : i32
    %dma_start3A_45 = tpu.memref_slice %arg3[%dma_start3A_43, %dma_start3A_44] : memref<10000x128xf32, #tpu.memory_space<hbm>> -> memref<10000x128xf32, #tpu.memory_space<hbm>>
    tpu.enqueue_indirect_dma source(%dma_start3A_45 : memref<10000x128xf32, #tpu.memory_space<hbm>>) target(%arg8 : memref<128x128xf32, #tpu.memory_space<vmem>>) offsets(%dma_start3A_42 : memref<128xi32, #tpu.memory_space<vmem>>) semaphore(%arg12 : memref<!tpu.dma_semaphore, #tpu.memory_space<semaphore_mem>>)
    %dma_wait3A_46 = arith.constant 0 : i32
    %dma_wait3A_47 = arith.constant 0 : i32
    %dma_wait3A_48 = arith.constant 0 : i32
    %dma_wait3A_49 = tpu.memref_slice %arg2[%add3A, %dma_wait3A_46, %dma_wait3A_47, %dma_wait3A_48] : memref<32x80x2x128xi32, #tpu.memory_space<hbm>> -> memref<1x1x2x128xi32, #tpu.memory_space<hbm>>
    %dma_wait3A_50 = tpu.memref_squeeze %dma_wait3A_49 : memref<1x1x2x128xi32, #tpu.memory_space<hbm>> -> memref<2x128xi32, #tpu.memory_space<hbm>>
    %dma_wait3A_51 = arith.constant 0 : i32
    %dma_wait3A_52 = arith.constant 0 : i32
    %dma_wait3A_53 = tpu.memref_slice %arg2[%add3A, %dma_wait3A_46, %dma_wait3A_51, %dma_wait3A_52] : memref<32x80x2x128xi32, #tpu.memory_space<hbm>> -> memref<1x1x2x128xi32, #tpu.memory_space<hbm>>
    %dma_wait3A_54 = tpu.memref_squeeze %dma_wait3A_53 : memref<1x1x2x128xi32, #tpu.memory_space<hbm>> -> memref<2x128xi32, #tpu.memory_space<hbm>>
    tpu.wait_dma2 semaphore(%arg11 : memref<!tpu.dma_semaphore, #tpu.memory_space<semaphore_mem>>) src(%dma_wait3A_54 : memref<2x128xi32, #tpu.memory_space<hbm>>) dst(%arg7 : memref<2x128xi32, #tpu.memory_space<vmem>>)
    %dma_start3A_55 = arith.constant 0 : i32
    %dma_start3A_56 = arith.constant 0 : i32
    %dma_start3A_57 = tpu.memref_slice %arg7[%dma_start3A_55, %dma_start3A_56] : memref<2x128xi32, #tpu.memory_space<vmem>> -> memref<1x128xi32, #tpu.memory_space<vmem>>
    %dma_start3A_58 = tpu.memref_squeeze %dma_start3A_57 : memref<1x128xi32, #tpu.memory_space<vmem>> -> memref<128xi32, #tpu.memory_space<vmem>>
    %dma_start3A_59 = arith.constant 0 : i32
    %dma_start3A_60 = arith.constant 0 : i32
    %dma_start3A_61 = tpu.memref_slice %arg3[%dma_start3A_59, %dma_start3A_60] : memref<10000x128xf32, #tpu.memory_space<hbm>> -> memref<10000x128xf32, #tpu.memory_space<hbm>>
    tpu.enqueue_indirect_dma source(%dma_start3A_61 : memref<10000x128xf32, #tpu.memory_space<hbm>>) target(%arg9 : memref<128x128xf32, #tpu.memory_space<vmem>>) offsets(%dma_start3A_58 : memref<128xi32, #tpu.memory_space<vmem>>) semaphore(%arg13 : memref<!tpu.dma_semaphore, #tpu.memory_space<semaphore_mem>>)
    %scan3A_62 = arith.constant 0 : i32
    %scan3A_63 = arith.constant 0 : i32
    %scan3A_64 = arith.constant 39 : i32
    %scan3A_65 = arith.addi %scan3A_63, %scan3A_64 : i32
    %scan3A_66 = arith.constant 1 : i32
    %scan3A_67 = scf.for %scan3A_112 = %scan3A_63 to %scan3A_65 step %scan3A_66 iter_args(%scan3A_113 = %scan3A_62) -> (i32)  : i32 {
      %mul3A_114 = arith.constant 2 : i32
      %mul3A_115 = arith.muli %mul3A_114, %scan3A_112 : i32
      %dma_wait3A_116 = arith.constant 0 : i32
      %dma_wait3A_117 = arith.constant 0 : i32
      %dma_wait3A_118 = tpu.memref_slice %arg3[%dma_wait3A_116, %dma_wait3A_117] : memref<10000x128xf32, #tpu.memory_space<hbm>> -> memref<128x128xf32, #tpu.memory_space<hbm>>
      %dma_wait3A_119 = arith.constant 0 : i32
      %dma_wait3A_120 = arith.constant 0 : i32
      %dma_wait3A_121 = tpu.memref_slice %arg3[%dma_wait3A_119, %dma_wait3A_120] : memref<10000x128xf32, #tpu.memory_space<hbm>> -> memref<128x128xf32, #tpu.memory_space<hbm>>
      tpu.wait_dma2 semaphore(%arg12 : memref<!tpu.dma_semaphore, #tpu.memory_space<semaphore_mem>>) src(%dma_wait3A_121 : memref<128x128xf32, #tpu.memory_space<hbm>>) dst(%arg8 : memref<128x128xf32, #tpu.memory_space<vmem>>)
      %dma_start3A_122 = arith.constant 1 : i32
      %dma_start3A_123 = arith.constant 0 : i32
      %dma_start3A_124 = tpu.memref_slice %arg6[%dma_start3A_122, %dma_start3A_123] : memref<2x128xi32, #tpu.memory_space<vmem>> -> memref<1x128xi32, #tpu.memory_space<vmem>>
      %dma_start3A_125 = tpu.memref_squeeze %dma_start3A_124 : memref<1x128xi32, #tpu.memory_space<vmem>> -> memref<128xi32, #tpu.memory_space<vmem>>
      %dma_start3A_126 = arith.constant 0 : i32
      %dma_start3A_127 = arith.constant 0 : i32
      %dma_start3A_128 = tpu.memref_slice %arg5[%dma_start3A_126, %dma_start3A_127] : memref<10240x128xf32, #tpu.memory_space<vmem_shared>> -> memref<10240x128xf32, #tpu.memory_space<vmem_shared>>
      tpu.enqueue_indirect_dma source(%arg8 : memref<128x128xf32, #tpu.memory_space<vmem>>) target(%dma_start3A_128 : memref<10240x128xf32, #tpu.memory_space<vmem_shared>>) offsets(%dma_start3A_125 : memref<128xi32, #tpu.memory_space<vmem>>) semaphore(%arg14 : memref<!tpu.dma_semaphore, #tpu.memory_space<semaphore_mem>>) {add = true}
      %dma_wait3A_129 = arith.constant 0 : i32
      %dma_wait3A_130 = arith.constant 0 : i32
      %dma_wait3A_131 = tpu.memref_slice %arg3[%dma_wait3A_129, %dma_wait3A_130] : memref<10000x128xf32, #tpu.memory_space<hbm>> -> memref<128x128xf32, #tpu.memory_space<hbm>>
      %dma_wait3A_132 = arith.constant 0 : i32
      %dma_wait3A_133 = arith.constant 0 : i32
      %dma_wait3A_134 = tpu.memref_slice %arg3[%dma_wait3A_132, %dma_wait3A_133] : memref<10000x128xf32, #tpu.memory_space<hbm>> -> memref<128x128xf32, #tpu.memory_space<hbm>>
      tpu.wait_dma2 semaphore(%arg14 : memref<!tpu.dma_semaphore, #tpu.memory_space<semaphore_mem>>) src(%dma_wait3A_134 : memref<128x128xf32, #tpu.memory_space<hbm>>) dst(%arg8 : memref<128x128xf32, #tpu.memory_space<vmem>>)
      %add3A_135 = arith.constant 2 : i32
      %add3A_136 = arith.addi %mul3A_115, %add3A_135 : i32
      %dma_start3A_137 = arith.constant 0 : i32
      %dma_start3A_138 = arith.constant 0 : i32
      %dma_start3A_139 = tpu.memref_slice %arg2[%add3A, %add3A_136, %dma_start3A_137, %dma_start3A_138] : memref<32x80x2x128xi32, #tpu.memory_space<hbm>> -> memref<1x1x2x128xi32, #tpu.memory_space<hbm>>
      %dma_start3A_140 = tpu.memref_squeeze %dma_start3A_139 : memref<1x1x2x128xi32, #tpu.memory_space<hbm>> -> memref<2x128xi32, #tpu.memory_space<hbm>>
      %dma_start3A_141 = arith.constant 0 : i32
      %dma_start3A_142 = arith.constant 0 : i32
      %dma_start3A_143 = tpu.memref_slice %arg2[%add3A, %add3A_136, %dma_start3A_141, %dma_start3A_142] : memref<32x80x2x128xi32, #tpu.memory_space<hbm>> -> memref<1x1x2x128xi32, #tpu.memory_space<hbm>>
      %dma_start3A_144 = tpu.memref_squeeze %dma_start3A_143 : memref<1x1x2x128xi32, #tpu.memory_space<hbm>> -> memref<2x128xi32, #tpu.memory_space<hbm>>
      tpu.enqueue_dma source(%dma_start3A_144 : memref<2x128xi32, #tpu.memory_space<hbm>>) target(%arg6 : memref<2x128xi32, #tpu.memory_space<vmem>>) target_semaphore(%arg10 : memref<!tpu.dma_semaphore, #tpu.memory_space<semaphore_mem>>)
      %dma_wait3A_145 = arith.constant 0 : i32
      %dma_wait3A_146 = arith.constant 0 : i32
      %dma_wait3A_147 = arith.constant 0 : i32
      %dma_wait3A_148 = tpu.memref_slice %arg2[%add3A, %dma_wait3A_145, %dma_wait3A_146, %dma_wait3A_147] : memref<32x80x2x128xi32, #tpu.memory_space<hbm>> -> memref<1x1x2x128xi32, #tpu.memory_space<hbm>>
      %dma_wait3A_149 = tpu.memref_squeeze %dma_wait3A_148 : memref<1x1x2x128xi32, #tpu.memory_space<hbm>> -> memref<2x128xi32, #tpu.memory_space<hbm>>
      %dma_wait3A_150 = arith.constant 0 : i32
      %dma_wait3A_151 = arith.constant 0 : i32
      %dma_wait3A_152 = tpu.memref_slice %arg2[%add3A, %dma_wait3A_145, %dma_wait3A_150, %dma_wait3A_151] : memref<32x80x2x128xi32, #tpu.memory_space<hbm>> -> memref<1x1x2x128xi32, #tpu.memory_space<hbm>>
      %dma_wait3A_153 = tpu.memref_squeeze %dma_wait3A_152 : memref<1x1x2x128xi32, #tpu.memory_space<hbm>> -> memref<2x128xi32, #tpu.memory_space<hbm>>
      tpu.wait_dma2 semaphore(%arg10 : memref<!tpu.dma_semaphore, #tpu.memory_space<semaphore_mem>>) src(%dma_wait3A_153 : memref<2x128xi32, #tpu.memory_space<hbm>>) dst(%arg6 : memref<2x128xi32, #tpu.memory_space<vmem>>)
      %dma_start3A_154 = arith.constant 0 : i32
      %dma_start3A_155 = arith.constant 0 : i32
      %dma_start3A_156 = tpu.memref_slice %arg6[%dma_start3A_154, %dma_start3A_155] : memref<2x128xi32, #tpu.memory_space<vmem>> -> memref<1x128xi32, #tpu.memory_space<vmem>>
      %dma_start3A_157 = tpu.memref_squeeze %dma_start3A_156 : memref<1x128xi32, #tpu.memory_space<vmem>> -> memref<128xi32, #tpu.memory_space<vmem>>
      %dma_start3A_158 = arith.constant 0 : i32
      %dma_start3A_159 = arith.constant 0 : i32
      %dma_start3A_160 = tpu.memref_slice %arg3[%dma_start3A_158, %dma_start3A_159] : memref<10000x128xf32, #tpu.memory_space<hbm>> -> memref<10000x128xf32, #tpu.memory_space<hbm>>
      tpu.enqueue_indirect_dma source(%dma_start3A_160 : memref<10000x128xf32, #tpu.memory_space<hbm>>) target(%arg8 : memref<128x128xf32, #tpu.memory_space<vmem>>) offsets(%dma_start3A_157 : memref<128xi32, #tpu.memory_space<vmem>>) semaphore(%arg12 : memref<!tpu.dma_semaphore, #tpu.memory_space<semaphore_mem>>)
      %dma_wait3A_161 = arith.constant 0 : i32
      %dma_wait3A_162 = arith.constant 0 : i32
      %dma_wait3A_163 = tpu.memref_slice %arg3[%dma_wait3A_161, %dma_wait3A_162] : memref<10000x128xf32, #tpu.memory_space<hbm>> -> memref<128x128xf32, #tpu.memory_space<hbm>>
      %dma_wait3A_164 = arith.constant 0 : i32
      %dma_wait3A_165 = arith.constant 0 : i32
      %dma_wait3A_166 = tpu.memref_slice %arg3[%dma_wait3A_164, %dma_wait3A_165] : memref<10000x128xf32, #tpu.memory_space<hbm>> -> memref<128x128xf32, #tpu.memory_space<hbm>>
      tpu.wait_dma2 semaphore(%arg13 : memref<!tpu.dma_semaphore, #tpu.memory_space<semaphore_mem>>) src(%dma_wait3A_166 : memref<128x128xf32, #tpu.memory_space<hbm>>) dst(%arg9 : memref<128x128xf32, #tpu.memory_space<vmem>>)
      %dma_start3A_167 = arith.constant 1 : i32
      %dma_start3A_168 = arith.constant 0 : i32
      %dma_start3A_169 = tpu.memref_slice %arg7[%dma_start3A_167, %dma_start3A_168] : memref<2x128xi32, #tpu.memory_space<vmem>> -> memref<1x128xi32, #tpu.memory_space<vmem>>
      %dma_start3A_170 = tpu.memref_squeeze %dma_start3A_169 : memref<1x128xi32, #tpu.memory_space<vmem>> -> memref<128xi32, #tpu.memory_space<vmem>>
      %dma_start3A_171 = arith.constant 0 : i32
      %dma_start3A_172 = arith.constant 0 : i32
      %dma_start3A_173 = tpu.memref_slice %arg5[%dma_start3A_171, %dma_start3A_172] : memref<10240x128xf32, #tpu.memory_space<vmem_shared>> -> memref<10240x128xf32, #tpu.memory_space<vmem_shared>>
      tpu.enqueue_indirect_dma source(%arg9 : memref<128x128xf32, #tpu.memory_space<vmem>>) target(%dma_start3A_173 : memref<10240x128xf32, #tpu.memory_space<vmem_shared>>) offsets(%dma_start3A_170 : memref<128xi32, #tpu.memory_space<vmem>>) semaphore(%arg15 : memref<!tpu.dma_semaphore, #tpu.memory_space<semaphore_mem>>) {add = true}
      %dma_wait3A_174 = arith.constant 0 : i32
      %dma_wait3A_175 = arith.constant 0 : i32
      %dma_wait3A_176 = tpu.memref_slice %arg3[%dma_wait3A_174, %dma_wait3A_175] : memref<10000x128xf32, #tpu.memory_space<hbm>> -> memref<128x128xf32, #tpu.memory_space<hbm>>
      %dma_wait3A_177 = arith.constant 0 : i32
      %dma_wait3A_178 = arith.constant 0 : i32
      %dma_wait3A_179 = tpu.memref_slice %arg3[%dma_wait3A_177, %dma_wait3A_178] : memref<10000x128xf32, #tpu.memory_space<hbm>> -> memref<128x128xf32, #tpu.memory_space<hbm>>
      tpu.wait_dma2 semaphore(%arg15 : memref<!tpu.dma_semaphore, #tpu.memory_space<semaphore_mem>>) src(%dma_wait3A_179 : memref<128x128xf32, #tpu.memory_space<hbm>>) dst(%arg9 : memref<128x128xf32, #tpu.memory_space<vmem>>)
      %add3A_180 = arith.constant 3 : i32
      %add3A_181 = arith.addi %mul3A_115, %add3A_180 : i32
      %dma_start3A_182 = arith.constant 0 : i32
      %dma_start3A_183 = arith.constant 0 : i32
      %dma_start3A_184 = tpu.memref_slice %arg2[%add3A, %add3A_181, %dma_start3A_182, %dma_start3A_183] : memref<32x80x2x128xi32, #tpu.memory_space<hbm>> -> memref<1x1x2x128xi32, #tpu.memory_space<hbm>>
      %dma_start3A_185 = tpu.memref_squeeze %dma_start3A_184 : memref<1x1x2x128xi32, #tpu.memory_space<hbm>> -> memref<2x128xi32, #tpu.memory_space<hbm>>
      %dma_start3A_186 = arith.constant 0 : i32
      %dma_start3A_187 = arith.constant 0 : i32
      %dma_start3A_188 = tpu.memref_slice %arg2[%add3A, %add3A_181, %dma_start3A_186, %dma_start3A_187] : memref<32x80x2x128xi32, #tpu.memory_space<hbm>> -> memref<1x1x2x128xi32, #tpu.memory_space<hbm>>
      %dma_start3A_189 = tpu.memref_squeeze %dma_start3A_188 : memref<1x1x2x128xi32, #tpu.memory_space<hbm>> -> memref<2x128xi32, #tpu.memory_space<hbm>>
      tpu.enqueue_dma source(%dma_start3A_189 : memref<2x128xi32, #tpu.memory_space<hbm>>) target(%arg7 : memref<2x128xi32, #tpu.memory_space<vmem>>) target_semaphore(%arg11 : memref<!tpu.dma_semaphore, #tpu.memory_space<semaphore_mem>>)
      %dma_wait3A_190 = arith.constant 0 : i32
      %dma_wait3A_191 = arith.constant 0 : i32
      %dma_wait3A_192 = arith.constant 0 : i32
      %dma_wait3A_193 = tpu.memref_slice %arg2[%add3A, %dma_wait3A_190, %dma_wait3A_191, %dma_wait3A_192] : memref<32x80x2x128xi32, #tpu.memory_space<hbm>> -> memref<1x1x2x128xi32, #tpu.memory_space<hbm>>
      %dma_wait3A_194 = tpu.memref_squeeze %dma_wait3A_193 : memref<1x1x2x128xi32, #tpu.memory_space<hbm>> -> memref<2x128xi32, #tpu.memory_space<hbm>>
      %dma_wait3A_195 = arith.constant 0 : i32
      %dma_wait3A_196 = arith.constant 0 : i32
      %dma_wait3A_197 = tpu.memref_slice %arg2[%add3A, %dma_wait3A_190, %dma_wait3A_195, %dma_wait3A_196] : memref<32x80x2x128xi32, #tpu.memory_space<hbm>> -> memref<1x1x2x128xi32, #tpu.memory_space<hbm>>
      %dma_wait3A_198 = tpu.memref_squeeze %dma_wait3A_197 : memref<1x1x2x128xi32, #tpu.memory_space<hbm>> -> memref<2x128xi32, #tpu.memory_space<hbm>>
      tpu.wait_dma2 semaphore(%arg11 : memref<!tpu.dma_semaphore, #tpu.memory_space<semaphore_mem>>) src(%dma_wait3A_198 : memref<2x128xi32, #tpu.memory_space<hbm>>) dst(%arg7 : memref<2x128xi32, #tpu.memory_space<vmem>>)
      %dma_start3A_199 = arith.constant 0 : i32
      %dma_start3A_200 = arith.constant 0 : i32
      %dma_start3A_201 = tpu.memref_slice %arg7[%dma_start3A_199, %dma_start3A_200] : memref<2x128xi32, #tpu.memory_space<vmem>> -> memref<1x128xi32, #tpu.memory_space<vmem>>
      %dma_start3A_202 = tpu.memref_squeeze %dma_start3A_201 : memref<1x128xi32, #tpu.memory_space<vmem>> -> memref<128xi32, #tpu.memory_space<vmem>>
      %dma_start3A_203 = arith.constant 0 : i32
      %dma_start3A_204 = arith.constant 0 : i32
      %dma_start3A_205 = tpu.memref_slice %arg3[%dma_start3A_203, %dma_start3A_204] : memref<10000x128xf32, #tpu.memory_space<hbm>> -> memref<10000x128xf32, #tpu.memory_space<hbm>>
      tpu.enqueue_indirect_dma source(%dma_start3A_205 : memref<10000x128xf32, #tpu.memory_space<hbm>>) target(%arg9 : memref<128x128xf32, #tpu.memory_space<vmem>>) offsets(%dma_start3A_202 : memref<128xi32, #tpu.memory_space<vmem>>) semaphore(%arg13 : memref<!tpu.dma_semaphore, #tpu.memory_space<semaphore_mem>>)
      %scan3A_206 = arith.constant 0 : i32
      scf.yield %scan3A_206 : i32
    }
    %scan3A_68 = arith.constant 39 : i32
    %dma_wait3A_69 = arith.constant 0 : i32
    %dma_wait3A_70 = arith.constant 0 : i32
    %dma_wait3A_71 = tpu.memref_slice %arg3[%dma_wait3A_69, %dma_wait3A_70] : memref<10000x128xf32, #tpu.memory_space<hbm>> -> memref<128x128xf32, #tpu.memory_space<hbm>>
    %dma_wait3A_72 = arith.constant 0 : i32
    %dma_wait3A_73 = arith.constant 0 : i32
    %dma_wait3A_74 = tpu.memref_slice %arg3[%dma_wait3A_72, %dma_wait3A_73] : memref<10000x128xf32, #tpu.memory_space<hbm>> -> memref<128x128xf32, #tpu.memory_space<hbm>>
    tpu.wait_dma2 semaphore(%arg12 : memref<!tpu.dma_semaphore, #tpu.memory_space<semaphore_mem>>) src(%dma_wait3A_74 : memref<128x128xf32, #tpu.memory_space<hbm>>) dst(%arg8 : memref<128x128xf32, #tpu.memory_space<vmem>>)
    %dma_start3A_75 = arith.constant 1 : i32
    %dma_start3A_76 = arith.constant 0 : i32
    %dma_start3A_77 = tpu.memref_slice %arg6[%dma_start3A_75, %dma_start3A_76] : memref<2x128xi32, #tpu.memory_space<vmem>> -> memref<1x128xi32, #tpu.memory_space<vmem>>
    %dma_start3A_78 = tpu.memref_squeeze %dma_start3A_77 : memref<1x128xi32, #tpu.memory_space<vmem>> -> memref<128xi32, #tpu.memory_space<vmem>>
    %dma_start3A_79 = arith.constant 0 : i32
    %dma_start3A_80 = arith.constant 0 : i32
    %dma_start3A_81 = tpu.memref_slice %arg5[%dma_start3A_79, %dma_start3A_80] : memref<10240x128xf32, #tpu.memory_space<vmem_shared>> -> memref<10240x128xf32, #tpu.memory_space<vmem_shared>>
    tpu.enqueue_indirect_dma source(%arg8 : memref<128x128xf32, #tpu.memory_space<vmem>>) target(%dma_start3A_81 : memref<10240x128xf32, #tpu.memory_space<vmem_shared>>) offsets(%dma_start3A_78 : memref<128xi32, #tpu.memory_space<vmem>>) semaphore(%arg14 : memref<!tpu.dma_semaphore, #tpu.memory_space<semaphore_mem>>) {add = true}
    %dma_wait3A_82 = arith.constant 0 : i32
    %dma_wait3A_83 = arith.constant 0 : i32
    %dma_wait3A_84 = tpu.memref_slice %arg3[%dma_wait3A_82, %dma_wait3A_83] : memref<10000x128xf32, #tpu.memory_space<hbm>> -> memref<128x128xf32, #tpu.memory_space<hbm>>
    %dma_wait3A_85 = arith.constant 0 : i32
    %dma_wait3A_86 = arith.constant 0 : i32
    %dma_wait3A_87 = tpu.memref_slice %arg3[%dma_wait3A_85, %dma_wait3A_86] : memref<10000x128xf32, #tpu.memory_space<hbm>> -> memref<128x128xf32, #tpu.memory_space<hbm>>
    tpu.wait_dma2 semaphore(%arg14 : memref<!tpu.dma_semaphore, #tpu.memory_space<semaphore_mem>>) src(%dma_wait3A_87 : memref<128x128xf32, #tpu.memory_space<hbm>>) dst(%arg8 : memref<128x128xf32, #tpu.memory_space<vmem>>)
    %dma_wait3A_88 = arith.constant 0 : i32
    %dma_wait3A_89 = arith.constant 0 : i32
    %dma_wait3A_90 = tpu.memref_slice %arg3[%dma_wait3A_88, %dma_wait3A_89] : memref<10000x128xf32, #tpu.memory_space<hbm>> -> memref<128x128xf32, #tpu.memory_space<hbm>>
    %dma_wait3A_91 = arith.constant 0 : i32
    %dma_wait3A_92 = arith.constant 0 : i32
    %dma_wait3A_93 = tpu.memref_slice %arg3[%dma_wait3A_91, %dma_wait3A_92] : memref<10000x128xf32, #tpu.memory_space<hbm>> -> memref<128x128xf32, #tpu.memory_space<hbm>>
    tpu.wait_dma2 semaphore(%arg13 : memref<!tpu.dma_semaphore, #tpu.memory_space<semaphore_mem>>) src(%dma_wait3A_93 : memref<128x128xf32, #tpu.memory_space<hbm>>) dst(%arg9 : memref<128x128xf32, #tpu.memory_space<vmem>>)
    %dma_start3A_94 = arith.constant 1 : i32
    %dma_start3A_95 = arith.constant 0 : i32
    %dma_start3A_96 = tpu.memref_slice %arg7[%dma_start3A_94, %dma_start3A_95] : memref<2x128xi32, #tpu.memory_space<vmem>> -> memref<1x128xi32, #tpu.memory_space<vmem>>
    %dma_start3A_97 = tpu.memref_squeeze %dma_start3A_96 : memref<1x128xi32, #tpu.memory_space<vmem>> -> memref<128xi32, #tpu.memory_space<vmem>>
    %dma_start3A_98 = arith.constant 0 : i32
    %dma_start3A_99 = arith.constant 0 : i32
    %dma_start3A_100 = tpu.memref_slice %arg5[%dma_start3A_98, %dma_start3A_99] : memref<10240x128xf32, #tpu.memory_space<vmem_shared>> -> memref<10240x128xf32, #tpu.memory_space<vmem_shared>>
    tpu.enqueue_indirect_dma source(%arg9 : memref<128x128xf32, #tpu.memory_space<vmem>>) target(%dma_start3A_100 : memref<10240x128xf32, #tpu.memory_space<vmem_shared>>) offsets(%dma_start3A_97 : memref<128xi32, #tpu.memory_space<vmem>>) semaphore(%arg15 : memref<!tpu.dma_semaphore, #tpu.memory_space<semaphore_mem>>) {add = true}
    %dma_wait3A_101 = arith.constant 0 : i32
    %dma_wait3A_102 = arith.constant 0 : i32
    %dma_wait3A_103 = tpu.memref_slice %arg3[%dma_wait3A_101, %dma_wait3A_102] : memref<10000x128xf32, #tpu.memory_space<hbm>> -> memref<128x128xf32, #tpu.memory_space<hbm>>
    %dma_wait3A_104 = arith.constant 0 : i32
    %dma_wait3A_105 = arith.constant 0 : i32
    %dma_wait3A_106 = tpu.memref_slice %arg3[%dma_wait3A_104, %dma_wait3A_105] : memref<10000x128xf32, #tpu.memory_space<hbm>> -> memref<128x128xf32, #tpu.memory_space<hbm>>
    tpu.wait_dma2 semaphore(%arg15 : memref<!tpu.dma_semaphore, #tpu.memory_space<semaphore_mem>>) src(%dma_wait3A_106 : memref<128x128xf32, #tpu.memory_space<hbm>>) dst(%arg9 : memref<128x128xf32, #tpu.memory_space<vmem>>)
    %barrier3A_107 = arith.constant 0 : index
    tpu.barrier barrier_id(%barrier3A_107)
    %mul3A_108 = arith.constant 640 : i32
    %mul3A_109 = arith.muli %arg1, %mul3A_108 : i32
    %mul3A_110 = arith.constant 640 : i32
    %mul3A_111 = arith.muli %arg1, %mul3A_110 : i32
    "tpu.region"() ({
      %run_scoped3A = tpu.sem_alloc : memref<!tpu.dma_semaphore, #tpu.memory_space<semaphore_mem>>
      %dma_start3A_112 = arith.constant 0 : i32
      %dma_start3A_113 = tpu.memref_slice %arg4[%arg0, %mul3A_111, %dma_start3A_112] : memref<2x10240x128xf32, #tpu.memory_space<hbm>> -> memref<1x640x128xf32, #tpu.memory_space<hbm>>
      %dma_start3A_114 = tpu.memref_squeeze %dma_start3A_113 : memref<1x640x128xf32, #tpu.memory_space<hbm>> -> memref<640x128xf32, #tpu.memory_space<hbm>>
      %dma_start3A_115 = arith.constant 0 : i32
      %dma_start3A_116 = tpu.memref_slice %arg5[%mul3A_109, %dma_start3A_115] : memref<10240x128xf32, #tpu.memory_space<vmem_shared>> -> memref<640x128xf32, #tpu.memory_space<vmem_shared>>
      tpu.enqueue_dma source(%dma_start3A_116 : memref<640x128xf32, #tpu.memory_space<vmem_shared>>) target(%dma_start3A_114 : memref<640x128xf32, #tpu.memory_space<hbm>>) target_semaphore(%run_scoped3A : memref<!tpu.dma_semaphore, #tpu.memory_space<semaphore_mem>>)
      %dma_wait3A_117 = arith.constant 0 : i32
      %dma_wait3A_118 = tpu.memref_slice %arg4[%arg0, %mul3A_111, %dma_wait3A_117] : memref<2x10240x128xf32, #tpu.memory_space<hbm>> -> memref<1x640x128xf32, #tpu.memory_space<hbm>>
      %dma_wait3A_119 = tpu.memref_squeeze %dma_wait3A_118 : memref<1x640x128xf32, #tpu.memory_space<hbm>> -> memref<640x128xf32, #tpu.memory_space<hbm>>
      %dma_wait3A_120 = arith.constant 0 : i32
      %dma_wait3A_121 = tpu.memref_slice %arg5[%mul3A_109, %dma_wait3A_120] : memref<10240x128xf32, #tpu.memory_space<vmem_shared>> -> memref<640x128xf32, #tpu.memory_space<vmem_shared>>
      tpu.wait_dma2 semaphore(%run_scoped3A : memref<!tpu.dma_semaphore, #tpu.memory_space<semaphore_mem>>) src(%dma_wait3A_121 : memref<640x128xf32, #tpu.memory_space<vmem_shared>>) dst(%dma_wait3A_119 : memref<640x128xf32, #tpu.memory_space<hbm>>)
      tpu.yield
    }) : () -> ()
    return
  }
}

module attributes {stable_mosaic.version = 14 : i64} {
  func.func @_prep_body(%arg0: i32, %arg1: memref<1000x32xf32, #tpu.memory_space<vmem>>, %arg2: memref<1000x128xf32, #tpu.memory_space<vmem>>, %arg3: memref<128x128xf32, #tpu.memory_space<vmem>>, %arg4: memref<1000x128xf32, #tpu.memory_space<vmem>>, %arg5: memref<1000x1xf32, #tpu.memory_space<vmem>>) attributes {dimension_semantics = [#tpu.dimension_semantics<arbitrary>], iteration_bounds = array<i64: 10>, scalar_prefetch = 0 : i64, scratch_operands = 0 : i64, tpu.core_type = #tpu.core_type<tc>, window_params = [{transform_indices = @transform_0, window_bounds = array<i64: 1000, 32>}, {transform_indices = @transform_1, window_bounds = array<i64: 1000, 128>}, {pipeline_mode = #tpu.pipeline_mode<synchronous>, transform_indices = @transform_2, window_bounds = array<i64: 128, 128>}, {transform_indices = @transform_3, window_bounds = array<i64: 1000, 128>}, {transform_indices = @transform_4, window_bounds = array<i64: 1000, 1>}]} {
    %get3A = arith.constant 0 : index
    %get3A_0 = arith.constant 0 : index
    %get3A_1 = vector.load %arg1[%get3A, %get3A_0] : memref<1000x32xf32, #tpu.memory_space<vmem>>, vector<1000x32xf32>
    %reduce_sum3A = arith.constant dense<0.000000e+00> : vector<1000xf32>
    %reduce_sum3A_2 = vector.multi_reduction <add>, %get3A_1, %reduce_sum3A [1] : vector<1000x32xf32> to vector<1000xf32>
    %add3A = arith.constant 1.000000e+00 : f32
    %add3A_3 = vector.broadcast %add3A : f32 to vector<1000xf32>
    %add3A_4 = arith.addf %reduce_sum3A_2, %add3A_3 : vector<1000xf32>
    %rsqrt3A = math.rsqrt %add3A_4 : vector<1000xf32>
    %get3A_5 = arith.constant 0 : index
    %get3A_6 = arith.constant 0 : index
    %get3A_7 = vector.load %arg2[%get3A_5, %get3A_6] : memref<1000x128xf32, #tpu.memory_space<vmem>>, vector<1000x128xf32>
    %get3A_8 = arith.constant 0 : index
    %get3A_9 = arith.constant 0 : index
    %get3A_10 = vector.load %arg3[%get3A_8, %get3A_9] : memref<128x128xf32, #tpu.memory_space<vmem>>, vector<128x128xf32>
    %dot_general3A = arith.constant dense<0.000000e+00> : vector<1000x128xf32>
    %dot_general3A_11 = tpu.matmul %get3A_7, %get3A_10, %dot_general3A {dimension_numbers = #tpu.dot_dimension_numbers<[1], [0], [0], [1], [0, 0, 1, 1], [], []>, transpose_lhs_hint = false} : vector<1000x128xf32>, vector<128x128xf32>, vector<1000x128xf32> -> vector<1000x128xf32>
    %broadcast_in_dim3A = vector.shape_cast %rsqrt3A : vector<1000xf32> to vector<1000x1xf32>
    %mul3A = vector.broadcast %broadcast_in_dim3A : vector<1000x1xf32> to vector<1000x128xf32>
    %mul3A_12 = arith.mulf %dot_general3A_11, %mul3A : vector<1000x128xf32>
    %swap3A = arith.constant 0 : index
    %swap3A_13 = arith.constant 0 : index
    %swap3A_14 = vector.load %arg4[%swap3A, %swap3A_13] : memref<1000x128xf32, #tpu.memory_space<vmem>>, vector<1000x128xf32>
    tpu.vector_store %arg4[%swap3A, %swap3A_13], %mul3A_12 {strides = array<i32>} : memref<1000x128xf32, #tpu.memory_space<vmem>>, vector<1000x128xf32>,
    %broadcast_in_dim3A_15 = vector.shape_cast %rsqrt3A : vector<1000xf32> to vector<1000x1xf32>
    %swap3A_16 = arith.constant 0 : index
    %swap3A_17 = arith.constant 0 : index
    %swap3A_18 = vector.load %arg5[%swap3A_16, %swap3A_17] : memref<1000x1xf32, #tpu.memory_space<vmem>>, vector<1000x1xf32>
    tpu.vector_store %arg5[%swap3A_16, %swap3A_17], %broadcast_in_dim3A_15 {strides = array<i32>} : memref<1000x1xf32, #tpu.memory_space<vmem>>, vector<1000x1xf32>,
    return
  }
  func.func @transform_0(%arg0: i32) -> (i32, i32) {
    %c0_i32 = arith.constant 0 : i32
    %c0_i32_0 = arith.constant 0 : i32
    return %arg0, %c0_i32 : i32, i32
  }
  func.func @transform_1(%arg0: i32) -> (i32, i32) {
    %c0_i32 = arith.constant 0 : i32
    %c0_i32_0 = arith.constant 0 : i32
    return %arg0, %c0_i32 : i32, i32
  }
  func.func @transform_2(%arg0: i32) -> (i32, i32) {
    %c0_i32 = arith.constant 0 : i32
    %c0_i32_0 = arith.constant 0 : i32
    %c0_i32_1 = arith.constant 0 : i32
    return %c0_i32, %c0_i32_0 : i32, i32
  }
  func.func @transform_3(%arg0: i32) -> (i32, i32) {
    %c0_i32 = arith.constant 0 : i32
    %c0_i32_0 = arith.constant 0 : i32
    return %arg0, %c0_i32 : i32, i32
  }
  func.func @transform_4(%arg0: i32) -> (i32, i32) {
    %c0_i32 = arith.constant 0 : i32
    %c0_i32_0 = arith.constant 0 : i32
    return %arg0, %c0_i32 : i32, i32
  }
}

module attributes {stable_mosaic.version = 14 : i64} {
  func.func @_combine_body(%arg0: i32, %arg1: memref<2x1000x128xf32, #tpu.memory_space<vmem>>, %arg2: memref<1000x128xf32, #tpu.memory_space<vmem>>, %arg3: memref<1000x1xf32, #tpu.memory_space<vmem>>, %arg4: memref<1x128xf32, #tpu.memory_space<vmem>>, %arg5: memref<128x128xf32, #tpu.memory_space<vmem>>, %arg6: memref<1000x128xf32, #tpu.memory_space<vmem>>) attributes {dimension_semantics = [#tpu.dimension_semantics<arbitrary>], iteration_bounds = array<i64: 10>, scalar_prefetch = 0 : i64, scratch_operands = 0 : i64, tpu.core_type = #tpu.core_type<tc>, window_params = [{transform_indices = @transform_0, window_bounds = array<i64: 2, 1000, 128>}, {transform_indices = @transform_1, window_bounds = array<i64: 1000, 128>}, {transform_indices = @transform_2, window_bounds = array<i64: 1000, 1>}, {pipeline_mode = #tpu.pipeline_mode<synchronous>, transform_indices = @transform_3, window_bounds = array<i64: 1, 128>}, {pipeline_mode = #tpu.pipeline_mode<synchronous>, transform_indices = @transform_4, window_bounds = array<i64: 128, 128>}, {transform_indices = @transform_5, window_bounds = array<i64: 1000, 128>}]} {
    %get3A = arith.constant 0 : index
    %get3A_0 = arith.constant 0 : index
    %get3A_1 = arith.constant 0 : index
    %get3A_2 = vector.load %arg1[%get3A, %get3A_0, %get3A_1] : memref<2x1000x128xf32, #tpu.memory_space<vmem>>, vector<1x1000x128xf32>
    %get3A_3 = vector.shape_cast %get3A_2 : vector<1x1000x128xf32> to vector<1000x128xf32>
    %get3A_4 = arith.constant 1 : index
    %get3A_5 = arith.constant 0 : index
    %get3A_6 = arith.constant 0 : index
    %get3A_7 = vector.load %arg1[%get3A_4, %get3A_5, %get3A_6] : memref<2x1000x128xf32, #tpu.memory_space<vmem>>, vector<1x1000x128xf32>
    %get3A_8 = vector.shape_cast %get3A_7 : vector<1x1000x128xf32> to vector<1000x128xf32>
    %add3A = arith.addf %get3A_3, %get3A_8 : vector<1000x128xf32>
    %get3A_9 = arith.constant 0 : index
    %get3A_10 = arith.constant 0 : index
    %get3A_11 = vector.load %arg2[%get3A_9, %get3A_10] : memref<1000x128xf32, #tpu.memory_space<vmem>>, vector<1000x128xf32>
    %add3A_12 = arith.addf %add3A, %get3A_11 : vector<1000x128xf32>
    %get3A_13 = arith.constant 0 : index
    %get3A_14 = arith.constant 0 : index
    %get3A_15 = vector.load %arg3[%get3A_13, %get3A_14] : memref<1000x1xf32, #tpu.memory_space<vmem>>, vector<1000x1xf32>
    %mul3A = vector.broadcast %get3A_15 : vector<1000x1xf32> to vector<1000x128xf32>
    %mul3A_16 = arith.mulf %add3A_12, %mul3A : vector<1000x128xf32>
    %get3A_17 = arith.constant 0 : index
    %get3A_18 = arith.constant 0 : index
    %get3A_19 = vector.load %arg4[%get3A_17, %get3A_18] : memref<1x128xf32, #tpu.memory_space<vmem>>, vector<1x128xf32>
    %add3A_20 = vector.broadcast %get3A_19 : vector<1x128xf32> to vector<1000x128xf32>
    %add3A_21 = arith.addf %mul3A_16, %add3A_20 : vector<1000x128xf32>
    %max3A = arith.constant 0.000000e+00 : f32
    %max3A_22 = vector.broadcast %max3A : f32 to vector<1000x128xf32>
    %max3A_23 = arith.maximumf %add3A_21, %max3A_22 : vector<1000x128xf32>
    %get3A_24 = arith.constant 0 : index
    %get3A_25 = arith.constant 0 : index
    %get3A_26 = vector.load %arg5[%get3A_24, %get3A_25] : memref<128x128xf32, #tpu.memory_space<vmem>>, vector<128x128xf32>
    %dot_general3A = arith.constant dense<0.000000e+00> : vector<1000x128xf32>
    %dot_general3A_27 = tpu.matmul %max3A_23, %get3A_26, %dot_general3A {dimension_numbers = #tpu.dot_dimension_numbers<[1], [0], [0], [1], [0, 0, 1, 1], [], []>, transpose_lhs_hint = false} : vector<1000x128xf32>, vector<128x128xf32>, vector<1000x128xf32> -> vector<1000x128xf32>
    %get3A_28 = arith.constant 0 : index
    %get3A_29 = arith.constant 0 : index
    %get3A_30 = vector.load %arg3[%get3A_28, %get3A_29] : memref<1000x1xf32, #tpu.memory_space<vmem>>, vector<1000x1xf32>
    %mul3A_31 = vector.broadcast %get3A_30 : vector<1000x1xf32> to vector<1000x128xf32>
    %mul3A_32 = arith.mulf %dot_general3A_27, %mul3A_31 : vector<1000x128xf32>
    %swap3A = arith.constant 0 : index
    %swap3A_33 = arith.constant 0 : index
    %swap3A_34 = vector.load %arg6[%swap3A, %swap3A_33] : memref<1000x128xf32, #tpu.memory_space<vmem>>, vector<1000x128xf32>
    tpu.vector_store %arg6[%swap3A, %swap3A_33], %mul3A_32 {strides = array<i32>} : memref<1000x128xf32, #tpu.memory_space<vmem>>, vector<1000x128xf32>,
    return
  }
  func.func @transform_0(%arg0: i32) -> (i32, i32, i32) {
    %c0_i32 = arith.constant 0 : i32
    %c0_i32_0 = arith.constant 0 : i32
    %c0_i32_1 = arith.constant 0 : i32
    return %c0_i32, %arg0, %c0_i32_0 : i32, i32, i32
  }
  func.func @transform_1(%arg0: i32) -> (i32, i32) {
    %c0_i32 = arith.constant 0 : i32
    %c0_i32_0 = arith.constant 0 : i32
    return %arg0, %c0_i32 : i32, i32
  }
  func.func @transform_2(%arg0: i32) -> (i32, i32) {
    %c0_i32 = arith.constant 0 : i32
    %c0_i32_0 = arith.constant 0 : i32
    return %arg0, %c0_i32 : i32, i32
  }
  func.func @transform_3(%arg0: i32) -> (i32, i32) {
    %c0_i32 = arith.constant 0 : i32
    %c0_i32_0 = arith.constant 0 : i32
    %c0_i32_1 = arith.constant 0 : i32
    return %c0_i32, %c0_i32_0 : i32, i32
  }
  func.func @transform_4(%arg0: i32) -> (i32, i32) {
    %c0_i32 = arith.constant 0 : i32
    %c0_i32_0 = arith.constant 0 : i32
    %c0_i32_1 = arith.constant 0 : i32
    return %c0_i32, %c0_i32_0 : i32, i32
  }
  func.func @transform_5(%arg0: i32) -> (i32, i32) {
    %c0_i32 = arith.constant 0 : i32
    %c0_i32_0 = arith.constant 0 : i32
    return %arg0, %c0_i32 : i32, i32
  }
}

module attributes {stable_mosaic.version = 14 : i64} {
  func.func @_final_body(%arg0: i32, %arg1: memref<2x1000x128xf32, #tpu.memory_space<vmem>>, %arg2: memref<1000x128xf32, #tpu.memory_space<vmem>>, %arg3: memref<1000x1xf32, #tpu.memory_space<vmem>>, %arg4: memref<1x128xf32, #tpu.memory_space<vmem>>, %arg5: memref<128x128xf32, #tpu.memory_space<vmem>>, %arg6: memref<1x128xf32, #tpu.memory_space<vmem>>, %arg7: memref<128x128xf32, #tpu.memory_space<vmem>>, %arg8: memref<1x128xf32, #tpu.memory_space<vmem>>, %arg9: memref<1x128xf32, #tpu.memory_space<vmem>>, %arg10: memref<1x128xf32, #tpu.memory_space<vmem>>, %arg11: memref<1x128xf32, #tpu.memory_space<vmem>>, %arg12: memref<8x128xf32, #tpu.memory_space<vmem>>) attributes {dimension_semantics = [#tpu.dimension_semantics<arbitrary>], iteration_bounds = array<i64: 10>, scalar_prefetch = 0 : i64, scratch_operands = 1 : i64, tpu.core_type = #tpu.core_type<tc>, window_params = [{transform_indices = @transform_0, window_bounds = array<i64: 2, 1000, 128>}, {transform_indices = @transform_1, window_bounds = array<i64: 1000, 128>}, {transform_indices = @transform_2, window_bounds = array<i64: 1000, 1>}, {pipeline_mode = #tpu.pipeline_mode<synchronous>, transform_indices = @transform_3, window_bounds = array<i64: 1, 128>}, {pipeline_mode = #tpu.pipeline_mode<synchronous>, transform_indices = @transform_4, window_bounds = array<i64: 128, 128>}, {pipeline_mode = #tpu.pipeline_mode<synchronous>, transform_indices = @transform_5, window_bounds = array<i64: 1, 128>}, {pipeline_mode = #tpu.pipeline_mode<synchronous>, transform_indices = @transform_6, window_bounds = array<i64: 128, 128>}, {pipeline_mode = #tpu.pipeline_mode<synchronous>, transform_indices = @transform_7, window_bounds = array<i64: 1, 128>}, {pipeline_mode = #tpu.pipeline_mode<synchronous>, transform_indices = @transform_8, window_bounds = array<i64: 1, 128>}, {pipeline_mode = #tpu.pipeline_mode<synchronous>, transform_indices = @transform_9, window_bounds = array<i64: 1, 128>}, {pipeline_mode = #tpu.pipeline_mode<synchronous>, transform_indices = @transform_10, window_bounds = array<i64: 1, 128>}]} {
    %get3A = arith.constant 0 : index
    %get3A_0 = arith.constant 0 : index
    %get3A_1 = arith.constant 0 : index
    %get3A_2 = vector.load %arg1[%get3A, %get3A_0, %get3A_1] : memref<2x1000x128xf32, #tpu.memory_space<vmem>>, vector<1x1000x128xf32>
    %get3A_3 = vector.shape_cast %get3A_2 : vector<1x1000x128xf32> to vector<1000x128xf32>
    %get3A_4 = arith.constant 1 : index
    %get3A_5 = arith.constant 0 : index
    %get3A_6 = arith.constant 0 : index
    %get3A_7 = vector.load %arg1[%get3A_4, %get3A_5, %get3A_6] : memref<2x1000x128xf32, #tpu.memory_space<vmem>>, vector<1x1000x128xf32>
    %get3A_8 = vector.shape_cast %get3A_7 : vector<1x1000x128xf32> to vector<1000x128xf32>
    %add3A = arith.addf %get3A_3, %get3A_8 : vector<1000x128xf32>
    %get3A_9 = arith.constant 0 : index
    %get3A_10 = arith.constant 0 : index
    %get3A_11 = vector.load %arg2[%get3A_9, %get3A_10] : memref<1000x128xf32, #tpu.memory_space<vmem>>, vector<1000x128xf32>
    %add3A_12 = arith.addf %add3A, %get3A_11 : vector<1000x128xf32>
    %get3A_13 = arith.constant 0 : index
    %get3A_14 = arith.constant 0 : index
    %get3A_15 = vector.load %arg3[%get3A_13, %get3A_14] : memref<1000x1xf32, #tpu.memory_space<vmem>>, vector<1000x1xf32>
    %mul3A = vector.broadcast %get3A_15 : vector<1000x1xf32> to vector<1000x128xf32>
    %mul3A_16 = arith.mulf %add3A_12, %mul3A : vector<1000x128xf32>
    %get3A_17 = arith.constant 0 : index
    %get3A_18 = arith.constant 0 : index
    %get3A_19 = vector.load %arg4[%get3A_17, %get3A_18] : memref<1x128xf32, #tpu.memory_space<vmem>>, vector<1x128xf32>
    %add3A_20 = vector.broadcast %get3A_19 : vector<1x128xf32> to vector<1000x128xf32>
    %add3A_21 = arith.addf %mul3A_16, %add3A_20 : vector<1000x128xf32>
    %reshape3A = vector.shape_cast %add3A_21 : vector<1000x128xf32> to vector<125x8x128xf32>
    %reduce_sum3A = arith.constant dense<0.000000e+00> : vector<8x128xf32>
    %reduce_sum3A_22 = vector.multi_reduction <add>, %reshape3A, %reduce_sum3A [0] : vector<125x8x128xf32> to vector<8x128xf32>
    %eq3A = arith.constant 0 : i32
    %eq3A_23 = arith.cmpi eq, %arg0, %eq3A : i32
    %convert_element_type3A = arith.extui %eq3A_23 : i1 to i32
    %cond3A = arith.constant 0 : i32
    %cond3A_24 = arith.cmpi ne, %convert_element_type3A, %cond3A : i32
    scf.if %cond3A_24 {
      %broadcast_in_dim3A = arith.constant 0.000000e+00 : f32
      %broadcast_in_dim3A_36 = vector.broadcast %broadcast_in_dim3A : f32 to vector<8x128xf32>
      %swap3A_37 = arith.constant 0 : index
      %swap3A_38 = arith.constant 0 : index
      %swap3A_39 = vector.load %arg12[%swap3A_37, %swap3A_38] : memref<8x128xf32, #tpu.memory_space<vmem>>, vector<8x128xf32>
      tpu.vector_store %arg12[%swap3A_37, %swap3A_38], %broadcast_in_dim3A_36 {strides = array<i32>} : memref<8x128xf32, #tpu.memory_space<vmem>>, vector<8x128xf32>,
    } else {
    }
    %get3A_25 = arith.constant 0 : index
    %get3A_26 = arith.constant 0 : index
    %get3A_27 = vector.load %arg12[%get3A_25, %get3A_26] : memref<8x128xf32, #tpu.memory_space<vmem>>, vector<8x128xf32>
    %add3A_28 = arith.addf %get3A_27, %reduce_sum3A_22 : vector<8x128xf32>
    %swap3A = arith.constant 0 : index
    %swap3A_29 = arith.constant 0 : index
    %swap3A_30 = vector.load %arg12[%swap3A, %swap3A_29] : memref<8x128xf32, #tpu.memory_space<vmem>>, vector<8x128xf32>
    tpu.vector_store %arg12[%swap3A, %swap3A_29], %add3A_28 {strides = array<i32>} : memref<8x128xf32, #tpu.memory_space<vmem>>, vector<8x128xf32>,
    %eq3A_31 = arith.constant 9 : i32
    %eq3A_32 = arith.cmpi eq, %arg0, %eq3A_31 : i32
    %convert_element_type3A_33 = arith.extui %eq3A_32 : i1 to i32
    %cond3A_34 = arith.constant 0 : i32
    %cond3A_35 = arith.cmpi ne, %convert_element_type3A_33, %cond3A_34 : i32
    scf.if %cond3A_35 {
      %get3A_36 = arith.constant 0 : index
      %get3A_37 = arith.constant 0 : index
      %get3A_38 = vector.load %arg12[%get3A_36, %get3A_37] : memref<8x128xf32, #tpu.memory_space<vmem>>, vector<8x128xf32>
      %reduce_sum3A_39 = arith.constant dense<0.000000e+00> : vector<128xf32>
      %reduce_sum3A_40 = vector.multi_reduction <add>, %get3A_38, %reduce_sum3A_39 [0] : vector<8x128xf32> to vector<128xf32>
      %broadcast_in_dim3A = vector.shape_cast %reduce_sum3A_40 : vector<128xf32> to vector<1x128xf32>
      %mul3A_41 = arith.constant 9.99999974E-5 : f32
      %mul3A_42 = vector.broadcast %mul3A_41 : f32 to vector<1x128xf32>
      %mul3A_43 = arith.mulf %broadcast_in_dim3A, %mul3A_42 : vector<1x128xf32>
      %get3A_44 = arith.constant 0 : index
      %get3A_45 = arith.constant 0 : index
      %get3A_46 = vector.load %arg5[%get3A_44, %get3A_45] : memref<128x128xf32, #tpu.memory_space<vmem>>, vector<128x128xf32>
      %dot_general3A = arith.constant dense<0.000000e+00> : vector<1x128xf32>
      %dot_general3A_47 = tpu.matmul %mul3A_43, %get3A_46, %dot_general3A {dimension_numbers = #tpu.dot_dimension_numbers<[1], [0], [0], [1], [0, 0, 1, 1], [], []>, transpose_lhs_hint = false} : vector<1x128xf32>, vector<128x128xf32>, vector<1x128xf32> -> vector<1x128xf32>
      %get3A_48 = arith.constant 0 : index
      %get3A_49 = arith.constant 0 : index
      %get3A_50 = vector.load %arg6[%get3A_48, %get3A_49] : memref<1x128xf32, #tpu.memory_space<vmem>>, vector<1x128xf32>
      %add3A_51 = arith.addf %dot_general3A_47, %get3A_50 : vector<1x128xf32>
      %max3A = arith.constant 0.000000e+00 : f32
      %max3A_52 = vector.broadcast %max3A : f32 to vector<1x128xf32>
      %max3A_53 = arith.maximumf %add3A_51, %max3A_52 : vector<1x128xf32>
      %get3A_54 = arith.constant 0 : index
      %get3A_55 = arith.constant 0 : index
      %get3A_56 = vector.load %arg7[%get3A_54, %get3A_55] : memref<128x128xf32, #tpu.memory_space<vmem>>, vector<128x128xf32>
      %dot_general3A_57 = arith.constant dense<0.000000e+00> : vector<1x128xf32>
      %dot_general3A_58 = tpu.matmul %max3A_53, %get3A_56, %dot_general3A_57 {dimension_numbers = #tpu.dot_dimension_numbers<[1], [0], [0], [1], [0, 0, 1, 1], [], []>, transpose_lhs_hint = false} : vector<1x128xf32>, vector<128x128xf32>, vector<1x128xf32> -> vector<1x128xf32>
      %get3A_59 = arith.constant 0 : index
      %get3A_60 = arith.constant 0 : index
      %get3A_61 = vector.load %arg8[%get3A_59, %get3A_60] : memref<1x128xf32, #tpu.memory_space<vmem>>, vector<1x128xf32>
      %add3A_62 = arith.addf %dot_general3A_58, %get3A_61 : vector<1x128xf32>
      %reduce_sum3A_63 = arith.constant dense<0.000000e+00> : vector<1xf32>
      %reduce_sum3A_64 = vector.multi_reduction <add>, %add3A_62, %reduce_sum3A_63 [1] : vector<1x128xf32> to vector<1xf32>
      %broadcast_in_dim3A_65 = vector.shape_cast %reduce_sum3A_64 : vector<1xf32> to vector<1x1xf32>
      %div3A = arith.constant 1.280000e+02 : f32
      %div3A_66 = vector.broadcast %div3A : f32 to vector<1x1xf32>
      %div3A_67 = arith.divf %broadcast_in_dim3A_65, %div3A_66 : vector<1x1xf32>
      %sub3A = vector.broadcast %div3A_67 : vector<1x1xf32> to vector<1x128xf32>
      %sub3A_68 = arith.subf %add3A_62, %sub3A : vector<1x128xf32>
      %mul3A_69 = arith.mulf %sub3A_68, %sub3A_68 : vector<1x128xf32>
      %reduce_sum3A_70 = arith.constant dense<0.000000e+00> : vector<1xf32>
      %reduce_sum3A_71 = vector.multi_reduction <add>, %mul3A_69, %reduce_sum3A_70 [1] : vector<1x128xf32> to vector<1xf32>
      %broadcast_in_dim3A_72 = vector.shape_cast %reduce_sum3A_71 : vector<1xf32> to vector<1x1xf32>
      %div3A_73 = arith.constant 1.280000e+02 : f32
      %div3A_74 = vector.broadcast %div3A_73 : f32 to vector<1x1xf32>
      %div3A_75 = arith.divf %broadcast_in_dim3A_72, %div3A_74 : vector<1x1xf32>
      %add3A_76 = arith.constant 9.99999974E-6 : f32
      %add3A_77 = vector.broadcast %add3A_76 : f32 to vector<1x1xf32>
      %add3A_78 = arith.addf %div3A_75, %add3A_77 : vector<1x1xf32>
      %rsqrt3A = math.rsqrt %add3A_78 : vector<1x1xf32>
      %mul3A_79 = vector.broadcast %rsqrt3A : vector<1x1xf32> to vector<1x128xf32>
      %mul3A_80 = arith.mulf %sub3A_68, %mul3A_79 : vector<1x128xf32>
      %get3A_81 = arith.constant 0 : index
      %get3A_82 = arith.constant 0 : index
      %get3A_83 = vector.load %arg9[%get3A_81, %get3A_82] : memref<1x128xf32, #tpu.memory_space<vmem>>, vector<1x128xf32>
      %mul3A_84 = arith.mulf %mul3A_80, %get3A_83 : vector<1x128xf32>
      %get3A_85 = arith.constant 0 : index
      %get3A_86 = arith.constant 0 : index
      %get3A_87 = vector.load %arg10[%get3A_85, %get3A_86] : memref<1x128xf32, #tpu.memory_space<vmem>>, vector<1x128xf32>
      %add3A_88 = arith.addf %mul3A_84, %get3A_87 : vector<1x128xf32>
      %swap3A_89 = arith.constant 0 : index
      %swap3A_90 = arith.constant 0 : index
      %swap3A_91 = vector.load %arg11[%swap3A_89, %swap3A_90] : memref<1x128xf32, #tpu.memory_space<vmem>>, vector<1x128xf32>
      tpu.vector_store %arg11[%swap3A_89, %swap3A_90], %add3A_88 {strides = array<i32>} : memref<1x128xf32, #tpu.memory_space<vmem>>, vector<1x128xf32>,
    } else {
    }
    return
  }
  func.func @transform_0(%arg0: i32) -> (i32, i32, i32) {
    %c0_i32 = arith.constant 0 : i32
    %c0_i32_0 = arith.constant 0 : i32
    %c0_i32_1 = arith.constant 0 : i32
    return %c0_i32, %arg0, %c0_i32_0 : i32, i32, i32
  }
  func.func @transform_1(%arg0: i32) -> (i32, i32) {
    %c0_i32 = arith.constant 0 : i32
    %c0_i32_0 = arith.constant 0 : i32
    return %arg0, %c0_i32 : i32, i32
  }
  func.func @transform_2(%arg0: i32) -> (i32, i32) {
    %c0_i32 = arith.constant 0 : i32
    %c0_i32_0 = arith.constant 0 : i32
    return %arg0, %c0_i32 : i32, i32
  }
  func.func @transform_3(%arg0: i32) -> (i32, i32) {
    %c0_i32 = arith.constant 0 : i32
    %c0_i32_0 = arith.constant 0 : i32
    %c0_i32_1 = arith.constant 0 : i32
    return %c0_i32, %c0_i32_0 : i32, i32
  }
  func.func @transform_4(%arg0: i32) -> (i32, i32) {
    %c0_i32 = arith.constant 0 : i32
    %c0_i32_0 = arith.constant 0 : i32
    %c0_i32_1 = arith.constant 0 : i32
    return %c0_i32, %c0_i32_0 : i32, i32
  }
  func.func @transform_5(%arg0: i32) -> (i32, i32) {
    %c0_i32 = arith.constant 0 : i32
    %c0_i32_0 = arith.constant 0 : i32
    %c0_i32_1 = arith.constant 0 : i32
    return %c0_i32, %c0_i32_0 : i32, i32
  }
  func.func @transform_6(%arg0: i32) -> (i32, i32) {
    %c0_i32 = arith.constant 0 : i32
    %c0_i32_0 = arith.constant 0 : i32
    %c0_i32_1 = arith.constant 0 : i32
    return %c0_i32, %c0_i32_0 : i32, i32
  }
  func.func @transform_7(%arg0: i32) -> (i32, i32) {
    %c0_i32 = arith.constant 0 : i32
    %c0_i32_0 = arith.constant 0 : i32
    %c0_i32_1 = arith.constant 0 : i32
    return %c0_i32, %c0_i32_0 : i32, i32
  }
  func.func @transform_8(%arg0: i32) -> (i32, i32) {
    %c0_i32 = arith.constant 0 : i32
    %c0_i32_0 = arith.constant 0 : i32
    %c0_i32_1 = arith.constant 0 : i32
    return %c0_i32, %c0_i32_0 : i32, i32
  }
  func.func @transform_9(%arg0: i32) -> (i32, i32) {
    %c0_i32 = arith.constant 0 : i32
    %c0_i32_0 = arith.constant 0 : i32
    %c0_i32_1 = arith.constant 0 : i32
    return %c0_i32, %c0_i32_0 : i32, i32
  }
  func.func @transform_10(%arg0: i32) -> (i32, i32) {
    %c0_i32 = arith.constant 0 : i32
    %c0_i32_0 = arith.constant 0 : i32
    %c0_i32_1 = arith.constant 0 : i32
    return %c0_i32, %c0_i32_0 : i32, i32
  }
}

</mosaic_0001>

<sc_bundles>
// kernel: kernel.10.cloned.1.call-start
scs
__scs_entry_jumppad:
0x0: {  	(pc) =	sbr.rel $0x88, $3  }
0x1: {  	(tag) =	ssettag $0x0;
	lr =	simm.s32 $0x1  }
0x2: {  	[smem:$0x3F93] =	sst lr;
	_ =	strace $0xD0000000  }
0x3: {  	_ = 	snop  }
0x4: {  	_ = 	snop  }
0x5: {  	_ = 	snop  }
0x6: {  	_ = 	snop  }
0x7: {  	_ = 	snop  }
__scs_overlays_trampoline_lowered:
0x8: {  	[smem:$0x3FA2] =	sst s0  }
0x9: {  	[smem:$0x3FA3] =	sst s1  }
0xa: {  	[smem:$0x3FA4] =	sst s2  }
0xb: {  	[smem:$0x3FA5] =	sst s3  }
0xc: {  	[smem:$0x3FA6] =	sst s4  }
0xd: {  	[smem:$0x3FA7] =	sst s5  }
0xe: {  	[smem:$0x3FA8] =	sst s6  }
0xf: {  	[smem:$0x3FA9] =	sst s7  }
0x10: {  	[smem:$0x3FAA] =	sst s8  }
0x11: {  	[smem:$0x3FAB] =	sst s9;
	s0 =	simm.s32 @!p0 $0x0  }
0x12: {  	s1 =	sld [smem:$0x3F91];
	s0 =	simm.s32 @p0 $0x1  }
0x13: {  	[smem:$0x3FAC] =	sst s0;
	s0 =	simm.s32 @!p1 $0x0  }
0x14: {  	s2 =	sld [smem:$0x3F90];
	s0 =	simm.s32 @p1 $0x1  }
0x15: {  	[smem:$0x3FAD] =	sst s0;
	s0 =	simm.s32 @!p2 $0x0  }
0x16: {  	s3 =	sld [smem:$0x3FDB];
	s0 =	simm.s32 @p2 $0x1  }
0x17: {  	s4 =	simm.s32 $0x1BF5;
	[smem:$0x3FAF] =	sst s0  }
0x18: {  	s0 =	sld [smem:$0x3F92];
	_ =	swait.ge [sflag:s4], $0x0  }
0x19: {  	s7 =	sld [smem:$0x3F93]  }
0x1a: {  	s8 =	sadd.s32 $0xFFFFE003, lr  }
0x1b: {  	s9 =	sadd.s32 $0xFFFFFEF7, lr;
	s5 =	simm.s32 $0xFFFFFFFF;
	p2 =	slt.u32 s8, $0xFFFFF086  }
0x1c: {  	p1 =	slt.u32 s9, $0xF7A;
	s5 =	simm.s32 @!p2 $0x0  }
0x1d: {  	s5 =	simm.s32 @p1 $0x1;
	p0 =	seq.s32 s7, s2  }
0x1e: {  	s7 =	smul.u32 @!p0 $0xF7A, s2;
	p2 =	seq.s32 @!p0 s5, $0x0  }
0x1f: {  	s9 =	smul.u32 $0xF7A, s1;
	s8 =	simm.s32 @!p0 $0x1BF5;
	p2 =	por !p2, p0  }
0x20: {  	[sflag:s8] =	ssyncset.s32 @!p0 $0xFFFFF086;
	s6 =	sadd.s32 @!p0 s3, s7;
	s7 =	simm.s32 @!p0 $0x108  }
0x21: {  	s3 =	sadd.s32 s3, s9;
	s6 =	sadd.s32 @!p0 $0x88, s6;
	s7 =	simm.s32 @p2 $0x1082  }
0x22: {  	[simem:s7], [sflag:s8] =	dma.local @!p0 [hbm:s6], $0xF7A  }
0x23: {  	s9 =	sor.u32 $0xD0000000, s2;
	s6 =	simm.s32 $0x108;
	_ =	swait.ge @!p0 [sflag:s8], $0x0  }
0x24: {  	s3 =	sadd.s32 $0x88, s3;
	s6 =	simm.s32 @!p1 $0x1082;
	[sflag:s4] =	ssyncset.s32 $0xFFFFF086  }
0x25: {  	[simem:s6], [sflag:s4] =	dma.local [hbm:s3], $0xF7A  }
0x26: {  	[smem:$0x3F93] =	sst s1;
	(tag) =	ssettag s2;
	_ =	strace s9  }
0x27: {  	s1 =	sld [smem:$0x3FA3]  }
0x28: {  	s2 =	sld [smem:$0x3FA4]  }
0x29: {  	s4 =	sld [smem:$0x3FA6]  }
0x2a: {  	p0 =	seq.s32 s5, $0x0;
	s5 =	sld [smem:$0x3FA7]  }
0x2b: {  	s6 =	sld [smem:$0x3FA8]  }
0x2c: {  	s7 =	sld [smem:$0x3FA9]  }
0x2d: {  	s3 =	simm.s32 $0x108;
	s8 =	sld [smem:$0x3FAA]  }
0x2e: {  	s3 =	simm.s32 @!p0 $0x1082;
	s9 =	sld [smem:$0x3FAB]  }
0x2f: {  	lr =	sadd.s32 s0, s3;
	s0 =	sld [smem:$0x3FA2]  }
0x30: {  	s3 =	sld [smem:$0x3FA5]  }
0x31: {  	[smem:$0x3FAE] =	sst s10  }
0x32: {  	s10 =	sld [smem:$0x3FAC];
	_ =	sdelay $0x3  }
0x33: {  	p0 =	seq.s32 s10, $0x1;
	s10 =	sld [smem:$0x3FAE];
	_ =	sdelay $0x3  }
0x34: {  	[smem:$0x3FAE] =	sst s10  }
0x35: {  	s10 =	sld [smem:$0x3FAD];
	_ =	sdelay $0x3  }
0x36: {  	p1 =	seq.s32 s10, $0x1;
	s10 =	sld [smem:$0x3FAE];
	_ =	sdelay $0x3  }
0x37: {  	[smem:$0x3FAE] =	sst s10  }
0x38: {  	s10 =	sld [smem:$0x3FAF]  }
0x39: {  	_ = 	snop;
	(pc) =	sbr.ind lr, $3  }
0x3a: {  	_ = 	snop  }
0x3b: {  	_ = 	snop  }
0x3c: {  	p2 =	seq.s32 s10, $0x1;
	s10 =	sld [smem:$0x3FAE]  }
0x3d: {  	_ =	shalt  }
0x3e: {  	_ =	shalt  }
0x3f: {  	_ =	shalt  }
0x40: {  	_ =	shalt  }
0x41: {  	_ =	shalt  }
0x42: {  	_ =	shalt  }
0x43: {  	_ =	shalt  }
0x44: {  	_ =	shalt  }
0x45: {  	_ =	shalt  }
0x46: {  	_ =	shalt  }
0x47: {  	_ =	shalt  }
0x48: {  	_ =	shalt  }
0x49: {  	_ =	shalt  }
0x4a: {  	_ =	shalt  }
0x4b: {  	_ =	shalt  }
0x4c: {  	_ =	shalt  }
0x4d: {  	_ =	shalt  }
0x4e: {  	_ =	shalt  }
0x4f: {  	_ =	shalt  }
0x50: {  	_ =	shalt  }
0x51: {  	_ =	shalt  }
0x52: {  	_ =	shalt  }
0x53: {  	_ =	shalt  }
0x54: {  	_ =	shalt  }
0x55: {  	_ =	shalt  }
0x56: {  	_ =	shalt  }
0x57: {  	_ =	shalt  }
0x58: {  	_ =	shalt  }
0x59: {  	_ =	shalt  }
0x5a: {  	_ =	shalt  }
0x5b: {  	_ =	shalt  }
0x5c: {  	_ =	shalt  }
0x5d: {  	_ =	shalt  }
0x5e: {  	_ =	shalt  }
0x5f: {  	_ =	shalt  }
0x60: {  	_ =	shalt  }
0x61: {  	_ =	shalt  }
0x62: {  	_ =	shalt  }
0x63: {  	_ =	shalt  }
0x64: {  	_ =	shalt  }
0x65: {  	_ =	shalt  }
0x66: {  	_ =	shalt  }
0x67: {  	_ =	shalt  }
0x68: {  	_ =	shalt  }
0x69: {  	_ =	shalt  }
0x6a: {  	_ =	shalt  }
0x6b: {  	_ =	shalt  }
0x6c: {  	_ =	shalt  }
0x6d: {  	_ =	shalt  }
0x6e: {  	_ =	shalt  }
0x6f: {  	_ =	shalt  }
0x70: {  	_ =	shalt  }
0x71: {  	_ =	shalt  }
0x72: {  	_ =	shalt  }
0x73: {  	_ =	shalt  }
0x74: {  	_ =	shalt  }
0x75: {  	_ =	shalt  }
0x76: {  	_ =	shalt  }
0x77: {  	_ =	shalt  }
0x78: {  	_ =	shalt  }
0x79: {  	_ =	shalt  }
0x7a: {  	_ =	shalt  }
0x7b: {  	_ =	shalt  }
0x7c: {  	_ =	shalt  }
0x7d: {  	_ =	shalt  }
0x7e: {  	_ =	shalt  }
0x7f: {  	_ =	shalt  }
0x80: {  	_ =	shalt  }
0x81: {  	_ =	shalt  }
0x82: {  	_ =	shalt  }
0x83: {  	_ =	shalt  }
0x84: {  	_ =	shalt  }
0x85: {  	_ =	shalt  }
0x86: {  	_ =	shalt  }
0x87: {  	_ =	shalt  }
.Lfunc_end0:
.L_simem_size_0:
called_computation_lowered:
.L_overlay_start_0:
0x88: {  	s2 =	sld [smem:$0x3FD9]  }
0x89: {  	s3 =	sld [smem:$0x3FFE];
	_ =	sdelay $0x1  }
0x8a: {  	s1 =	srdreg.scid  }
0x8b: {  	s0 =	sand.u32 $0x1, s1  }
0x8c: {  	s16 =	sshll.u32 s0, $0xA;
	s2 =	sadd.s32 s3, s2  }
0x8d: {  	s2 =	sadd.s32 s2, s16  }
0x8e: {  	[smem:$0x3FBA] =	sst s2  }
0x8f: {  	_ = 	snop  }
0x90: {  	(tm) =	ssettm $0x1  }
0x91: {  	s17 =	sld [smem:$0x3FFB];
	_ =	sdelay $0x3  }
0x92: {  	_ =	strace s17  }
0x93: {  	s2 =	sld [smem:$0x3FFC];
	_ =	sdelay $0x3  }
0x94: {  	_ =	strace s2  }
0x95: {  	s2 =	sld [smem:$0x3FFD];
	_ =	sdelay $0x3  }
0x96: {  	_ =	strace s2  }
0x97: {  	_ =	strace $0x8FFFFFFF  }
0x98: {  	s18 =	sld [smem:$0x3FDB];
	_ =	sdelay $0x1  }
0x99: {  	s19 =	simm.s32 $_scs_section_size  }
0x9a: {  	s4 =	simm.s32 $_size__tile_overlayer_lowered;
	s5 =	simm.s32 $_tile_overlayer_lowered  }
0x9b: {  	s22 =	simm.s32 $0x1BFF;
	s21 =	sshll.u32 s5, $0x1;
	s2 =	sadd.s32 s19, s18  }
0x9c: {  	s6 =	simm.s32 $0x0;
	s20 =	sshll.u32 s4, $0x1;
	s4 =	sadd.s32 s21, s2  }
0x9d: {  	[timem:s6], [sflag:s22] =	dma.local [hbm:s4], s20  }
0x9e: {  	_ =	swait.ge [sflag:s22], s20  }
0x9f: {  	s3 =	ssub.s32 $0x0, s20;
	[sflag:s22] =	ssyncset.done $0x0  }
0xa0: {  	[sflag:s22] =	ssyncadd.s32 s3;
	_ =	sdelay $0x1  }
0xa1: {  	s23 =	simm.s32 $0x1B8B  }
0xa2: {  	_ =	swait.ge [sflag:s23], $0x1  }
0xa3: {  	[sflag:s23] =	ssyncset.done $0x0  }
0xa4: {  	s25 =	simm.s32 $0x1B8E;
	s24 =	sld [smem:$0x3FFE];
	[sflag:s23] =	ssyncadd.s32 $0xFFFFFFFF  }
0xa5: {  	s26 =	simm.s32 $execute0_lowered;
	[smem:$0x3FD2] =	sst s25  }
0xa6: {  	s4 =	sshll.u32 s26, $0x1;
	_ =	strace $0x80000046;
	[dreg:$0x1] =	wrdreg $0xFFFFFFFF  }
0xa7: {  	s28 =	simm.s32 $_size_execute0_lowered;
	s2 =	sadd.s32 s2, s4;
	[dreg:$0x0] =	wrdreg $0x0  }
0xa8: {  	s4 =	sshll.u32 s28, $0x1;
	[dreg:$0x2] =	wrdreg s2  }
0xa9: {  	[dreg:$0x3] =	wrdreg s4  }
0xaa: {  	[dreg:$0x4] =	wrdreg $0xC0  }
0xab: {  	_ =	task [dreg:s6], $0x5FFFF  }
0xac: {  	[dreg:$0x1] =	wrdreg $0xFFFFFFFF  }
0xad: {  	[dreg:$0x0] =	wrdreg $0x60  }
0xae: {  	[dreg:$0x2] =	wrdreg s24  }
0xaf: {  	[dreg:$0x3] =	wrdreg $0x9  }
0xb0: {  	_ =	task.clear_ibuf [dreg:s6], $0x4FFFF;
	_ =	strace $0x90000046  }
0xb1: {  	s29 =	simm.s32 $0x9;
	_ =	strace $0x80000048  }
0xb2: {  	_ =	swait.ge [sflag:s29], $0x1  }
0xb3: {  	[sflag:s29] =	ssyncadd.s32 $0xFFFFFFFF  }
0xb4: {  	_ =	strace $0x90000048  }
0xb5: {  	_ =	sfence  }
0xb6: {  	s30 =	sld [smem:$0x0];
	_ =	sdelay $0x2  }
0xb7: {  	s31 =	sshll.u32 s1, $0xD;
	s1 =	sshrl.u32 s1, $0x2  }
0xb8: {  	s3 =	sand.u32 $0x4000, s31;
	s1 =	sadd.s32 s1, s30  }
0xb9: {  	s0 =	sor.u32 s3, s0;
	s1 =	sshll.u32 s1, $0x11  }
0xba: {  	s0 =	sor.u32 s1, s0  }
0xbb: {  	s0 =	sadd.s32 $0x8F2B, s0  }
0xbc: {  	[sflag:s0] =	ssyncadd.remote.s32 $0x1  }
0xbd: {  	_ =	sfence.sel $0xFFFF  }
0xbe: {  	[dreg:$0x0] =	wrdreg $0xFFFFFFFF;
	(pc) =	sbr.abs _section_cstart, $3  }
0xbf: {  	[dreg:$0x1] =	wrdreg $0xFFFFFFFF  }
0xc0: {  	_ =	task.clear_ibuf [dreg:s6], $0x2FFFF;
	_ =	strace $0x9FFFFFFF  }
0xc1: {  	(tm) =	ssettm $0x7FFFFFFF  }
tec
execute0_lowered:
.L_overlay_start_1:
0x0: {  	(tag) =	ssettag $0x1  }
0x1: {  	s0 =	srdreg.scid  }
0x2: {  	s3 =	sand.u32 $0x1, s0  }
0x3: {  	s4 =	rddreg [dreg:$0x0];
	s0 =	stileid.u32;
	s1 =	sshll.u32 s3, $0x4  }
0x4: {  	s2 =	simm.s32 $0x0;
	s8 =	simm.s32 $0x80;
	s5 =	sor.u32 s0, s1  }
0x5: {  	s9 =	simm.s32 $0x400;
	[smem:$0x7FF] =	sst s2;
	s6 =	sshrl.u32 s5, $0x3  }
0x6: {  	s7 =	sshll.u32 s0, $0x7;
	s3 =	ssub.s32 $0x2, s3;
	s6 =	smul.u32 $0x14000, s6  }
0x7: {  	s1 =	rddreg [dreg:$0x1];
	s7 =	sand.u32 $0x380, s7;
	s5 =	smul.u32 $0x500, s5  }
0x8: {  	_ =	strace $0x80000047;
	s30 =	sshrl.u32 s3, $0x1;
	s6 =	sor.u32 s7, s6  }
0x9: {  	s31 =	ssub.s32 s3, s30;
	s5 =	sadd.s32 s5, s4;
	s6 =	sshrl.u32 s6, $0x3  }
0xa: {  	s3 =	sadd.s32 $0x3800, s5;
	s5 =	smax.u32 s31, $0x1;
	s4 =	sadd.s32 s6, s4  }
0xb: {  	v0 =	vimm.f32 $0.0e+00;
	v1 =	vimm.f32 $1.000000000e+00;
	s7 =	simm.s32 $0x2800;
	s6 =	simm.s32 $0x1;
	s4 =	sadd.s32 $0xD800, s4  }
.LBB2_1:
0xc: {  	s10 =	simm.s32 $0x40;
	s11 =	simm.s32 $0x0  }
.LBB2_2:
0xd: {  	p0 =	sne.s32 s10, $0x9FC0;
	[tilespmem:s11+$0x2800] =	vst v0;
	s11 =	smov.u32 s10;
	s10 =	sadd.s32 $0x40, s10  }
.Ltmp0:
0xe: {  	(pc) =	sbr.rel @p0 .LBB2_2-.Ltmp0, $2  }
0xf: {  	_ =	sdelay $0x2  }
0x10: {  	s11 =	sshra.s32 s11, $0x2  }
0x11: {  	[tilespmem:s11+$0x2800] =	vst v0  }
0x12: {  	s10 =	simm.s32 $0x0;
	[tilespmem:$0x5000] =	vst v1  }
0x13: {  	[tilespmem:s10], [sflag:$0x1] =	stream.linear.gather [hbm4b:s3+s10], $0x2800, $0x38;
	[tilespmem:$0x5080] =	vst v63  }
0x14: {  	_ =	swait.ge [sflag:s6], $0x2800  }
0x15: {  	[sflag:s6] =	ssyncset.done $0x0  }
0x16: {  	s11 =	simm.s32 $0x0;
	s10 =	simm.s32 $0x40;
	[sflag:s6] =	ssyncadd.s32 $0xFFFFD800  }
.LBB2_4:
0x17: {  	p0 =	sne.s32 s10, $0x9FC0;
	v2 =	vld [tilespmem:s11+$0x0];
	_ =	sdelay $0x2  }
0x18: {  	v3 =	vld [tilespmem:$0x5000]  }
.Ltmp1:
0x19: {  	(pc) =	sbr.rel @p0 .LBB2_4-.Ltmp1, $2  }
0x1a: {  	_ =	sdelay $0x2  }
0x1b: {  	s11 =	sshra.s32 s10, $0x2;
	s10 =	sadd.s32 $0x40, s10;
	[tilespmem:v2+s7+$0x0] =	vst.idx.add.f32.msk $0xffff, v3  }
0x1c: {  	v2 =	vld [tilespmem:s11+$0x0];
	_ =	sdelay $0x2  }
0x1d: {  	v3 =	vld [tilespmem:$0x5000];
	_ =	sdelay $0x2  }
0x1e: {  	s2 =	sadd.s32 $0x1, s2  }
0x1f: {  	p0 =	sne.s32 s2, s5  }
.Ltmp2:
0x20: {  	[tilespmem:v2+s7+$0x0] =	vst.idx.add.f32.msk $0xffff, v3;
	(pc) =	sbr.rel @p0 .LBB2_1-.Ltmp2, $4  }
0x21: {  	[hbm4b:s4+s8] =	stream.strided.scatter [tilespmem:s7], [sflag:$0x1], $0x2800, s9, s8, $0x38;
	[tilespmem:$0x5080] =	vst v63  }
0x22: {  	_ =	swait.ge [sflag:s6], $0x2800  }
0x23: {  	[sflag:s6] =	ssyncset.done $0x0  }
0x24: {  	[sflag:s6] =	ssyncadd.s32 $0xFFFFD800  }
0x25: {  	_ =	sfence.sel $0x180000  }
0x26: {  	[bflag:$0x0] =	sbarrier.arrive $0xFFFF  }
0x27: {  	p0 =	sne.s32 s0, $0x0;
	_ =	strace $0x90000047  }
0x28: {  	s0 =	sadd.s32 @!p0 $0x100000, s1;
	[bflag:$0x2] =	sbarrier.arrive $0xFFFF  }
0x29: {  	[sflag:s0] =	ssyncadd.tile.s32 @!p0 $0x1;
	_ =	shalt  }
.Lfunc_end2:
_tile_overlayer_lowered:
.L_overlay_start_2:
0x2a: {  	(tag) =	ssettag $0x2  }
0x2b: {  	s0 =	rddreg [dreg:$0x0];
	s2 =	stileid.u32  }
0x2c: {  	s1 =	rddreg [dreg:$0x1];
	p0 =	sne.s32 s2, $0x0  }
0x2d: {  	s3 =	rddreg [dreg:$0x2];
	[bflag:$0x3] =	sbarrier.arrive $0xFFFF;
	s2 =	simm.s32 @!p0 $0x1C01  }
0x2e: {  	[timem:s3], [sflag:s2] =	dma.local @!p0 [hbm:s0], s1  }
0x2f: {  	s0 =	simm.s32 @!p0 $0x1  }
0x30: {  	_ =	swait.ge @!p0 [sflag:s0], s1  }
0x31: {  	s1 =	ssub.s32 @!p0 $0x0, s1;
	[sflag:s0] =	ssyncset.done @!p0 $0x0  }
0x32: {  	[sflag:s0] =	ssyncadd.s32 @!p0 s1  }
0x33: {  	[bflag:$0x3] =	sbarrier.arrive $0xFFFF  }
0x34: {  	_ =	shalt  }

// kernel: kernel.13.cloned.1.call-start
scs
__scs_entry_jumppad:
0x0: {  	(pc) =	sbr.rel $0x88, $3  }
0x1: {  	(tag) =	ssettag $0x0;
	lr =	simm.s32 $0x1  }
0x2: {  	[smem:$0x3F93] =	sst lr;
	_ =	strace $0xD0000000  }
0x3: {  	_ = 	snop  }
0x4: {  	_ = 	snop  }
0x5: {  	_ = 	snop  }
0x6: {  	_ = 	snop  }
0x7: {  	_ = 	snop  }
__scs_overlays_trampoline_lowered:
0x8: {  	[smem:$0x3FA2] =	sst s0  }
0x9: {  	[smem:$0x3FA3] =	sst s1  }
0xa: {  	[smem:$0x3FA4] =	sst s2  }
0xb: {  	[smem:$0x3FA5] =	sst s3  }
0xc: {  	[smem:$0x3FA6] =	sst s4  }
0xd: {  	[smem:$0x3FA7] =	sst s5  }
0xe: {  	[smem:$0x3FA8] =	sst s6  }
0xf: {  	[smem:$0x3FA9] =	sst s7  }
0x10: {  	[smem:$0x3FAA] =	sst s8  }
0x11: {  	[smem:$0x3FAB] =	sst s9;
	s0 =	simm.s32 @!p0 $0x0  }
0x12: {  	s1 =	sld [smem:$0x3F91];
	s0 =	simm.s32 @p0 $0x1  }
0x13: {  	[smem:$0x3FAC] =	sst s0;
	s0 =	simm.s32 @!p1 $0x0  }
0x14: {  	s2 =	sld [smem:$0x3F90];
	s0 =	simm.s32 @p1 $0x1  }
0x15: {  	[smem:$0x3FAD] =	sst s0;
	s0 =	simm.s32 @!p2 $0x0  }
0x16: {  	s3 =	sld [smem:$0x3FDB];
	s0 =	simm.s32 @p2 $0x1  }
0x17: {  	s4 =	simm.s32 $0x1BF5;
	[smem:$0x3FAF] =	sst s0  }
0x18: {  	s0 =	sld [smem:$0x3F92];
	_ =	swait.ge [sflag:s4], $0x0  }
0x19: {  	s7 =	sld [smem:$0x3F93]  }
0x1a: {  	s8 =	sadd.s32 $0xFFFFE003, lr  }
0x1b: {  	s9 =	sadd.s32 $0xFFFFFEF7, lr;
	s5 =	simm.s32 $0xFFFFFFFF;
	p2 =	slt.u32 s8, $0xFFFFF086  }
0x1c: {  	p1 =	slt.u32 s9, $0xF7A;
	s5 =	simm.s32 @!p2 $0x0  }
0x1d: {  	s5 =	simm.s32 @p1 $0x1;
	p0 =	seq.s32 s7, s2  }
0x1e: {  	s7 =	smul.u32 @!p0 $0xF7A, s2;
	p2 =	seq.s32 @!p0 s5, $0x0  }
0x1f: {  	s9 =	smul.u32 $0xF7A, s1;
	s8 =	simm.s32 @!p0 $0x1BF5;
	p2 =	por !p2, p0  }
0x20: {  	[sflag:s8] =	ssyncset.s32 @!p0 $0xFFFFF086;
	s6 =	sadd.s32 @!p0 s3, s7;
	s7 =	simm.s32 @!p0 $0x108  }
0x21: {  	s3 =	sadd.s32 s3, s9;
	s6 =	sadd.s32 @!p0 $0x88, s6;
	s7 =	simm.s32 @p2 $0x1082  }
0x22: {  	[simem:s7], [sflag:s8] =	dma.local @!p0 [hbm:s6], $0xF7A  }
0x23: {  	s9 =	sor.u32 $0xD0000000, s2;
	s6 =	simm.s32 $0x108;
	_ =	swait.ge @!p0 [sflag:s8], $0x0  }
0x24: {  	s3 =	sadd.s32 $0x88, s3;
	s6 =	simm.s32 @!p1 $0x1082;
	[sflag:s4] =	ssyncset.s32 $0xFFFFF086  }
0x25: {  	[simem:s6], [sflag:s4] =	dma.local [hbm:s3], $0xF7A  }
0x26: {  	[smem:$0x3F93] =	sst s1;
	(tag) =	ssettag s2;
	_ =	strace s9  }
0x27: {  	s1 =	sld [smem:$0x3FA3]  }
0x28: {  	s2 =	sld [smem:$0x3FA4]  }
0x29: {  	s4 =	sld [smem:$0x3FA6]  }
0x2a: {  	p0 =	seq.s32 s5, $0x0;
	s5 =	sld [smem:$0x3FA7]  }
0x2b: {  	s6 =	sld [smem:$0x3FA8]  }
0x2c: {  	s7 =	sld [smem:$0x3FA9]  }
0x2d: {  	s3 =	simm.s32 $0x108;
	s8 =	sld [smem:$0x3FAA]  }
0x2e: {  	s3 =	simm.s32 @!p0 $0x1082;
	s9 =	sld [smem:$0x3FAB]  }
0x2f: {  	lr =	sadd.s32 s0, s3;
	s0 =	sld [smem:$0x3FA2]  }
0x30: {  	s3 =	sld [smem:$0x3FA5]  }
0x31: {  	[smem:$0x3FAE] =	sst s10  }
0x32: {  	s10 =	sld [smem:$0x3FAC];
	_ =	sdelay $0x3  }
0x33: {  	p0 =	seq.s32 s10, $0x1;
	s10 =	sld [smem:$0x3FAE];
	_ =	sdelay $0x3  }
0x34: {  	[smem:$0x3FAE] =	sst s10  }
0x35: {  	s10 =	sld [smem:$0x3FAD];
	_ =	sdelay $0x3  }
0x36: {  	p1 =	seq.s32 s10, $0x1;
	s10 =	sld [smem:$0x3FAE];
	_ =	sdelay $0x3  }
0x37: {  	[smem:$0x3FAE] =	sst s10  }
0x38: {  	s10 =	sld [smem:$0x3FAF]  }
0x39: {  	_ = 	snop;
	(pc) =	sbr.ind lr, $3  }
0x3a: {  	_ = 	snop  }
0x3b: {  	_ = 	snop  }
0x3c: {  	p2 =	seq.s32 s10, $0x1;
	s10 =	sld [smem:$0x3FAE]  }
0x3d: {  	_ =	shalt  }
0x3e: {  	_ =	shalt  }
0x3f: {  	_ =	shalt  }
0x40: {  	_ =	shalt  }
0x41: {  	_ =	shalt  }
0x42: {  	_ =	shalt  }
0x43: {  	_ =	shalt  }
0x44: {  	_ =	shalt  }
0x45: {  	_ =	shalt  }
0x46: {  	_ =	shalt  }
0x47: {  	_ =	shalt  }
0x48: {  	_ =	shalt  }
0x49: {  	_ =	shalt  }
0x4a: {  	_ =	shalt  }
0x4b: {  	_ =	shalt  }
0x4c: {  	_ =	shalt  }
0x4d: {  	_ =	shalt  }
0x4e: {  	_ =	shalt  }
0x4f: {  	_ =	shalt  }
0x50: {  	_ =	shalt  }
0x51: {  	_ =	shalt  }
0x52: {  	_ =	shalt  }
0x53: {  	_ =	shalt  }
0x54: {  	_ =	shalt  }
0x55: {  	_ =	shalt  }
0x56: {  	_ =	shalt  }
0x57: {  	_ =	shalt  }
0x58: {  	_ =	shalt  }
0x59: {  	_ =	shalt  }
0x5a: {  	_ =	shalt  }
0x5b: {  	_ =	shalt  }
0x5c: {  	_ =	shalt  }
0x5d: {  	_ =	shalt  }
0x5e: {  	_ =	shalt  }
0x5f: {  	_ =	shalt  }
0x60: {  	_ =	shalt  }
0x61: {  	_ =	shalt  }
0x62: {  	_ =	shalt  }
0x63: {  	_ =	shalt  }
0x64: {  	_ =	shalt  }
0x65: {  	_ =	shalt  }
0x66: {  	_ =	shalt  }
0x67: {  	_ =	shalt  }
0x68: {  	_ =	shalt  }
0x69: {  	_ =	shalt  }
0x6a: {  	_ =	shalt  }
0x6b: {  	_ =	shalt  }
0x6c: {  	_ =	shalt  }
0x6d: {  	_ =	shalt  }
0x6e: {  	_ =	shalt  }
0x6f: {  	_ =	shalt  }
0x70: {  	_ =	shalt  }
0x71: {  	_ =	shalt  }
0x72: {  	_ =	shalt  }
0x73: {  	_ =	shalt  }
0x74: {  	_ =	shalt  }
0x75: {  	_ =	shalt  }
0x76: {  	_ =	shalt  }
0x77: {  	_ =	shalt  }
0x78: {  	_ =	shalt  }
0x79: {  	_ =	shalt  }
0x7a: {  	_ =	shalt  }
0x7b: {  	_ =	shalt  }
0x7c: {  	_ =	shalt  }
0x7d: {  	_ =	shalt  }
0x7e: {  	_ =	shalt  }
0x7f: {  	_ =	shalt  }
0x80: {  	_ =	shalt  }
0x81: {  	_ =	shalt  }
0x82: {  	_ =	shalt  }
0x83: {  	_ =	shalt  }
0x84: {  	_ =	shalt  }
0x85: {  	_ =	shalt  }
0x86: {  	_ =	shalt  }
0x87: {  	_ =	shalt  }
.Lfunc_end0:
.L_simem_size_0:
called_computation.1_lowered:
.L_overlay_start_0:
0x88: {  	s2 =	sld [smem:$0x3FD9]  }
0x89: {  	s3 =	sld [smem:$0x3FFE];
	_ =	sdelay $0x1  }
0x8a: {  	s1 =	srdreg.scid  }
0x8b: {  	s0 =	sand.u32 $0x1, s1  }
0x8c: {  	s16 =	sshll.u32 s0, $0xA;
	s2 =	sadd.s32 s3, s2  }
0x8d: {  	s2 =	sadd.s32 s2, s16  }
0x8e: {  	[smem:$0x3FBA] =	sst s2  }
0x8f: {  	_ = 	snop  }
0x90: {  	(tm) =	ssettm $0x1  }
0x91: {  	s17 =	sld [smem:$0x3FFB];
	_ =	sdelay $0x3  }
0x92: {  	_ =	strace s17  }
0x93: {  	s2 =	sld [smem:$0x3FFC];
	_ =	sdelay $0x3  }
0x94: {  	_ =	strace s2  }
0x95: {  	s2 =	sld [smem:$0x3FFD];
	_ =	sdelay $0x3  }
0x96: {  	_ =	strace s2  }
0x97: {  	_ =	strace $0x8FFFFFFF  }
0x98: {  	s18 =	sld [smem:$0x3FDB];
	_ =	sdelay $0x1  }
0x99: {  	s19 =	simm.s32 $_scs_section_size  }
0x9a: {  	s4 =	simm.s32 $_size__tile_overlayer_lowered;
	s5 =	simm.s32 $_tile_overlayer_lowered  }
0x9b: {  	s22 =	simm.s32 $0x1BFF;
	s21 =	sshll.u32 s5, $0x1;
	s2 =	sadd.s32 s19, s18  }
0x9c: {  	s6 =	simm.s32 $0x0;
	s20 =	sshll.u32 s4, $0x1;
	s4 =	sadd.s32 s21, s2  }
0x9d: {  	[timem:s6], [sflag:s22] =	dma.local [hbm:s4], s20  }
0x9e: {  	_ =	swait.ge [sflag:s22], s20  }
0x9f: {  	s3 =	ssub.s32 $0x0, s20;
	[sflag:s22] =	ssyncset.done $0x0  }
0xa0: {  	[sflag:s22] =	ssyncadd.s32 s3;
	_ =	sdelay $0x1  }
0xa1: {  	s23 =	simm.s32 $0x1B8B  }
0xa2: {  	_ =	swait.ge [sflag:s23], $0x1  }
0xa3: {  	[sflag:s23] =	ssyncset.done $0x0  }
0xa4: {  	s25 =	simm.s32 $0x1B8E;
	s24 =	sld [smem:$0x3FFE];
	[sflag:s23] =	ssyncadd.s32 $0xFFFFFFFF  }
0xa5: {  	s26 =	simm.s32 $execute0_lowered;
	[smem:$0x3FD2] =	sst s25  }
0xa6: {  	s4 =	sshll.u32 s26, $0x1;
	_ =	strace $0x80000049;
	[dreg:$0x1] =	wrdreg $0xFFFFFFFF  }
0xa7: {  	s28 =	simm.s32 $_size_execute0_lowered;
	s2 =	sadd.s32 s2, s4;
	[dreg:$0x0] =	wrdreg $0x0  }
0xa8: {  	s4 =	sshll.u32 s28, $0x1;
	[dreg:$0x2] =	wrdreg s2  }
0xa9: {  	[dreg:$0x3] =	wrdreg s4  }
0xaa: {  	[dreg:$0x4] =	wrdreg $0xC0  }
0xab: {  	_ =	task [dreg:s6], $0x5FFFF  }
0xac: {  	[dreg:$0x1] =	wrdreg $0xFFFFFFFF  }
0xad: {  	[dreg:$0x0] =	wrdreg $0x60  }
0xae: {  	[dreg:$0x2] =	wrdreg s24  }
0xaf: {  	[dreg:$0x3] =	wrdreg $0x0  }
0xb0: {  	[dreg:$0x4] =	wrdreg $0x9  }
0xb1: {  	_ =	task.clear_ibuf [dreg:s6], $0x5FFFF;
	_ =	strace $0x90000049  }
0xb2: {  	s29 =	simm.s32 $0x9;
	_ =	strace $0x8000004B  }
0xb3: {  	_ =	swait.ge [sflag:s29], $0x1  }
0xb4: {  	[sflag:s29] =	ssyncadd.s32 $0xFFFFFFFF  }
0xb5: {  	_ =	strace $0x9000004B  }
0xb6: {  	_ =	sfence  }
0xb7: {  	s30 =	sld [smem:$0x0];
	_ =	sdelay $0x2  }
0xb8: {  	s31 =	sshll.u32 s1, $0xD;
	s1 =	sshrl.u32 s1, $0x2  }
0xb9: {  	s3 =	sand.u32 $0x4000, s31;
	s1 =	sadd.s32 s1, s30  }
0xba: {  	s0 =	sor.u32 s3, s0;
	s1 =	sshll.u32 s1, $0x11  }
0xbb: {  	s0 =	sor.u32 s1, s0  }
0xbc: {  	s0 =	sadd.s32 $0x8F2B, s0  }
0xbd: {  	[sflag:s0] =	ssyncadd.remote.s32 $0x1  }
0xbe: {  	_ =	sfence.sel $0xFFFF  }
0xbf: {  	[dreg:$0x0] =	wrdreg $0xFFFFFFFF;
	(pc) =	sbr.abs _section_cstart, $3  }
0xc0: {  	[dreg:$0x1] =	wrdreg $0xFFFFFFFF  }
0xc1: {  	_ =	task.clear_ibuf [dreg:s6], $0x2FFFF;
	_ =	strace $0x9FFFFFFF  }
0xc2: {  	(tm) =	ssettm $0x7FFFFFFF  }
0xc3: {  	_ =	shalt  }
tec
execute0_lowered:
.L_overlay_start_1:
0x0: {  	(tag) =	ssettag $0x1  }
0x1: {  	s0 =	rddreg [dreg:$0x0]  }
0x2: {  	s1 =	rddreg [dreg:$0x1];
	s2 =	srdreg.scid;
	s3 =	simm.s32 $0x0  }
0x3: {  	s10 =	stileid.u32;
	s16 =	simm.s32 $0x14200;
	s17 =	simm.s32 $0x7  }
0x4: {  	s18 =	simm.s32 $0x14000;
	s19 =	simm.s32 $0x14100;
	s28 =	simm.s32 $0x4  }
0x5: {  	s29 =	simm.s32 $0x14180;
	s30 =	simm.s32 $0x6;
	s6 =	smul.u32 $0x14000, s10  }
0x6: {  	s31 =	simm.s32 $0x0;
	s2 =	sand.u32 $0x1, s2;
	s8 =	smul.u32 $0x50000, s10  }
0x7: {  	[smem:$0x7FF] =	sst s3;
	s15 =	sadd.s32 $0x17800, s0;
	s11 =	smul.u32 $0x5000, s10  }
0x8: {  	s4 =	sadd.s32 $0x2B800, s0;
	s5 =	smul.u32 $0x140000, s2;
	_ =	strace $0x8000004A  }
0x9: {  	s7 =	sshll.u32 s2, $0x4;
	s21 =	ssub.s32 $0x2, s2;
	s2 =	smul.u32 $0x50000, s2  }
0xa: {  	s20 =	sor.u32 s10, s7;
	s22 =	sshrl.u32 s21, $0x1;
	s24 =	sshrl.u32 s8, $0x2  }
0xb: {  	s5 =	sadd.s32 s6, s5;
	s6 =	smul.u32 $0x5000, s20;
	s9 =	ssub.s32 s21, s22  }
0xc: {  	s26 =	sadd.s32 s11, s2;
	s20 =	simm.s32 $0x1;
	s21 =	simm.s32 $0x80  }
0xd: {  	s22 =	simm.s32 $0x2;
	s5 =	sshrl.u32 s5, $0x3;
	s9 =	smax.u32 s9, $0x1  }
0xe: {  	s2 =	sor.u32 $0x300, s26;
	s0 =	sadd.s32 s5, s0;
	s23 =	sshrl.u32 s6, $0x3  }
0xf: {  	s6 =	sadd.s32 s24, s1;
	s2 =	sshrl.u32 s2, $0x3;
	s24 =	simm.s32 $0x3  }
0x10: {  	s5 =	sadd.s32 s15, s23;
	s8 =	sadd.s32 $0x52A00, s0;
	s10 =	sadd.s32 $0x4000, s6  }
0x11: {  	s11 =	sadd.s32 $0x8000, s6;
	s0 =	sor.u32 $0x200, s26;
	s12 =	sadd.s32 $0xC000, s6  }
0x12: {  	s13 =	sadd.s32 $0x10000, s6;
	s14 =	sadd.s32 s2, s15;
	s23 =	simm.s32 $0x18200  }
0x13: {  	s26 =	simm.s32 $0x5;
	s25 =	sadd.s32 $0x20, s5;
	s0 =	sshrl.u32 s0, $0x3  }
0x14: {  	v0 =	vimm.f32 $0.0e+00;
	[dreg:$0x3] =	wrdreg s25;
	s15 =	sadd.s32 s0, s15;
	s25 =	simm.s32 $0x14080  }
.LBB2_1:
0x15: {  	s0 =	simm.s32 $0x0;
	s2 =	simm.s32 $0x200  }
.LBB2_2:
0x16: {  	p0 =	sne.s32 s2, $0xFE00;
	[tilespmem:s0+$0x14270] =	vst v0  }
0x17: {  	[tilespmem:s0+$0x14200] =	vst v0  }
0x18: {  	[tilespmem:s0+$0x14210] =	vst v0  }
.Ltmp0:
0x19: {  	[tilespmem:s0+$0x14220] =	vst v0;
	(pc) =	sbr.rel @p0 .LBB2_2-.Ltmp0, $4  }
0x1a: {  	[tilespmem:s0+$0x14230] =	vst v0  }
0x1b: {  	[tilespmem:s0+$0x14240] =	vst v0  }
0x1c: {  	[tilespmem:s0+$0x14250] =	vst v0  }
0x1d: {  	[tilespmem:s0+$0x14260] =	vst v0;
	s0 =	sshra.s32 s2, $0x2;
	s2 =	sadd.s32 $0x200, s2  }
0x1e: {  	[tilespmem:s0+$0x14270] =	vst v0  }
0x1f: {  	[tilespmem:s0+$0x14200] =	vst v0  }
0x20: {  	[tilespmem:s0+$0x14210] =	vst v0  }
0x21: {  	[tilespmem:s0+$0x14220] =	vst v0  }
0x22: {  	[tilespmem:s0+$0x14230] =	vst v0  }
0x23: {  	[tilespmem:s0+$0x14240] =	vst v0  }
0x24: {  	[tilespmem:s0+$0x14250] =	vst v0  }
0x25: {  	[tilespmem:s0+$0x14260] =	vst v0  }
0x26: {  	[spmem:s6] =	stream.linear.scatter [tilespmem:s16], [sflag:$0x7], $0x4000, $0x38;
	[tilespmem:$0x1C200] =	vst v63  }
0x27: {  	_ =	swait.ge [sflag:s17], $0x4000  }
0x28: {  	[sflag:s17] =	ssyncset.done $0x0  }
0x29: {  	[sflag:s17] =	ssyncadd.s32 $0xFFFFC000  }
0x2a: {  	[spmem:s10] =	stream.linear.scatter [tilespmem:s16], [sflag:$0x7], $0x4000, $0x38;
	[tilespmem:$0x1C200] =	vst v63  }
0x2b: {  	_ =	swait.ge [sflag:s17], $0x4000  }
0x2c: {  	[sflag:s17] =	ssyncset.done $0x0  }
0x2d: {  	[sflag:s17] =	ssyncadd.s32 $0xFFFFC000  }
0x2e: {  	[spmem:s11] =	stream.linear.scatter [tilespmem:s16], [sflag:$0x7], $0x4000, $0x38;
	[tilespmem:$0x1C200] =	vst v63  }
0x2f: {  	_ =	swait.ge [sflag:s17], $0x4000  }
0x30: {  	[sflag:s17] =	ssyncset.done $0x0  }
0x31: {  	[sflag:s17] =	ssyncadd.s32 $0xFFFFC000  }
0x32: {  	[spmem:s12] =	stream.linear.scatter [tilespmem:s16], [sflag:$0x7], $0x4000, $0x38;
	[tilespmem:$0x1C200] =	vst v63  }
0x33: {  	_ =	swait.ge [sflag:s17], $0x4000  }
0x34: {  	[sflag:s17] =	ssyncset.done $0x0  }
0x35: {  	[sflag:s17] =	ssyncadd.s32 $0xFFFFC000  }
0x36: {  	[spmem:s13] =	stream.linear.scatter [tilespmem:s16], [sflag:$0x7], $0x4000, $0x38;
	[tilespmem:$0x1C200] =	vst v63  }
0x37: {  	_ =	swait.ge [sflag:s17], $0x4000  }
0x38: {  	[sflag:s17] =	ssyncset.done $0x0  }
0x39: {  	[sflag:s17] =	ssyncadd.s32 $0xFFFFC000  }
0x3a: {  	s7 =	simm.s32 $0x0;
	[bflag:$0x0] =	sbarrier.arrive $0xFFFF  }
0x3b: {  	[tilespmem:s18], [sflag:$0x1] =	stream.linear.gather [hbm4b:s5+s7], $0x100, $0x38;
	[tilespmem:$0x1C200] =	vst v63  }
0x3c: {  	s2 =	rddreg [dreg:$0x3]  }
0x3d: {  	[tilespmem:s19], [sflag:$0x2] =	stream.linear.gather [hbm4b:s2+s7], $0x100, $0x38;
	[tilespmem:$0x1C200] =	vst v63  }
0x3e: {  	_ =	swait.ge [sflag:s20], $0x100  }
0x3f: {  	[sflag:s20] =	ssyncset.done $0x0  }
0x40: {  	[sflag:s20] =	ssyncadd.s32 $0xFFFFFF00  }
0x41: {  	[tilespmem:s16], [sflag:$0x3] =	stream.indirect.gather [hbm4b:s4+s21], $0x80, s18, s21, $0xb8;
	[tilespmem:$0x1C200] =	vst v63  }
0x42: {  	_ =	swait.ge [sflag:s22], $0x100  }
0x43: {  	[sflag:s22] =	ssyncset.done $0x0  }
0x44: {  	[sflag:s22] =	ssyncadd.s32 $0xFFFFFF00  }
0x45: {  	[tilespmem:s23], [sflag:$0x4] =	stream.indirect.gather [hbm4b:s4+s21], $0x80, s19, s21, $0xb8;
	[tilespmem:$0x1C200] =	vst v63  }
0x46: {  	_ =	swait.ge [sflag:s24], $0x4000  }
0x47: {  	[sflag:s24] =	ssyncset.done $0x0  }
0x48: {  	[sflag:s24] =	ssyncadd.s32 $0xFFFFC000  }
0x49: {  	[spmem:s1] =	stream.indirect.scatter.add.f32 [tilespmem:s16], [sflag:$0x5], $0x80, s25, s21, $0xb8;
	[tilespmem:$0x1C200] =	vst v63  }
0x4a: {  	_ =	swait.ge [sflag:s26], $0x4000  }
0x4b: {  	[sflag:s26] =	ssyncset.done $0x0  }
0x4c: {  	s2 =	sadd.s32 $0x0, s15;
	[sflag:s26] =	ssyncadd.s32 $0xFFFFC000  }
0x4d: {  	[tilespmem:s18], [sflag:$0x1] =	stream.linear.gather [hbm4b:s2+s3], $0x100, $0x38;
	[tilespmem:$0x1C200] =	vst v63  }
0x4e: {  	_ =	swait.ge [sflag:s20], $0x100  }
0x4f: {  	[sflag:s20] =	ssyncset.done $0x0  }
0x50: {  	[sflag:s20] =	ssyncadd.s32 $0xFFFFFF00  }
0x51: {  	[tilespmem:s16], [sflag:$0x3] =	stream.indirect.gather [hbm4b:s4+s21], $0x80, s18, s21, $0xb8;
	[tilespmem:$0x1C200] =	vst v63  }
0x52: {  	_ =	swait.ge [sflag:s28], $0x4000  }
0x53: {  	[sflag:s28] =	ssyncset.done $0x0  }
0x54: {  	[sflag:s28] =	ssyncadd.s32 $0xFFFFC000  }
0x55: {  	[spmem:s1] =	stream.indirect.scatter.add.f32 [tilespmem:s23], [sflag:$0x6], $0x80, s29, s21, $0xb8;
	[tilespmem:$0x1C200] =	vst v63  }
0x56: {  	_ =	swait.ge [sflag:s30], $0x4000  }
0x57: {  	[sflag:s30] =	ssyncset.done $0x0  }
0x58: {  	s7 =	sadd.s32 $0x0, s14;
	[sflag:s30] =	ssyncadd.s32 $0xFFFFC000  }
0x59: {  	[tilespmem:s19], [sflag:$0x2] =	stream.linear.gather [hbm4b:s7+s3], $0x100, $0x38;
	[tilespmem:$0x1C200] =	vst v63  }
0x5a: {  	_ =	swait.ge [sflag:s22], $0x100  }
0x5b: {  	[sflag:s22] =	ssyncset.done $0x0  }
0x5c: {  	s0 =	simm.s32 $0x40;
	[sflag:s22] =	ssyncadd.s32 $0xFFFFFF00  }
.LBB2_4:
0x5d: {  	[tilespmem:s23], [sflag:$0x4] =	stream.indirect.gather [hbm4b:s4+s21], $0x80, s19, s21, $0xb8;
	[tilespmem:$0x1C200] =	vst v63  }
0x5e: {  	s2 =	smov.u32 s0  }
0x5f: {  	p0 =	sne.s32 s0, $0x980;
	s0 =	sadd.s32 $0x40, s0;
	_ =	swait.ge [sflag:s24], $0x4000  }
0x60: {  	[sflag:s24] =	ssyncset.done $0x0  }
0x61: {  	[sflag:s24] =	ssyncadd.s32 $0xFFFFC000  }
0x62: {  	[spmem:s1] =	stream.indirect.scatter.add.f32 [tilespmem:s16], [sflag:$0x5], $0x80, s25, s21, $0xb8;
	[tilespmem:$0x1C200] =	vst v63  }
0x63: {  	_ =	swait.ge [sflag:s26], $0x4000  }
0x64: {  	[sflag:s26] =	ssyncset.done $0x0  }
0x65: {  	s7 =	sadd.s32 s2, s15;
	[sflag:s26] =	ssyncadd.s32 $0xFFFFC000  }
0x66: {  	[tilespmem:s18], [sflag:$0x1] =	stream.linear.gather [hbm4b:s7+s3], $0x100, $0x38;
	[tilespmem:$0x1C200] =	vst v63  }
0x67: {  	_ =	swait.ge [sflag:s20], $0x100  }
0x68: {  	[sflag:s20] =	ssyncset.done $0x0  }
0x69: {  	[sflag:s20] =	ssyncadd.s32 $0xFFFFFF00  }
0x6a: {  	[tilespmem:s16], [sflag:$0x3] =	stream.indirect.gather [hbm4b:s4+s21], $0x80, s18, s21, $0xb8;
	[tilespmem:$0x1C200] =	vst v63  }
0x6b: {  	_ =	swait.ge [sflag:s28], $0x4000  }
0x6c: {  	[sflag:s28] =	ssyncset.done $0x0  }
0x6d: {  	[sflag:s28] =	ssyncadd.s32 $0xFFFFC000  }
0x6e: {  	[spmem:s1] =	stream.indirect.scatter.add.f32 [tilespmem:s23], [sflag:$0x6], $0x80, s29, s21, $0xb8;
	[tilespmem:$0x1C200] =	vst v63  }
0x6f: {  	_ =	swait.ge [sflag:s30], $0x4000  }
0x70: {  	[sflag:s30] =	ssyncset.done $0x0  }
.Ltmp1:
0x71: {  	s2 =	sadd.s32 s2, s14;
	[sflag:s30] =	ssyncadd.s32 $0xFFFFC000;
	(pc) =	sbr.rel @p0 .LBB2_4-.Ltmp1, $4  }
0x72: {  	[tilespmem:s19], [sflag:$0x2] =	stream.linear.gather [hbm4b:s2+s3], $0x100, $0x38;
	[tilespmem:$0x1C200] =	vst v63  }
0x73: {  	_ =	swait.ge [sflag:s22], $0x100  }
0x74: {  	[sflag:s22] =	ssyncset.done $0x0  }
0x75: {  	[sflag:s22] =	ssyncadd.s32 $0xFFFFFF00  }
0x76: {  	[tilespmem:s23], [sflag:$0x4] =	stream.indirect.gather [hbm4b:s4+s21], $0x80, s19, s21, $0xb8;
	[tilespmem:$0x1C200] =	vst v63  }
0x77: {  	_ =	swait.ge [sflag:s24], $0x4000  }
0x78: {  	[sflag:s24] =	ssyncset.done $0x0  }
0x79: {  	[sflag:s24] =	ssyncadd.s32 $0xFFFFC000  }
0x7a: {  	[spmem:s1] =	stream.indirect.scatter.add.f32 [tilespmem:s16], [sflag:$0x5], $0x80, s25, s21, $0xb8;
	[tilespmem:$0x1C200] =	vst v63  }
0x7b: {  	_ =	swait.ge [sflag:s26], $0x4000  }
0x7c: {  	[sflag:s26] =	ssyncset.done $0x0  }
0x7d: {  	[sflag:s26] =	ssyncadd.s32 $0xFFFFC000  }
0x7e: {  	_ =	swait.ge [sflag:s28], $0x4000  }
0x7f: {  	[sflag:s28] =	ssyncset.done $0x0  }
0x80: {  	[sflag:s28] =	ssyncadd.s32 $0xFFFFC000  }
0x81: {  	[spmem:s1] =	stream.indirect.scatter.add.f32 [tilespmem:s23], [sflag:$0x6], $0x80, s29, s21, $0xb8;
	[tilespmem:$0x1C200] =	vst v63  }
0x82: {  	s0 =	stileid.u32;
	_ =	swait.ge [sflag:s30], $0x4000  }
0x83: {  	s2 =	sshrl.u32 s6, $0x3;
	s31 =	sadd.s32 $0x1, s31;
	[sflag:s30] =	ssyncset.done $0x0  }
0x84: {  	s0 =	sshll.u32 s0, $0x6;
	p0 =	sne.s32 s31, s9;
	[sflag:s30] =	ssyncadd.s32 $0xFFFFC000  }
.Ltmp2:
0x85: {  	s0 =	sor.u32 $0x1C07, s0;
	[bflag:$0x0] =	sbarrier.arrive $0xFFFF;
	(pc) =	sbr.rel @p0 .LBB2_1-.Ltmp2, $4  }
0x86: {  	[hbm:s8], [sflag:s0] =	dma.local [spmem:s2], $0x2800  }
0x87: {  	_ =	swait.ge [sflag:s17], $0x2800  }
0x88: {  	[sflag:s17] =	ssyncset.done $0x0  }
0x89: {  	[sflag:s17] =	ssyncadd.s32 $0xFFFFD800  }
0x8a: {  	_ =	sfence.sel $0x180000  }
0x8b: {  	[bflag:$0x0] =	sbarrier.arrive $0xFFFF  }
0x8c: {  	_ =	strace $0x9000004A  }
0x8d: {  	s0 =	stileid.u32;
	[bflag:$0x2] =	sbarrier.arrive $0xFFFF  }
0x8e: {  	p0 =	sne.s32 s0, $0x0;
	s0 =	rddreg [dreg:$0x2]  }
0x8f: {  	s0 =	sadd.s32 @!p0 $0x100000, s0  }
0x90: {  	[sflag:s0] =	ssyncadd.tile.s32 @!p0 $0x1;
	_ =	shalt  }
.Lfunc_end2:
_tile_overlayer_lowered:
.L_overlay_start_2:
0x91: {  	(tag) =	ssettag $0x2  }
0x92: {  	s0 =	rddreg [dreg:$0x0];
	s2 =	stileid.u32  }
0x93: {  	s1 =	rddreg [dreg:$0x1];
	p0 =	sne.s32 s2, $0x0  }
0x94: {  	s3 =	rddreg [dreg:$0x2];
	[bflag:$0x3] =	sbarrier.arrive $0xFFFF;
	s2 =	simm.s32 @!p0 $0x1C07  }
0x95: {  	[timem:s3], [sflag:s2] =	dma.local @!p0 [hbm:s0], s1  }
0x96: {  	s0 =	simm.s32 @!p0 $0x7  }
0x97: {  	_ =	swait.ge @!p0 [sflag:s0], s1  }
0x98: {  	s1 =	ssub.s32 @!p0 $0x0, s1;
	[sflag:s0] =	ssyncset.done @!p0 $0x0  }
0x99: {  	[sflag:s0] =	ssyncadd.s32 @!p0 s1  }
0x9a: {  	[bflag:$0x3] =	sbarrier.arrive $0xFFFF  }
0x9b: {  	_ =	shalt  }

// kernel: kernel.16.cloned.1.call-start
scs
__scs_entry_jumppad:
0x0: {  	(pc) =	sbr.rel $0x88, $3  }
0x1: {  	(tag) =	ssettag $0x0;
	lr =	simm.s32 $0x1  }
0x2: {  	[smem:$0x3F93] =	sst lr;
	_ =	strace $0xD0000000  }
0x3: {  	_ = 	snop  }
0x4: {  	_ = 	snop  }
0x5: {  	_ = 	snop  }
0x6: {  	_ = 	snop  }
0x7: {  	_ = 	snop  }
__scs_overlays_trampoline_lowered:
0x8: {  	[smem:$0x3FA2] =	sst s0  }
0x9: {  	[smem:$0x3FA3] =	sst s1  }
0xa: {  	[smem:$0x3FA4] =	sst s2  }
0xb: {  	[smem:$0x3FA5] =	sst s3  }
0xc: {  	[smem:$0x3FA6] =	sst s4  }
0xd: {  	[smem:$0x3FA7] =	sst s5  }
0xe: {  	[smem:$0x3FA8] =	sst s6  }
0xf: {  	[smem:$0x3FA9] =	sst s7  }
0x10: {  	[smem:$0x3FAA] =	sst s8  }
0x11: {  	[smem:$0x3FAB] =	sst s9;
	s0 =	simm.s32 @!p0 $0x0  }
0x12: {  	s1 =	sld [smem:$0x3F91];
	s0 =	simm.s32 @p0 $0x1  }
0x13: {  	[smem:$0x3FAC] =	sst s0;
	s0 =	simm.s32 @!p1 $0x0  }
0x14: {  	s2 =	sld [smem:$0x3F90];
	s0 =	simm.s32 @p1 $0x1  }
0x15: {  	[smem:$0x3FAD] =	sst s0;
	s0 =	simm.s32 @!p2 $0x0  }
0x16: {  	s3 =	sld [smem:$0x3FDB];
	s0 =	simm.s32 @p2 $0x1  }
0x17: {  	s4 =	simm.s32 $0x1BF5;
	[smem:$0x3FAF] =	sst s0  }
0x18: {  	s0 =	sld [smem:$0x3F92];
	_ =	swait.ge [sflag:s4], $0x0  }
0x19: {  	s7 =	sld [smem:$0x3F93]  }
0x1a: {  	s8 =	sadd.s32 $0xFFFFE003, lr  }
0x1b: {  	s9 =	sadd.s32 $0xFFFFFEF7, lr;
	s5 =	simm.s32 $0xFFFFFFFF;
	p2 =	slt.u32 s8, $0xFFFFF086  }
0x1c: {  	p1 =	slt.u32 s9, $0xF7A;
	s5 =	simm.s32 @!p2 $0x0  }
0x1d: {  	s5 =	simm.s32 @p1 $0x1;
	p0 =	seq.s32 s7, s2  }
0x1e: {  	s7 =	smul.u32 @!p0 $0xF7A, s2;
	p2 =	seq.s32 @!p0 s5, $0x0  }
0x1f: {  	s9 =	smul.u32 $0xF7A, s1;
	s8 =	simm.s32 @!p0 $0x1BF5;
	p2 =	por !p2, p0  }
0x20: {  	[sflag:s8] =	ssyncset.s32 @!p0 $0xFFFFF086;
	s6 =	sadd.s32 @!p0 s3, s7;
	s7 =	simm.s32 @!p0 $0x108  }
0x21: {  	s3 =	sadd.s32 s3, s9;
	s6 =	sadd.s32 @!p0 $0x88, s6;
	s7 =	simm.s32 @p2 $0x1082  }
0x22: {  	[simem:s7], [sflag:s8] =	dma.local @!p0 [hbm:s6], $0xF7A  }
0x23: {  	s9 =	sor.u32 $0xD0000000, s2;
	s6 =	simm.s32 $0x108;
	_ =	swait.ge @!p0 [sflag:s8], $0x0  }
0x24: {  	s3 =	sadd.s32 $0x88, s3;
	s6 =	simm.s32 @!p1 $0x1082;
	[sflag:s4] =	ssyncset.s32 $0xFFFFF086  }
0x25: {  	[simem:s6], [sflag:s4] =	dma.local [hbm:s3], $0xF7A  }
0x26: {  	[smem:$0x3F93] =	sst s1;
	(tag) =	ssettag s2;
	_ =	strace s9  }
0x27: {  	s1 =	sld [smem:$0x3FA3]  }
0x28: {  	s2 =	sld [smem:$0x3FA4]  }
0x29: {  	s4 =	sld [smem:$0x3FA6]  }
0x2a: {  	p0 =	seq.s32 s5, $0x0;
	s5 =	sld [smem:$0x3FA7]  }
0x2b: {  	s6 =	sld [smem:$0x3FA8]  }
0x2c: {  	s7 =	sld [smem:$0x3FA9]  }
0x2d: {  	s3 =	simm.s32 $0x108;
	s8 =	sld [smem:$0x3FAA]  }
0x2e: {  	s3 =	simm.s32 @!p0 $0x1082;
	s9 =	sld [smem:$0x3FAB]  }
0x2f: {  	lr =	sadd.s32 s0, s3;
	s0 =	sld [smem:$0x3FA2]  }
0x30: {  	s3 =	sld [smem:$0x3FA5]  }
0x31: {  	[smem:$0x3FAE] =	sst s10  }
0x32: {  	s10 =	sld [smem:$0x3FAC];
	_ =	sdelay $0x3  }
0x33: {  	p0 =	seq.s32 s10, $0x1;
	s10 =	sld [smem:$0x3FAE];
	_ =	sdelay $0x3  }
0x34: {  	[smem:$0x3FAE] =	sst s10  }
0x35: {  	s10 =	sld [smem:$0x3FAD];
	_ =	sdelay $0x3  }
0x36: {  	p1 =	seq.s32 s10, $0x1;
	s10 =	sld [smem:$0x3FAE];
	_ =	sdelay $0x3  }
0x37: {  	[smem:$0x3FAE] =	sst s10  }
0x38: {  	s10 =	sld [smem:$0x3FAF]  }
0x39: {  	_ = 	snop;
	(pc) =	sbr.ind lr, $3  }
0x3a: {  	_ = 	snop  }
0x3b: {  	_ = 	snop  }
0x3c: {  	p2 =	seq.s32 s10, $0x1;
	s10 =	sld [smem:$0x3FAE]  }
0x3d: {  	_ =	shalt  }
0x3e: {  	_ =	shalt  }
0x3f: {  	_ =	shalt  }
0x40: {  	_ =	shalt  }
0x41: {  	_ =	shalt  }
0x42: {  	_ =	shalt  }
0x43: {  	_ =	shalt  }
0x44: {  	_ =	shalt  }
0x45: {  	_ =	shalt  }
0x46: {  	_ =	shalt  }
0x47: {  	_ =	shalt  }
0x48: {  	_ =	shalt  }
0x49: {  	_ =	shalt  }
0x4a: {  	_ =	shalt  }
0x4b: {  	_ =	shalt  }
0x4c: {  	_ =	shalt  }
0x4d: {  	_ =	shalt  }
0x4e: {  	_ =	shalt  }
0x4f: {  	_ =	shalt  }
0x50: {  	_ =	shalt  }
0x51: {  	_ =	shalt  }
0x52: {  	_ =	shalt  }
0x53: {  	_ =	shalt  }
0x54: {  	_ =	shalt  }
0x55: {  	_ =	shalt  }
0x56: {  	_ =	shalt  }
0x57: {  	_ =	shalt  }
0x58: {  	_ =	shalt  }
0x59: {  	_ =	shalt  }
0x5a: {  	_ =	shalt  }
0x5b: {  	_ =	shalt  }
0x5c: {  	_ =	shalt  }
0x5d: {  	_ =	shalt  }
0x5e: {  	_ =	shalt  }
0x5f: {  	_ =	shalt  }
0x60: {  	_ =	shalt  }
0x61: {  	_ =	shalt  }
0x62: {  	_ =	shalt  }
0x63: {  	_ =	shalt  }
0x64: {  	_ =	shalt  }
0x65: {  	_ =	shalt  }
0x66: {  	_ =	shalt  }
0x67: {  	_ =	shalt  }
0x68: {  	_ =	shalt  }
0x69: {  	_ =	shalt  }
0x6a: {  	_ =	shalt  }
0x6b: {  	_ =	shalt  }
0x6c: {  	_ =	shalt  }
0x6d: {  	_ =	shalt  }
0x6e: {  	_ =	shalt  }
0x6f: {  	_ =	shalt  }
0x70: {  	_ =	shalt  }
0x71: {  	_ =	shalt  }
0x72: {  	_ =	shalt  }
0x73: {  	_ =	shalt  }
0x74: {  	_ =	shalt  }
0x75: {  	_ =	shalt  }
0x76: {  	_ =	shalt  }
0x77: {  	_ =	shalt  }
0x78: {  	_ =	shalt  }
0x79: {  	_ =	shalt  }
0x7a: {  	_ =	shalt  }
0x7b: {  	_ =	shalt  }
0x7c: {  	_ =	shalt  }
0x7d: {  	_ =	shalt  }
0x7e: {  	_ =	shalt  }
0x7f: {  	_ =	shalt  }
0x80: {  	_ =	shalt  }
0x81: {  	_ =	shalt  }
0x82: {  	_ =	shalt  }
0x83: {  	_ =	shalt  }
0x84: {  	_ =	shalt  }
0x85: {  	_ =	shalt  }
0x86: {  	_ =	shalt  }
0x87: {  	_ =	shalt  }
.Lfunc_end0:
.L_simem_size_0:
called_computation.2_lowered:
.L_overlay_start_0:
0x88: {  	s2 =	sld [smem:$0x3FD9]  }
0x89: {  	s3 =	sld [smem:$0x3FFE];
	_ =	sdelay $0x1  }
0x8a: {  	s1 =	srdreg.scid  }
0x8b: {  	s0 =	sand.u32 $0x1, s1  }
0x8c: {  	s16 =	sshll.u32 s0, $0xA;
	s2 =	sadd.s32 s3, s2  }
0x8d: {  	s2 =	sadd.s32 s2, s16  }
0x8e: {  	[smem:$0x3FBA] =	sst s2  }
0x8f: {  	_ = 	snop  }
0x90: {  	(tm) =	ssettm $0x1  }
0x91: {  	s17 =	sld [smem:$0x3FFB];
	_ =	sdelay $0x3  }
0x92: {  	_ =	strace s17  }
0x93: {  	s2 =	sld [smem:$0x3FFC];
	_ =	sdelay $0x3  }
0x94: {  	_ =	strace s2  }
0x95: {  	s2 =	sld [smem:$0x3FFD];
	_ =	sdelay $0x3  }
0x96: {  	_ =	strace s2  }
0x97: {  	_ =	strace $0x8FFFFFFF  }
0x98: {  	s18 =	sld [smem:$0x3FDB];
	_ =	sdelay $0x1  }
0x99: {  	s19 =	simm.s32 $_scs_section_size  }
0x9a: {  	s4 =	simm.s32 $_size__tile_overlayer_lowered;
	s5 =	simm.s32 $_tile_overlayer_lowered  }
0x9b: {  	s22 =	simm.s32 $0x1BFF;
	s21 =	sshll.u32 s5, $0x1;
	s2 =	sadd.s32 s19, s18  }
0x9c: {  	s6 =	simm.s32 $0x0;
	s20 =	sshll.u32 s4, $0x1;
	s4 =	sadd.s32 s21, s2  }
0x9d: {  	[timem:s6], [sflag:s22] =	dma.local [hbm:s4], s20  }
0x9e: {  	_ =	swait.ge [sflag:s22], s20  }
0x9f: {  	s3 =	ssub.s32 $0x0, s20;
	[sflag:s22] =	ssyncset.done $0x0  }
0xa0: {  	[sflag:s22] =	ssyncadd.s32 s3;
	_ =	sdelay $0x1  }
0xa1: {  	s23 =	simm.s32 $0x1B8B  }
0xa2: {  	_ =	swait.ge [sflag:s23], $0x1  }
0xa3: {  	[sflag:s23] =	ssyncset.done $0x0  }
0xa4: {  	s25 =	simm.s32 $0x1B8E;
	s24 =	sld [smem:$0x3FFE];
	[sflag:s23] =	ssyncadd.s32 $0xFFFFFFFF  }
0xa5: {  	s26 =	simm.s32 $execute0_lowered;
	[smem:$0x3FD2] =	sst s25  }
0xa6: {  	s4 =	sshll.u32 s26, $0x1;
	_ =	strace $0x8000004C;
	[dreg:$0x1] =	wrdreg $0xFFFFFFFF  }
0xa7: {  	s28 =	simm.s32 $_size_execute0_lowered;
	s2 =	sadd.s32 s2, s4;
	[dreg:$0x0] =	wrdreg $0x0  }
0xa8: {  	s4 =	sshll.u32 s28, $0x1;
	[dreg:$0x2] =	wrdreg s2  }
0xa9: {  	[dreg:$0x3] =	wrdreg s4  }
0xaa: {  	[dreg:$0x4] =	wrdreg $0xC0  }
0xab: {  	_ =	task [dreg:s6], $0x5FFFF  }
0xac: {  	[dreg:$0x1] =	wrdreg $0xFFFFFFFF  }
0xad: {  	[dreg:$0x0] =	wrdreg $0x60  }
0xae: {  	[dreg:$0x2] =	wrdreg s24  }
0xaf: {  	[dreg:$0x3] =	wrdreg $0x0  }
0xb0: {  	[dreg:$0x4] =	wrdreg $0x9  }
0xb1: {  	_ =	task.clear_ibuf [dreg:s6], $0x5FFFF;
	_ =	strace $0x9000004C  }
0xb2: {  	s29 =	simm.s32 $0x9;
	_ =	strace $0x8000004E  }
0xb3: {  	_ =	swait.ge [sflag:s29], $0x1  }
0xb4: {  	[sflag:s29] =	ssyncadd.s32 $0xFFFFFFFF  }
0xb5: {  	_ =	strace $0x9000004E  }
0xb6: {  	_ =	sfence  }
0xb7: {  	s30 =	sld [smem:$0x0];
	_ =	sdelay $0x2  }
0xb8: {  	s31 =	sshll.u32 s1, $0xD;
	s1 =	sshrl.u32 s1, $0x2  }
0xb9: {  	s3 =	sand.u32 $0x4000, s31;
	s1 =	sadd.s32 s1, s30  }
0xba: {  	s0 =	sor.u32 s3, s0;
	s1 =	sshll.u32 s1, $0x11  }
0xbb: {  	s0 =	sor.u32 s1, s0  }
0xbc: {  	s0 =	sadd.s32 $0x8F2B, s0  }
0xbd: {  	[sflag:s0] =	ssyncadd.remote.s32 $0x1  }
0xbe: {  	_ =	sfence.sel $0xFFFF  }
0xbf: {  	[dreg:$0x0] =	wrdreg $0xFFFFFFFF;
	(pc) =	sbr.abs _section_cstart, $3  }
0xc0: {  	[dreg:$0x1] =	wrdreg $0xFFFFFFFF  }
0xc1: {  	_ =	task.clear_ibuf [dreg:s6], $0x2FFFF;
	_ =	strace $0x9FFFFFFF  }
0xc2: {  	(tm) =	ssettm $0x7FFFFFFF  }
0xc3: {  	_ =	shalt  }
tec
execute0_lowered:
.L_overlay_start_1:
0x0: {  	(tag) =	ssettag $0x1  }
0x1: {  	s0 =	rddreg [dreg:$0x0]  }
0x2: {  	s1 =	rddreg [dreg:$0x1];
	s2 =	srdreg.scid;
	s3 =	simm.s32 $0x0  }
0x3: {  	s10 =	stileid.u32;
	s16 =	simm.s32 $0x14200;
	s17 =	simm.s32 $0x7  }
0x4: {  	s18 =	simm.s32 $0x14000;
	s19 =	simm.s32 $0x14100;
	s28 =	simm.s32 $0x4  }
0x5: {  	s29 =	simm.s32 $0x14180;
	s30 =	simm.s32 $0x6;
	s6 =	smul.u32 $0x14000, s10  }
0x6: {  	s31 =	simm.s32 $0x0;
	s2 =	sand.u32 $0x1, s2;
	s8 =	smul.u32 $0x50000, s10  }
0x7: {  	[smem:$0x7FF] =	sst s3;
	s15 =	sadd.s32 $0x17800, s0;
	s11 =	smul.u32 $0x5000, s10  }
0x8: {  	s4 =	sadd.s32 $0x2B800, s0;
	s5 =	smul.u32 $0x140000, s2;
	_ =	strace $0x8000004D  }
0x9: {  	s7 =	sshll.u32 s2, $0x4;
	s21 =	ssub.s32 $0x2, s2;
	s2 =	smul.u32 $0x50000, s2  }
0xa: {  	s20 =	sor.u32 s10, s7;
	s22 =	sshrl.u32 s21, $0x1;
	s24 =	sshrl.u32 s8, $0x2  }
0xb: {  	s5 =	sadd.s32 s6, s5;
	s6 =	smul.u32 $0x5000, s20;
	s9 =	ssub.s32 s21, s22  }
0xc: {  	s26 =	sadd.s32 s11, s2;
	s20 =	simm.s32 $0x1;
	s21 =	simm.s32 $0x80  }
0xd: {  	s22 =	simm.s32 $0x2;
	s5 =	sshrl.u32 s5, $0x3;
	s9 =	smax.u32 s9, $0x1  }
0xe: {  	s2 =	sor.u32 $0x300, s26;
	s0 =	sadd.s32 s5, s0;
	s23 =	sshrl.u32 s6, $0x3  }
0xf: {  	s6 =	sadd.s32 s24, s1;
	s2 =	sshrl.u32 s2, $0x3;
	s24 =	simm.s32 $0x3  }
0x10: {  	s5 =	sadd.s32 s15, s23;
	s8 =	sadd.s32 $0x52A00, s0;
	s10 =	sadd.s32 $0x4000, s6  }
0x11: {  	s11 =	sadd.s32 $0x8000, s6;
	s0 =	sor.u32 $0x200, s26;
	s12 =	sadd.s32 $0xC000, s6  }
0x12: {  	s13 =	sadd.s32 $0x10000, s6;
	s14 =	sadd.s32 s2, s15;
	s23 =	simm.s32 $0x18200  }
0x13: {  	s26 =	simm.s32 $0x5;
	s25 =	sadd.s32 $0x20, s5;
	s0 =	sshrl.u32 s0, $0x3  }
0x14: {  	v0 =	vimm.f32 $0.0e+00;
	[dreg:$0x3] =	wrdreg s25;
	s15 =	sadd.s32 s0, s15;
	s25 =	simm.s32 $0x14080  }
.LBB2_1:
0x15: {  	s0 =	simm.s32 $0x0;
	s2 =	simm.s32 $0x200  }
.LBB2_2:
0x16: {  	p0 =	sne.s32 s2, $0xFE00;
	[tilespmem:s0+$0x14270] =	vst v0  }
0x17: {  	[tilespmem:s0+$0x14200] =	vst v0  }
0x18: {  	[tilespmem:s0+$0x14210] =	vst v0  }
.Ltmp0:
0x19: {  	[tilespmem:s0+$0x14220] =	vst v0;
	(pc) =	sbr.rel @p0 .LBB2_2-.Ltmp0, $4  }
0x1a: {  	[tilespmem:s0+$0x14230] =	vst v0  }
0x1b: {  	[tilespmem:s0+$0x14240] =	vst v0  }
0x1c: {  	[tilespmem:s0+$0x14250] =	vst v0  }
0x1d: {  	[tilespmem:s0+$0x14260] =	vst v0;
	s0 =	sshra.s32 s2, $0x2;
	s2 =	sadd.s32 $0x200, s2  }
0x1e: {  	[tilespmem:s0+$0x14270] =	vst v0  }
0x1f: {  	[tilespmem:s0+$0x14200] =	vst v0  }
0x20: {  	[tilespmem:s0+$0x14210] =	vst v0  }
0x21: {  	[tilespmem:s0+$0x14220] =	vst v0  }
0x22: {  	[tilespmem:s0+$0x14230] =	vst v0  }
0x23: {  	[tilespmem:s0+$0x14240] =	vst v0  }
0x24: {  	[tilespmem:s0+$0x14250] =	vst v0  }
0x25: {  	[tilespmem:s0+$0x14260] =	vst v0  }
0x26: {  	[spmem:s6] =	stream.linear.scatter [tilespmem:s16], [sflag:$0x7], $0x4000, $0x38;
	[tilespmem:$0x1C200] =	vst v63  }
0x27: {  	_ =	swait.ge [sflag:s17], $0x4000  }
0x28: {  	[sflag:s17] =	ssyncset.done $0x0  }
0x29: {  	[sflag:s17] =	ssyncadd.s32 $0xFFFFC000  }
0x2a: {  	[spmem:s10] =	stream.linear.scatter [tilespmem:s16], [sflag:$0x7], $0x4000, $0x38;
	[tilespmem:$0x1C200] =	vst v63  }
0x2b: {  	_ =	swait.ge [sflag:s17], $0x4000  }
0x2c: {  	[sflag:s17] =	ssyncset.done $0x0  }
0x2d: {  	[sflag:s17] =	ssyncadd.s32 $0xFFFFC000  }
0x2e: {  	[spmem:s11] =	stream.linear.scatter [tilespmem:s16], [sflag:$0x7], $0x4000, $0x38;
	[tilespmem:$0x1C200] =	vst v63  }
0x2f: {  	_ =	swait.ge [sflag:s17], $0x4000  }
0x30: {  	[sflag:s17] =	ssyncset.done $0x0  }
0x31: {  	[sflag:s17] =	ssyncadd.s32 $0xFFFFC000  }
0x32: {  	[spmem:s12] =	stream.linear.scatter [tilespmem:s16], [sflag:$0x7], $0x4000, $0x38;
	[tilespmem:$0x1C200] =	vst v63  }
0x33: {  	_ =	swait.ge [sflag:s17], $0x4000  }
0x34: {  	[sflag:s17] =	ssyncset.done $0x0  }
0x35: {  	[sflag:s17] =	ssyncadd.s32 $0xFFFFC000  }
0x36: {  	[spmem:s13] =	stream.linear.scatter [tilespmem:s16], [sflag:$0x7], $0x4000, $0x38;
	[tilespmem:$0x1C200] =	vst v63  }
0x37: {  	_ =	swait.ge [sflag:s17], $0x4000  }
0x38: {  	[sflag:s17] =	ssyncset.done $0x0  }
0x39: {  	[sflag:s17] =	ssyncadd.s32 $0xFFFFC000  }
0x3a: {  	s7 =	simm.s32 $0x0;
	[bflag:$0x0] =	sbarrier.arrive $0xFFFF  }
0x3b: {  	[tilespmem:s18], [sflag:$0x1] =	stream.linear.gather [hbm4b:s5+s7], $0x100, $0x38;
	[tilespmem:$0x1C200] =	vst v63  }
0x3c: {  	s2 =	rddreg [dreg:$0x3]  }
0x3d: {  	[tilespmem:s19], [sflag:$0x2] =	stream.linear.gather [hbm4b:s2+s7], $0x100, $0x38;
	[tilespmem:$0x1C200] =	vst v63  }
0x3e: {  	_ =	swait.ge [sflag:s20], $0x100  }
0x3f: {  	[sflag:s20] =	ssyncset.done $0x0  }
0x40: {  	[sflag:s20] =	ssyncadd.s32 $0xFFFFFF00  }
0x41: {  	[tilespmem:s16], [sflag:$0x3] =	stream.indirect.gather [hbm4b:s4+s21], $0x80, s18, s21, $0xb8;
	[tilespmem:$0x1C200] =	vst v63  }
0x42: {  	_ =	swait.ge [sflag:s22], $0x100  }
0x43: {  	[sflag:s22] =	ssyncset.done $0x0  }
0x44: {  	[sflag:s22] =	ssyncadd.s32 $0xFFFFFF00  }
0x45: {  	[tilespmem:s23], [sflag:$0x4] =	stream.indirect.gather [hbm4b:s4+s21], $0x80, s19, s21, $0xb8;
	[tilespmem:$0x1C200] =	vst v63  }
0x46: {  	_ =	swait.ge [sflag:s24], $0x4000  }
0x47: {  	[sflag:s24] =	ssyncset.done $0x0  }
0x48: {  	[sflag:s24] =	ssyncadd.s32 $0xFFFFC000  }
0x49: {  	[spmem:s1] =	stream.indirect.scatter.add.f32 [tilespmem:s16], [sflag:$0x5], $0x80, s25, s21, $0xb8;
	[tilespmem:$0x1C200] =	vst v63  }
0x4a: {  	_ =	swait.ge [sflag:s26], $0x4000  }
0x4b: {  	[sflag:s26] =	ssyncset.done $0x0  }
0x4c: {  	s2 =	sadd.s32 $0x0, s15;
	[sflag:s26] =	ssyncadd.s32 $0xFFFFC000  }
0x4d: {  	[tilespmem:s18], [sflag:$0x1] =	stream.linear.gather [hbm4b:s2+s3], $0x100, $0x38;
	[tilespmem:$0x1C200] =	vst v63  }
0x4e: {  	_ =	swait.ge [sflag:s20], $0x100  }
0x4f: {  	[sflag:s20] =	ssyncset.done $0x0  }
0x50: {  	[sflag:s20] =	ssyncadd.s32 $0xFFFFFF00  }
0x51: {  	[tilespmem:s16], [sflag:$0x3] =	stream.indirect.gather [hbm4b:s4+s21], $0x80, s18, s21, $0xb8;
	[tilespmem:$0x1C200] =	vst v63  }
0x52: {  	_ =	swait.ge [sflag:s28], $0x4000  }
0x53: {  	[sflag:s28] =	ssyncset.done $0x0  }
0x54: {  	[sflag:s28] =	ssyncadd.s32 $0xFFFFC000  }
0x55: {  	[spmem:s1] =	stream.indirect.scatter.add.f32 [tilespmem:s23], [sflag:$0x6], $0x80, s29, s21, $0xb8;
	[tilespmem:$0x1C200] =	vst v63  }
0x56: {  	_ =	swait.ge [sflag:s30], $0x4000  }
0x57: {  	[sflag:s30] =	ssyncset.done $0x0  }
0x58: {  	s7 =	sadd.s32 $0x0, s14;
	[sflag:s30] =	ssyncadd.s32 $0xFFFFC000  }
0x59: {  	[tilespmem:s19], [sflag:$0x2] =	stream.linear.gather [hbm4b:s7+s3], $0x100, $0x38;
	[tilespmem:$0x1C200] =	vst v63  }
0x5a: {  	_ =	swait.ge [sflag:s22], $0x100  }
0x5b: {  	[sflag:s22] =	ssyncset.done $0x0  }
0x5c: {  	s0 =	simm.s32 $0x40;
	[sflag:s22] =	ssyncadd.s32 $0xFFFFFF00  }
.LBB2_4:
0x5d: {  	[tilespmem:s23], [sflag:$0x4] =	stream.indirect.gather [hbm4b:s4+s21], $0x80, s19, s21, $0xb8;
	[tilespmem:$0x1C200] =	vst v63  }
0x5e: {  	s2 =	smov.u32 s0  }
0x5f: {  	p0 =	sne.s32 s0, $0x980;
	s0 =	sadd.s32 $0x40, s0;
	_ =	swait.ge [sflag:s24], $0x4000  }
0x60: {  	[sflag:s24] =	ssyncset.done $0x0  }
0x61: {  	[sflag:s24] =	ssyncadd.s32 $0xFFFFC000  }
0x62: {  	[spmem:s1] =	stream.indirect.scatter.add.f32 [tilespmem:s16], [sflag:$0x5], $0x80, s25, s21, $0xb8;
	[tilespmem:$0x1C200] =	vst v63  }
0x63: {  	_ =	swait.ge [sflag:s26], $0x4000  }
0x64: {  	[sflag:s26] =	ssyncset.done $0x0  }
0x65: {  	s7 =	sadd.s32 s2, s15;
	[sflag:s26] =	ssyncadd.s32 $0xFFFFC000  }
0x66: {  	[tilespmem:s18], [sflag:$0x1] =	stream.linear.gather [hbm4b:s7+s3], $0x100, $0x38;
	[tilespmem:$0x1C200] =	vst v63  }
0x67: {  	_ =	swait.ge [sflag:s20], $0x100  }
0x68: {  	[sflag:s20] =	ssyncset.done $0x0  }
0x69: {  	[sflag:s20] =	ssyncadd.s32 $0xFFFFFF00  }
0x6a: {  	[tilespmem:s16], [sflag:$0x3] =	stream.indirect.gather [hbm4b:s4+s21], $0x80, s18, s21, $0xb8;
	[tilespmem:$0x1C200] =	vst v63  }
0x6b: {  	_ =	swait.ge [sflag:s28], $0x4000  }
0x6c: {  	[sflag:s28] =	ssyncset.done $0x0  }
0x6d: {  	[sflag:s28] =	ssyncadd.s32 $0xFFFFC000  }
0x6e: {  	[spmem:s1] =	stream.indirect.scatter.add.f32 [tilespmem:s23], [sflag:$0x6], $0x80, s29, s21, $0xb8;
	[tilespmem:$0x1C200] =	vst v63  }
0x6f: {  	_ =	swait.ge [sflag:s30], $0x4000  }
0x70: {  	[sflag:s30] =	ssyncset.done $0x0  }
.Ltmp1:
0x71: {  	s2 =	sadd.s32 s2, s14;
	[sflag:s30] =	ssyncadd.s32 $0xFFFFC000;
	(pc) =	sbr.rel @p0 .LBB2_4-.Ltmp1, $4  }
0x72: {  	[tilespmem:s19], [sflag:$0x2] =	stream.linear.gather [hbm4b:s2+s3], $0x100, $0x38;
	[tilespmem:$0x1C200] =	vst v63  }
0x73: {  	_ =	swait.ge [sflag:s22], $0x100  }
0x74: {  	[sflag:s22] =	ssyncset.done $0x0  }
0x75: {  	[sflag:s22] =	ssyncadd.s32 $0xFFFFFF00  }
0x76: {  	[tilespmem:s23], [sflag:$0x4] =	stream.indirect.gather [hbm4b:s4+s21], $0x80, s19, s21, $0xb8;
	[tilespmem:$0x1C200] =	vst v63  }
0x77: {  	_ =	swait.ge [sflag:s24], $0x4000  }
0x78: {  	[sflag:s24] =	ssyncset.done $0x0  }
0x79: {  	[sflag:s24] =	ssyncadd.s32 $0xFFFFC000  }
0x7a: {  	[spmem:s1] =	stream.indirect.scatter.add.f32 [tilespmem:s16], [sflag:$0x5], $0x80, s25, s21, $0xb8;
	[tilespmem:$0x1C200] =	vst v63  }
0x7b: {  	_ =	swait.ge [sflag:s26], $0x4000  }
0x7c: {  	[sflag:s26] =	ssyncset.done $0x0  }
0x7d: {  	[sflag:s26] =	ssyncadd.s32 $0xFFFFC000  }
0x7e: {  	_ =	swait.ge [sflag:s28], $0x4000  }
0x7f: {  	[sflag:s28] =	ssyncset.done $0x0  }
0x80: {  	[sflag:s28] =	ssyncadd.s32 $0xFFFFC000  }
0x81: {  	[spmem:s1] =	stream.indirect.scatter.add.f32 [tilespmem:s23], [sflag:$0x6], $0x80, s29, s21, $0xb8;
	[tilespmem:$0x1C200] =	vst v63  }
0x82: {  	s0 =	stileid.u32;
	_ =	swait.ge [sflag:s30], $0x4000  }
0x83: {  	s2 =	sshrl.u32 s6, $0x3;
	s31 =	sadd.s32 $0x1, s31;
	[sflag:s30] =	ssyncset.done $0x0  }
0x84: {  	s0 =	sshll.u32 s0, $0x6;
	p0 =	sne.s32 s31, s9;
	[sflag:s30] =	ssyncadd.s32 $0xFFFFC000  }
.Ltmp2:
0x85: {  	s0 =	sor.u32 $0x1C07, s0;
	[bflag:$0x0] =	sbarrier.arrive $0xFFFF;
	(pc) =	sbr.rel @p0 .LBB2_1-.Ltmp2, $4  }
0x86: {  	[hbm:s8], [sflag:s0] =	dma.local [spmem:s2], $0x2800  }
0x87: {  	_ =	swait.ge [sflag:s17], $0x2800  }
0x88: {  	[sflag:s17] =	ssyncset.done $0x0  }
0x89: {  	[sflag:s17] =	ssyncadd.s32 $0xFFFFD800  }
0x8a: {  	_ =	sfence.sel $0x180000  }
0x8b: {  	[bflag:$0x0] =	sbarrier.arrive $0xFFFF  }
0x8c: {  	_ =	strace $0x9000004D  }
0x8d: {  	s0 =	stileid.u32;
	[bflag:$0x2] =	sbarrier.arrive $0xFFFF  }
0x8e: {  	p0 =	sne.s32 s0, $0x0;
	s0 =	rddreg [dreg:$0x2]  }
0x8f: {  	s0 =	sadd.s32 @!p0 $0x100000, s0  }
0x90: {  	[sflag:s0] =	ssyncadd.tile.s32 @!p0 $0x1;
	_ =	shalt  }
.Lfunc_end2:
_tile_overlayer_lowered:
.L_overlay_start_2:
0x91: {  	(tag) =	ssettag $0x2  }
0x92: {  	s0 =	rddreg [dreg:$0x0];
	s2 =	stileid.u32  }
0x93: {  	s1 =	rddreg [dreg:$0x1];
	p0 =	sne.s32 s2, $0x0  }
0x94: {  	s3 =	rddreg [dreg:$0x2];
	[bflag:$0x3] =	sbarrier.arrive $0xFFFF;
	s2 =	simm.s32 @!p0 $0x1C07  }
0x95: {  	[timem:s3], [sflag:s2] =	dma.local @!p0 [hbm:s0], s1  }
0x96: {  	s0 =	simm.s32 @!p0 $0x7  }
0x97: {  	_ =	swait.ge @!p0 [sflag:s0], s1  }
0x98: {  	s1 =	ssub.s32 @!p0 $0x0, s1;
	[sflag:s0] =	ssyncset.done @!p0 $0x0  }
0x99: {  	[sflag:s0] =	ssyncadd.s32 @!p0 s1  }
0x9a: {  	[bflag:$0x3] =	sbarrier.arrive $0xFFFF  }
0x9b: {  	_ =	shalt  }

// kernel: kernel.19.cloned.1.call-start
scs
__scs_entry_jumppad:
0x0: {  	(pc) =	sbr.rel $0x88, $3  }
0x1: {  	(tag) =	ssettag $0x0;
	lr =	simm.s32 $0x1  }
0x2: {  	[smem:$0x3F93] =	sst lr;
	_ =	strace $0xD0000000  }
0x3: {  	_ = 	snop  }
0x4: {  	_ = 	snop  }
0x5: {  	_ = 	snop  }
0x6: {  	_ = 	snop  }
0x7: {  	_ = 	snop  }
__scs_overlays_trampoline_lowered:
0x8: {  	[smem:$0x3FA2] =	sst s0  }
0x9: {  	[smem:$0x3FA3] =	sst s1  }
0xa: {  	[smem:$0x3FA4] =	sst s2  }
0xb: {  	[smem:$0x3FA5] =	sst s3  }
0xc: {  	[smem:$0x3FA6] =	sst s4  }
0xd: {  	[smem:$0x3FA7] =	sst s5  }
0xe: {  	[smem:$0x3FA8] =	sst s6  }
0xf: {  	[smem:$0x3FA9] =	sst s7  }
0x10: {  	[smem:$0x3FAA] =	sst s8  }
0x11: {  	[smem:$0x3FAB] =	sst s9;
	s0 =	simm.s32 @!p0 $0x0  }
0x12: {  	s1 =	sld [smem:$0x3F91];
	s0 =	simm.s32 @p0 $0x1  }
0x13: {  	[smem:$0x3FAC] =	sst s0;
	s0 =	simm.s32 @!p1 $0x0  }
0x14: {  	s2 =	sld [smem:$0x3F90];
	s0 =	simm.s32 @p1 $0x1  }
0x15: {  	[smem:$0x3FAD] =	sst s0;
	s0 =	simm.s32 @!p2 $0x0  }
0x16: {  	s3 =	sld [smem:$0x3FDB];
	s0 =	simm.s32 @p2 $0x1  }
0x17: {  	s4 =	simm.s32 $0x1BF5;
	[smem:$0x3FAF] =	sst s0  }
0x18: {  	s0 =	sld [smem:$0x3F92];
	_ =	swait.ge [sflag:s4], $0x0  }
0x19: {  	s7 =	sld [smem:$0x3F93]  }
0x1a: {  	s8 =	sadd.s32 $0xFFFFE003, lr  }
0x1b: {  	s9 =	sadd.s32 $0xFFFFFEF7, lr;
	s5 =	simm.s32 $0xFFFFFFFF;
	p2 =	slt.u32 s8, $0xFFFFF086  }
0x1c: {  	p1 =	slt.u32 s9, $0xF7A;
	s5 =	simm.s32 @!p2 $0x0  }
0x1d: {  	s5 =	simm.s32 @p1 $0x1;
	p0 =	seq.s32 s7, s2  }
0x1e: {  	s7 =	smul.u32 @!p0 $0xF7A, s2;
	p2 =	seq.s32 @!p0 s5, $0x0  }
0x1f: {  	s9 =	smul.u32 $0xF7A, s1;
	s8 =	simm.s32 @!p0 $0x1BF5;
	p2 =	por !p2, p0  }
0x20: {  	[sflag:s8] =	ssyncset.s32 @!p0 $0xFFFFF086;
	s6 =	sadd.s32 @!p0 s3, s7;
	s7 =	simm.s32 @!p0 $0x108  }
0x21: {  	s3 =	sadd.s32 s3, s9;
	s6 =	sadd.s32 @!p0 $0x88, s6;
	s7 =	simm.s32 @p2 $0x1082  }
0x22: {  	[simem:s7], [sflag:s8] =	dma.local @!p0 [hbm:s6], $0xF7A  }
0x23: {  	s9 =	sor.u32 $0xD0000000, s2;
	s6 =	simm.s32 $0x108;
	_ =	swait.ge @!p0 [sflag:s8], $0x0  }
0x24: {  	s3 =	sadd.s32 $0x88, s3;
	s6 =	simm.s32 @!p1 $0x1082;
	[sflag:s4] =	ssyncset.s32 $0xFFFFF086  }
0x25: {  	[simem:s6], [sflag:s4] =	dma.local [hbm:s3], $0xF7A  }
0x26: {  	[smem:$0x3F93] =	sst s1;
	(tag) =	ssettag s2;
	_ =	strace s9  }
0x27: {  	s1 =	sld [smem:$0x3FA3]  }
0x28: {  	s2 =	sld [smem:$0x3FA4]  }
0x29: {  	s4 =	sld [smem:$0x3FA6]  }
0x2a: {  	p0 =	seq.s32 s5, $0x0;
	s5 =	sld [smem:$0x3FA7]  }
0x2b: {  	s6 =	sld [smem:$0x3FA8]  }
0x2c: {  	s7 =	sld [smem:$0x3FA9]  }
0x2d: {  	s3 =	simm.s32 $0x108;
	s8 =	sld [smem:$0x3FAA]  }
0x2e: {  	s3 =	simm.s32 @!p0 $0x1082;
	s9 =	sld [smem:$0x3FAB]  }
0x2f: {  	lr =	sadd.s32 s0, s3;
	s0 =	sld [smem:$0x3FA2]  }
0x30: {  	s3 =	sld [smem:$0x3FA5]  }
0x31: {  	[smem:$0x3FAE] =	sst s10  }
0x32: {  	s10 =	sld [smem:$0x3FAC];
	_ =	sdelay $0x3  }
0x33: {  	p0 =	seq.s32 s10, $0x1;
	s10 =	sld [smem:$0x3FAE];
	_ =	sdelay $0x3  }
0x34: {  	[smem:$0x3FAE] =	sst s10  }
0x35: {  	s10 =	sld [smem:$0x3FAD];
	_ =	sdelay $0x3  }
0x36: {  	p1 =	seq.s32 s10, $0x1;
	s10 =	sld [smem:$0x3FAE];
	_ =	sdelay $0x3  }
0x37: {  	[smem:$0x3FAE] =	sst s10  }
0x38: {  	s10 =	sld [smem:$0x3FAF]  }
0x39: {  	_ = 	snop;
	(pc) =	sbr.ind lr, $3  }
0x3a: {  	_ = 	snop  }
0x3b: {  	_ = 	snop  }
0x3c: {  	p2 =	seq.s32 s10, $0x1;
	s10 =	sld [smem:$0x3FAE]  }
0x3d: {  	_ =	shalt  }
0x3e: {  	_ =	shalt  }
0x3f: {  	_ =	shalt  }
0x40: {  	_ =	shalt  }
0x41: {  	_ =	shalt  }
0x42: {  	_ =	shalt  }
0x43: {  	_ =	shalt  }
0x44: {  	_ =	shalt  }
0x45: {  	_ =	shalt  }
0x46: {  	_ =	shalt  }
0x47: {  	_ =	shalt  }
0x48: {  	_ =	shalt  }
0x49: {  	_ =	shalt  }
0x4a: {  	_ =	shalt  }
0x4b: {  	_ =	shalt  }
0x4c: {  	_ =	shalt  }
0x4d: {  	_ =	shalt  }
0x4e: {  	_ =	shalt  }
0x4f: {  	_ =	shalt  }
0x50: {  	_ =	shalt  }
0x51: {  	_ =	shalt  }
0x52: {  	_ =	shalt  }
0x53: {  	_ =	shalt  }
0x54: {  	_ =	shalt  }
0x55: {  	_ =	shalt  }
0x56: {  	_ =	shalt  }
0x57: {  	_ =	shalt  }
0x58: {  	_ =	shalt  }
0x59: {  	_ =	shalt  }
0x5a: {  	_ =	shalt  }
0x5b: {  	_ =	shalt  }
0x5c: {  	_ =	shalt  }
0x5d: {  	_ =	shalt  }
0x5e: {  	_ =	shalt  }
0x5f: {  	_ =	shalt  }
0x60: {  	_ =	shalt  }
0x61: {  	_ =	shalt  }
0x62: {  	_ =	shalt  }
0x63: {  	_ =	shalt  }
0x64: {  	_ =	shalt  }
0x65: {  	_ =	shalt  }
0x66: {  	_ =	shalt  }
0x67: {  	_ =	shalt  }
0x68: {  	_ =	shalt  }
0x69: {  	_ =	shalt  }
0x6a: {  	_ =	shalt  }
0x6b: {  	_ =	shalt  }
0x6c: {  	_ =	shalt  }
0x6d: {  	_ =	shalt  }
0x6e: {  	_ =	shalt  }
0x6f: {  	_ =	shalt  }
0x70: {  	_ =	shalt  }
0x71: {  	_ =	shalt  }
0x72: {  	_ =	shalt  }
0x73: {  	_ =	shalt  }
0x74: {  	_ =	shalt  }
0x75: {  	_ =	shalt  }
0x76: {  	_ =	shalt  }
0x77: {  	_ =	shalt  }
0x78: {  	_ =	shalt  }
0x79: {  	_ =	shalt  }
0x7a: {  	_ =	shalt  }
0x7b: {  	_ =	shalt  }
0x7c: {  	_ =	shalt  }
0x7d: {  	_ =	shalt  }
0x7e: {  	_ =	shalt  }
0x7f: {  	_ =	shalt  }
0x80: {  	_ =	shalt  }
0x81: {  	_ =	shalt  }
0x82: {  	_ =	shalt  }
0x83: {  	_ =	shalt  }
0x84: {  	_ =	shalt  }
0x85: {  	_ =	shalt  }
0x86: {  	_ =	shalt  }
0x87: {  	_ =	shalt  }
.Lfunc_end0:
.L_simem_size_0:
called_computation.3_lowered:
.L_overlay_start_0:
0x88: {  	s2 =	sld [smem:$0x3FD9]  }
0x89: {  	s3 =	sld [smem:$0x3FFE];
	_ =	sdelay $0x1  }
0x8a: {  	s1 =	srdreg.scid  }
0x8b: {  	s0 =	sand.u32 $0x1, s1  }
0x8c: {  	s16 =	sshll.u32 s0, $0xA;
	s2 =	sadd.s32 s3, s2  }
0x8d: {  	s2 =	sadd.s32 s2, s16  }
0x8e: {  	[smem:$0x3FBA] =	sst s2  }
0x8f: {  	_ = 	snop  }
0x90: {  	(tm) =	ssettm $0x1  }
0x91: {  	s17 =	sld [smem:$0x3FFB];
	_ =	sdelay $0x3  }
0x92: {  	_ =	strace s17  }
0x93: {  	s2 =	sld [smem:$0x3FFC];
	_ =	sdelay $0x3  }
0x94: {  	_ =	strace s2  }
0x95: {  	s2 =	sld [smem:$0x3FFD];
	_ =	sdelay $0x3  }
0x96: {  	_ =	strace s2  }
0x97: {  	_ =	strace $0x8FFFFFFF  }
0x98: {  	s18 =	sld [smem:$0x3FDB];
	_ =	sdelay $0x1  }
0x99: {  	s19 =	simm.s32 $_scs_section_size  }
0x9a: {  	s4 =	simm.s32 $_size__tile_overlayer_lowered;
	s5 =	simm.s32 $_tile_overlayer_lowered  }
0x9b: {  	s22 =	simm.s32 $0x1BFF;
	s21 =	sshll.u32 s5, $0x1;
	s2 =	sadd.s32 s19, s18  }
0x9c: {  	s6 =	simm.s32 $0x0;
	s20 =	sshll.u32 s4, $0x1;
	s4 =	sadd.s32 s21, s2  }
0x9d: {  	[timem:s6], [sflag:s22] =	dma.local [hbm:s4], s20  }
0x9e: {  	_ =	swait.ge [sflag:s22], s20  }
0x9f: {  	s3 =	ssub.s32 $0x0, s20;
	[sflag:s22] =	ssyncset.done $0x0  }
0xa0: {  	[sflag:s22] =	ssyncadd.s32 s3;
	_ =	sdelay $0x1  }
0xa1: {  	s23 =	simm.s32 $0x1B8B  }
0xa2: {  	_ =	swait.ge [sflag:s23], $0x1  }
0xa3: {  	[sflag:s23] =	ssyncset.done $0x0  }
0xa4: {  	s25 =	simm.s32 $0x1B8E;
	s24 =	sld [smem:$0x3FFE];
	[sflag:s23] =	ssyncadd.s32 $0xFFFFFFFF  }
0xa5: {  	s26 =	simm.s32 $execute0_lowered;
	[smem:$0x3FD2] =	sst s25  }
0xa6: {  	s4 =	sshll.u32 s26, $0x1;
	_ =	strace $0x8000004F;
	[dreg:$0x1] =	wrdreg $0xFFFFFFFF  }
0xa7: {  	s28 =	simm.s32 $_size_execute0_lowered;
	s2 =	sadd.s32 s2, s4;
	[dreg:$0x0] =	wrdreg $0x0  }
0xa8: {  	s4 =	sshll.u32 s28, $0x1;
	[dreg:$0x2] =	wrdreg s2  }
0xa9: {  	[dreg:$0x3] =	wrdreg s4  }
0xaa: {  	[dreg:$0x4] =	wrdreg $0xC0  }
0xab: {  	_ =	task [dreg:s6], $0x5FFFF  }
0xac: {  	[dreg:$0x1] =	wrdreg $0xFFFFFFFF  }
0xad: {  	[dreg:$0x0] =	wrdreg $0x60  }
0xae: {  	[dreg:$0x2] =	wrdreg s24  }
0xaf: {  	[dreg:$0x3] =	wrdreg $0x0  }
0xb0: {  	[dreg:$0x4] =	wrdreg $0x9  }
0xb1: {  	_ =	task.clear_ibuf [dreg:s6], $0x5FFFF;
	_ =	strace $0x9000004F  }
0xb2: {  	s29 =	simm.s32 $0x9;
	_ =	strace $0x80000051  }
0xb3: {  	_ =	swait.ge [sflag:s29], $0x1  }
0xb4: {  	[sflag:s29] =	ssyncadd.s32 $0xFFFFFFFF  }
0xb5: {  	_ =	strace $0x90000051  }
0xb6: {  	_ =	sfence  }
0xb7: {  	s30 =	sld [smem:$0x0];
	_ =	sdelay $0x2  }
0xb8: {  	s31 =	sshll.u32 s1, $0xD;
	s1 =	sshrl.u32 s1, $0x2  }
0xb9: {  	s3 =	sand.u32 $0x4000, s31;
	s1 =	sadd.s32 s1, s30  }
0xba: {  	s0 =	sor.u32 s3, s0;
	s1 =	sshll.u32 s1, $0x11  }
0xbb: {  	s0 =	sor.u32 s1, s0  }
0xbc: {  	s0 =	sadd.s32 $0x8F2B, s0  }
0xbd: {  	[sflag:s0] =	ssyncadd.remote.s32 $0x1  }
0xbe: {  	_ =	sfence.sel $0xFFFF  }
0xbf: {  	[dreg:$0x0] =	wrdreg $0xFFFFFFFF;
	(pc) =	sbr.abs _section_cstart, $3  }
0xc0: {  	[dreg:$0x1] =	wrdreg $0xFFFFFFFF  }
0xc1: {  	_ =	task.clear_ibuf [dreg:s6], $0x2FFFF;
	_ =	strace $0x9FFFFFFF  }
0xc2: {  	(tm) =	ssettm $0x7FFFFFFF  }
0xc3: {  	_ =	shalt  }
tec
execute0_lowered:
.L_overlay_start_1:
0x0: {  	(tag) =	ssettag $0x1  }
0x1: {  	s0 =	rddreg [dreg:$0x0]  }
0x2: {  	s1 =	rddreg [dreg:$0x1];
	s2 =	srdreg.scid;
	s3 =	simm.s32 $0x0  }
0x3: {  	s10 =	stileid.u32;
	s16 =	simm.s32 $0x14200;
	s17 =	simm.s32 $0x7  }
0x4: {  	s18 =	simm.s32 $0x14000;
	s19 =	simm.s32 $0x14100;
	s28 =	simm.s32 $0x4  }
0x5: {  	s29 =	simm.s32 $0x14180;
	s30 =	simm.s32 $0x6;
	s6 =	smul.u32 $0x14000, s10  }
0x6: {  	s31 =	simm.s32 $0x0;
	s2 =	sand.u32 $0x1, s2;
	s8 =	smul.u32 $0x50000, s10  }
0x7: {  	[smem:$0x7FF] =	sst s3;
	s15 =	sadd.s32 $0x17800, s0;
	s11 =	smul.u32 $0x5000, s10  }
0x8: {  	s4 =	sadd.s32 $0x2B800, s0;
	s5 =	smul.u32 $0x140000, s2;
	_ =	strace $0x80000050  }
0x9: {  	s7 =	sshll.u32 s2, $0x4;
	s21 =	ssub.s32 $0x2, s2;
	s2 =	smul.u32 $0x50000, s2  }
0xa: {  	s20 =	sor.u32 s10, s7;
	s22 =	sshrl.u32 s21, $0x1;
	s24 =	sshrl.u32 s8, $0x2  }
0xb: {  	s5 =	sadd.s32 s6, s5;
	s6 =	smul.u32 $0x5000, s20;
	s9 =	ssub.s32 s21, s22  }
0xc: {  	s26 =	sadd.s32 s11, s2;
	s20 =	simm.s32 $0x1;
	s21 =	simm.s32 $0x80  }
0xd: {  	s22 =	simm.s32 $0x2;
	s5 =	sshrl.u32 s5, $0x3;
	s9 =	smax.u32 s9, $0x1  }
0xe: {  	s2 =	sor.u32 $0x300, s26;
	s0 =	sadd.s32 s5, s0;
	s23 =	sshrl.u32 s6, $0x3  }
0xf: {  	s6 =	sadd.s32 s24, s1;
	s2 =	sshrl.u32 s2, $0x3;
	s24 =	simm.s32 $0x3  }
0x10: {  	s5 =	sadd.s32 s15, s23;
	s8 =	sadd.s32 $0x52A00, s0;
	s10 =	sadd.s32 $0x4000, s6  }
0x11: {  	s11 =	sadd.s32 $0x8000, s6;
	s0 =	sor.u32 $0x200, s26;
	s12 =	sadd.s32 $0xC000, s6  }
0x12: {  	s13 =	sadd.s32 $0x10000, s6;
	s14 =	sadd.s32 s2, s15;
	s23 =	simm.s32 $0x18200  }
0x13: {  	s26 =	simm.s32 $0x5;
	s25 =	sadd.s32 $0x20, s5;
	s0 =	sshrl.u32 s0, $0x3  }
0x14: {  	v0 =	vimm.f32 $0.0e+00;
	[dreg:$0x3] =	wrdreg s25;
	s15 =	sadd.s32 s0, s15;
	s25 =	simm.s32 $0x14080  }
.LBB2_1:
0x15: {  	s0 =	simm.s32 $0x0;
	s2 =	simm.s32 $0x200  }
.LBB2_2:
0x16: {  	p0 =	sne.s32 s2, $0xFE00;
	[tilespmem:s0+$0x14270] =	vst v0  }
0x17: {  	[tilespmem:s0+$0x14200] =	vst v0  }
0x18: {  	[tilespmem:s0+$0x14210] =	vst v0  }
.Ltmp0:
0x19: {  	[tilespmem:s0+$0x14220] =	vst v0;
	(pc) =	sbr.rel @p0 .LBB2_2-.Ltmp0, $4  }
0x1a: {  	[tilespmem:s0+$0x14230] =	vst v0  }
0x1b: {  	[tilespmem:s0+$0x14240] =	vst v0  }
0x1c: {  	[tilespmem:s0+$0x14250] =	vst v0  }
0x1d: {  	[tilespmem:s0+$0x14260] =	vst v0;
	s0 =	sshra.s32 s2, $0x2;
	s2 =	sadd.s32 $0x200, s2  }
0x1e: {  	[tilespmem:s0+$0x14270] =	vst v0  }
0x1f: {  	[tilespmem:s0+$0x14200] =	vst v0  }
0x20: {  	[tilespmem:s0+$0x14210] =	vst v0  }
0x21: {  	[tilespmem:s0+$0x14220] =	vst v0  }
0x22: {  	[tilespmem:s0+$0x14230] =	vst v0  }
0x23: {  	[tilespmem:s0+$0x14240] =	vst v0  }
0x24: {  	[tilespmem:s0+$0x14250] =	vst v0  }
0x25: {  	[tilespmem:s0+$0x14260] =	vst v0  }
0x26: {  	[spmem:s6] =	stream.linear.scatter [tilespmem:s16], [sflag:$0x7], $0x4000, $0x38;
	[tilespmem:$0x1C200] =	vst v63  }
0x27: {  	_ =	swait.ge [sflag:s17], $0x4000  }
0x28: {  	[sflag:s17] =	ssyncset.done $0x0  }
0x29: {  	[sflag:s17] =	ssyncadd.s32 $0xFFFFC000  }
0x2a: {  	[spmem:s10] =	stream.linear.scatter [tilespmem:s16], [sflag:$0x7], $0x4000, $0x38;
	[tilespmem:$0x1C200] =	vst v63  }
0x2b: {  	_ =	swait.ge [sflag:s17], $0x4000  }
0x2c: {  	[sflag:s17] =	ssyncset.done $0x0  }
0x2d: {  	[sflag:s17] =	ssyncadd.s32 $0xFFFFC000  }
0x2e: {  	[spmem:s11] =	stream.linear.scatter [tilespmem:s16], [sflag:$0x7], $0x4000, $0x38;
	[tilespmem:$0x1C200] =	vst v63  }
0x2f: {  	_ =	swait.ge [sflag:s17], $0x4000  }
0x30: {  	[sflag:s17] =	ssyncset.done $0x0  }
0x31: {  	[sflag:s17] =	ssyncadd.s32 $0xFFFFC000  }
0x32: {  	[spmem:s12] =	stream.linear.scatter [tilespmem:s16], [sflag:$0x7], $0x4000, $0x38;
	[tilespmem:$0x1C200] =	vst v63  }
0x33: {  	_ =	swait.ge [sflag:s17], $0x4000  }
0x34: {  	[sflag:s17] =	ssyncset.done $0x0  }
0x35: {  	[sflag:s17] =	ssyncadd.s32 $0xFFFFC000  }
0x36: {  	[spmem:s13] =	stream.linear.scatter [tilespmem:s16], [sflag:$0x7], $0x4000, $0x38;
	[tilespmem:$0x1C200] =	vst v63  }
0x37: {  	_ =	swait.ge [sflag:s17], $0x4000  }
0x38: {  	[sflag:s17] =	ssyncset.done $0x0  }
0x39: {  	[sflag:s17] =	ssyncadd.s32 $0xFFFFC000  }
0x3a: {  	s7 =	simm.s32 $0x0;
	[bflag:$0x0] =	sbarrier.arrive $0xFFFF  }
0x3b: {  	[tilespmem:s18], [sflag:$0x1] =	stream.linear.gather [hbm4b:s5+s7], $0x100, $0x38;
	[tilespmem:$0x1C200] =	vst v63  }
0x3c: {  	s2 =	rddreg [dreg:$0x3]  }
0x3d: {  	[tilespmem:s19], [sflag:$0x2] =	stream.linear.gather [hbm4b:s2+s7], $0x100, $0x38;
	[tilespmem:$0x1C200] =	vst v63  }
0x3e: {  	_ =	swait.ge [sflag:s20], $0x100  }
0x3f: {  	[sflag:s20] =	ssyncset.done $0x0  }
0x40: {  	[sflag:s20] =	ssyncadd.s32 $0xFFFFFF00  }
0x41: {  	[tilespmem:s16], [sflag:$0x3] =	stream.indirect.gather [hbm4b:s4+s21], $0x80, s18, s21, $0xb8;
	[tilespmem:$0x1C200] =	vst v63  }
0x42: {  	_ =	swait.ge [sflag:s22], $0x100  }
0x43: {  	[sflag:s22] =	ssyncset.done $0x0  }
0x44: {  	[sflag:s22] =	ssyncadd.s32 $0xFFFFFF00  }
0x45: {  	[tilespmem:s23], [sflag:$0x4] =	stream.indirect.gather [hbm4b:s4+s21], $0x80, s19, s21, $0xb8;
	[tilespmem:$0x1C200] =	vst v63  }
0x46: {  	_ =	swait.ge [sflag:s24], $0x4000  }
0x47: {  	[sflag:s24] =	ssyncset.done $0x0  }
0x48: {  	[sflag:s24] =	ssyncadd.s32 $0xFFFFC000  }
0x49: {  	[spmem:s1] =	stream.indirect.scatter.add.f32 [tilespmem:s16], [sflag:$0x5], $0x80, s25, s21, $0xb8;
	[tilespmem:$0x1C200] =	vst v63  }
0x4a: {  	_ =	swait.ge [sflag:s26], $0x4000  }
0x4b: {  	[sflag:s26] =	ssyncset.done $0x0  }
0x4c: {  	s2 =	sadd.s32 $0x0, s15;
	[sflag:s26] =	ssyncadd.s32 $0xFFFFC000  }
0x4d: {  	[tilespmem:s18], [sflag:$0x1] =	stream.linear.gather [hbm4b:s2+s3], $0x100, $0x38;
	[tilespmem:$0x1C200] =	vst v63  }
0x4e: {  	_ =	swait.ge [sflag:s20], $0x100  }
0x4f: {  	[sflag:s20] =	ssyncset.done $0x0  }
0x50: {  	[sflag:s20] =	ssyncadd.s32 $0xFFFFFF00  }
0x51: {  	[tilespmem:s16], [sflag:$0x3] =	stream.indirect.gather [hbm4b:s4+s21], $0x80, s18, s21, $0xb8;
	[tilespmem:$0x1C200] =	vst v63  }
0x52: {  	_ =	swait.ge [sflag:s28], $0x4000  }
0x53: {  	[sflag:s28] =	ssyncset.done $0x0  }
0x54: {  	[sflag:s28] =	ssyncadd.s32 $0xFFFFC000  }
0x55: {  	[spmem:s1] =	stream.indirect.scatter.add.f32 [tilespmem:s23], [sflag:$0x6], $0x80, s29, s21, $0xb8;
	[tilespmem:$0x1C200] =	vst v63  }
0x56: {  	_ =	swait.ge [sflag:s30], $0x4000  }
0x57: {  	[sflag:s30] =	ssyncset.done $0x0  }
0x58: {  	s7 =	sadd.s32 $0x0, s14;
	[sflag:s30] =	ssyncadd.s32 $0xFFFFC000  }
0x59: {  	[tilespmem:s19], [sflag:$0x2] =	stream.linear.gather [hbm4b:s7+s3], $0x100, $0x38;
	[tilespmem:$0x1C200] =	vst v63  }
0x5a: {  	_ =	swait.ge [sflag:s22], $0x100  }
0x5b: {  	[sflag:s22] =	ssyncset.done $0x0  }
0x5c: {  	s0 =	simm.s32 $0x40;
	[sflag:s22] =	ssyncadd.s32 $0xFFFFFF00  }
.LBB2_4:
0x5d: {  	[tilespmem:s23], [sflag:$0x4] =	stream.indirect.gather [hbm4b:s4+s21], $0x80, s19, s21, $0xb8;
	[tilespmem:$0x1C200] =	vst v63  }
0x5e: {  	s2 =	smov.u32 s0  }
0x5f: {  	p0 =	sne.s32 s0, $0x980;
	s0 =	sadd.s32 $0x40, s0;
	_ =	swait.ge [sflag:s24], $0x4000  }
0x60: {  	[sflag:s24] =	ssyncset.done $0x0  }
0x61: {  	[sflag:s24] =	ssyncadd.s32 $0xFFFFC000  }
0x62: {  	[spmem:s1] =	stream.indirect.scatter.add.f32 [tilespmem:s16], [sflag:$0x5], $0x80, s25, s21, $0xb8;
	[tilespmem:$0x1C200] =	vst v63  }
0x63: {  	_ =	swait.ge [sflag:s26], $0x4000  }
0x64: {  	[sflag:s26] =	ssyncset.done $0x0  }
0x65: {  	s7 =	sadd.s32 s2, s15;
	[sflag:s26] =	ssyncadd.s32 $0xFFFFC000  }
0x66: {  	[tilespmem:s18], [sflag:$0x1] =	stream.linear.gather [hbm4b:s7+s3], $0x100, $0x38;
	[tilespmem:$0x1C200] =	vst v63  }
0x67: {  	_ =	swait.ge [sflag:s20], $0x100  }
0x68: {  	[sflag:s20] =	ssyncset.done $0x0  }
0x69: {  	[sflag:s20] =	ssyncadd.s32 $0xFFFFFF00  }
0x6a: {  	[tilespmem:s16], [sflag:$0x3] =	stream.indirect.gather [hbm4b:s4+s21], $0x80, s18, s21, $0xb8;
	[tilespmem:$0x1C200] =	vst v63  }
0x6b: {  	_ =	swait.ge [sflag:s28], $0x4000  }
0x6c: {  	[sflag:s28] =	ssyncset.done $0x0  }
0x6d: {  	[sflag:s28] =	ssyncadd.s32 $0xFFFFC000  }
0x6e: {  	[spmem:s1] =	stream.indirect.scatter.add.f32 [tilespmem:s23], [sflag:$0x6], $0x80, s29, s21, $0xb8;
	[tilespmem:$0x1C200] =	vst v63  }
0x6f: {  	_ =	swait.ge [sflag:s30], $0x4000  }
0x70: {  	[sflag:s30] =	ssyncset.done $0x0  }
.Ltmp1:
0x71: {  	s2 =	sadd.s32 s2, s14;
	[sflag:s30] =	ssyncadd.s32 $0xFFFFC000;
	(pc) =	sbr.rel @p0 .LBB2_4-.Ltmp1, $4  }
0x72: {  	[tilespmem:s19], [sflag:$0x2] =	stream.linear.gather [hbm4b:s2+s3], $0x100, $0x38;
	[tilespmem:$0x1C200] =	vst v63  }
0x73: {  	_ =	swait.ge [sflag:s22], $0x100  }
0x74: {  	[sflag:s22] =	ssyncset.done $0x0  }
0x75: {  	[sflag:s22] =	ssyncadd.s32 $0xFFFFFF00  }
0x76: {  	[tilespmem:s23], [sflag:$0x4] =	stream.indirect.gather [hbm4b:s4+s21], $0x80, s19, s21, $0xb8;
	[tilespmem:$0x1C200] =	vst v63  }
0x77: {  	_ =	swait.ge [sflag:s24], $0x4000  }
0x78: {  	[sflag:s24] =	ssyncset.done $0x0  }
0x79: {  	[sflag:s24] =	ssyncadd.s32 $0xFFFFC000  }
0x7a: {  	[spmem:s1] =	stream.indirect.scatter.add.f32 [tilespmem:s16], [sflag:$0x5], $0x80, s25, s21, $0xb8;
	[tilespmem:$0x1C200] =	vst v63  }
0x7b: {  	_ =	swait.ge [sflag:s26], $0x4000  }
0x7c: {  	[sflag:s26] =	ssyncset.done $0x0  }
0x7d: {  	[sflag:s26] =	ssyncadd.s32 $0xFFFFC000  }
0x7e: {  	_ =	swait.ge [sflag:s28], $0x4000  }
0x7f: {  	[sflag:s28] =	ssyncset.done $0x0  }
0x80: {  	[sflag:s28] =	ssyncadd.s32 $0xFFFFC000  }
0x81: {  	[spmem:s1] =	stream.indirect.scatter.add.f32 [tilespmem:s23], [sflag:$0x6], $0x80, s29, s21, $0xb8;
	[tilespmem:$0x1C200] =	vst v63  }
0x82: {  	s0 =	stileid.u32;
	_ =	swait.ge [sflag:s30], $0x4000  }
0x83: {  	s2 =	sshrl.u32 s6, $0x3;
	s31 =	sadd.s32 $0x1, s31;
	[sflag:s30] =	ssyncset.done $0x0  }
0x84: {  	s0 =	sshll.u32 s0, $0x6;
	p0 =	sne.s32 s31, s9;
	[sflag:s30] =	ssyncadd.s32 $0xFFFFC000  }
.Ltmp2:
0x85: {  	s0 =	sor.u32 $0x1C07, s0;
	[bflag:$0x0] =	sbarrier.arrive $0xFFFF;
	(pc) =	sbr.rel @p0 .LBB2_1-.Ltmp2, $4  }
0x86: {  	[hbm:s8], [sflag:s0] =	dma.local [spmem:s2], $0x2800  }
0x87: {  	_ =	swait.ge [sflag:s17], $0x2800  }
0x88: {  	[sflag:s17] =	ssyncset.done $0x0  }
0x89: {  	[sflag:s17] =	ssyncadd.s32 $0xFFFFD800  }
0x8a: {  	_ =	sfence.sel $0x180000  }
0x8b: {  	[bflag:$0x0] =	sbarrier.arrive $0xFFFF  }
0x8c: {  	_ =	strace $0x90000050  }
0x8d: {  	s0 =	stileid.u32;
	[bflag:$0x2] =	sbarrier.arrive $0xFFFF  }
0x8e: {  	p0 =	sne.s32 s0, $0x0;
	s0 =	rddreg [dreg:$0x2]  }
0x8f: {  	s0 =	sadd.s32 @!p0 $0x100000, s0  }
0x90: {  	[sflag:s0] =	ssyncadd.tile.s32 @!p0 $0x1;
	_ =	shalt  }
.Lfunc_end2:
_tile_overlayer_lowered:
.L_overlay_start_2:
0x91: {  	(tag) =	ssettag $0x2  }
0x92: {  	s0 =	rddreg [dreg:$0x0];
	s2 =	stileid.u32  }
0x93: {  	s1 =	rddreg [dreg:$0x1];
	p0 =	sne.s32 s2, $0x0  }
0x94: {  	s3 =	rddreg [dreg:$0x2];
	[bflag:$0x3] =	sbarrier.arrive $0xFFFF;
	s2 =	simm.s32 @!p0 $0x1C07  }
0x95: {  	[timem:s3], [sflag:s2] =	dma.local @!p0 [hbm:s0], s1  }
0x96: {  	s0 =	simm.s32 @!p0 $0x7  }
0x97: {  	_ =	swait.ge @!p0 [sflag:s0], s1  }
0x98: {  	s1 =	ssub.s32 @!p0 $0x0, s1;
	[sflag:s0] =	ssyncset.done @!p0 $0x0  }
0x99: {  	[sflag:s0] =	ssyncadd.s32 @!p0 s1  }
0x9a: {  	[bflag:$0x3] =	sbarrier.arrive $0xFFFF  }
0x9b: {  	_ =	shalt  }

</sc_bundles>
